<compile_context>
chip_gen: v7x
topology: tpu7x:2x2x1
jax: 0.10.2.dev20260603
libtpu: 0.0.44.dev20260713+nightly
codegen_flags: <defaults>
</compile_context>

<pallas_src>
import functools

import jax
import jax.numpy as jnp
from jax import lax
from jax.experimental import pallas as pl
from jax.experimental.pallas import tpu as pltpu
from jax.experimental.pallas import tpu_sc as plsc

NC = 2
NS = 16
NW = NC * NS
CHUNK = 128
GB = 4
ROWBLK = 1024
DPAD = 16
WBC = 128


def _sc_agg_kernel(nr, da, nbatch):
    rows_per_tile = nr // NS
    nzc = rows_per_tile // WBC
    assert rows_per_tile % WBC == 0
    mesh = plsc.VectorSubcoreMesh(
        core_axis_name="c", subcore_axis_name="s", num_cores=NC, num_subcores=NS
    )
    scratch = [
        pltpu.VMEM((GB, CHUNK), jnp.int32),
        pltpu.VMEM((GB, CHUNK), jnp.int32),
        pltpu.VMEM((CHUNK, da), jnp.float32),
        pltpu.VMEM((WBC, da), jnp.float32),
        pltpu.VMEM_SHARED((nr, da), jnp.float32),
        pltpu.SemaphoreType.DMA,
        pltpu.SemaphoreType.DMA,
        pltpu.SemaphoreType.DMA,
        pltpu.SemaphoreType.DMA,
    ]

    def body(feats, src_hbm, dst_hbm, wb_hbm, zf_hbm,
             sum_out, src_b, dst_b, rows0, stage_v, sum_sh,
             sem0, sem1, sem2, sem3):
        c = lax.axis_index("c")
        s = lax.axis_index("s")
        wid = c * NS + s
        row0 = s * rows_per_tile
        out0 = c * nr + row0
        bufs = (rows0, stage_v)
        gsems = (sem0, sem1)
        ssems = (sem2, sem3)

        wbrow = src_b.at[0]
        pltpu.sync_copy(zf_hbm, stage_v)
        for k in range(nzc):
            pltpu.sync_copy(wb_hbm.at[pl.ds(row0 + k * WBC, WBC)], wbrow)
            pltpu.sync_copy(stage_v, sum_sh.at[wbrow])
        plsc.subcore_barrier()

        def batch_body(b, carry):
            pltpu.sync_copy(src_hbm.at[wid * nbatch + b], src_b)
            pltpu.sync_copy(dst_hbm.at[wid * nbatch + b], dst_b)
            g_descs = [None, None]
            s_descs = [None, None]
            g_descs[0] = pltpu.async_copy(feats.at[src_b.at[0]], bufs[0],
                                          gsems[0])
            for g in range(GB):
                cur = g % 2
                if g + 1 < GB:
                    nxt = 1 - cur
                    if g >= 1:
                        s_descs[nxt].wait()
                    g_descs[nxt] = pltpu.async_copy(
                        feats.at[src_b.at[g + 1]], bufs[nxt], gsems[nxt])
                g_descs[cur].wait()
                s_descs[cur] = pltpu.async_copy(
                    bufs[cur], sum_sh.at[dst_b.at[g]], ssems[cur], add=True)
            s_descs[(GB - 2) % 2].wait()
            s_descs[(GB - 1) % 2].wait()
            return carry

        lax.fori_loop(0, nbatch, batch_body, 0)
        plsc.subcore_barrier()

        for k in range(nzc):
            pltpu.sync_copy(wb_hbm.at[pl.ds(row0 + k * WBC, WBC)], wbrow)
            pltpu.async_copy(sum_sh.at[wbrow], stage_v, sem0).wait()
            pltpu.sync_copy(stage_v, sum_out.at[pl.ds(out0 + k * WBC, WBC)])

    return pl.kernel(
        body,
        out_type=jax.ShapeDtypeStruct((NC * nr, da), jnp.float32),
        mesh=mesh,
        scratch_types=scratch,
        compiler_params=pltpu.CompilerParams(use_tc_tiling_on_sc=False),
    )


def _tc_layer_kernel(relu, d, aug_out, p_ref, x_ref, wlt_ref, bl_ref,
                     wrt_ref, o_ref):
    psum = p_ref[0] + p_ref[1]
    summed = psum[:, :d]
    deg = psum[:, d:d + 1]
    mean = summed / jnp.maximum(deg, 1.0)
    h = (jnp.dot(mean, wlt_ref[...], preferred_element_type=jnp.float32)
         + bl_ref[...]
         + jnp.dot(x_ref[:, :d], wrt_ref[...],
                   preferred_element_type=jnp.float32))
    nrm = jnp.sqrt(jnp.sum(h * h, axis=1, keepdims=True))
    h = h / jnp.maximum(nrm, 1e-12)
    if relu:
        h = jnp.maximum(h, 0.0)
    if aug_out:
        h = jnp.concatenate(
            [h, jnp.ones((h.shape[0], DPAD), jnp.float32)], axis=1)
    o_ref[...] = h


def _tc_layer(relu, aug_out, nr, d, parts, x_aug, wlt, bl, wrt):
    nblk = nr // ROWBLK
    da = d + DPAD
    dout = da if aug_out else d
    return pl.pallas_call(
        functools.partial(_tc_layer_kernel, relu, d, aug_out),
        grid=(nblk,),
        in_specs=[
            pl.BlockSpec((NC, ROWBLK, da), lambda b: (0, b, 0)),
            pl.BlockSpec((ROWBLK, da), lambda b: (b, 0)),
            pl.BlockSpec((d, d), lambda b: (0, 0)),
            pl.BlockSpec((1, d), lambda b: (0, 0)),
            pl.BlockSpec((d, d), lambda b: (0, 0)),
        ],
        out_specs=pl.BlockSpec((ROWBLK, dout), lambda b: (b, 0)),
        out_shape=jax.ShapeDtypeStruct((nr, dout), jnp.float32),
    )(parts, x_aug, wlt, bl, wrt)


def kernel(x, edge_index, W1l, b1l, W1r, W2l, b2l, W2r):
    n, d = x.shape
    da = d + DPAD
    e = edge_index.shape[1]
    nr = ((n + ROWBLK - 1) // ROWBLK) * ROWBLK
    unit = NW * GB * CHUNK
    nbatch = -(-e // unit)
    ep = unit * nbatch

    src = edge_index[0].astype(jnp.int32)
    dst = edge_index[1].astype(jnp.int32)
    pad = ep - e
    pad_src = jnp.arange(pad, dtype=jnp.int32) % n
    pad_dst = n + jnp.arange(pad, dtype=jnp.int32) % (nr - n)
    src_p = jnp.concatenate([src, pad_src]).reshape(NW * nbatch, GB, CHUNK)
    dst_p = jnp.concatenate([dst, pad_dst]).reshape(NW * nbatch, GB, CHUNK)
    wb = jnp.arange(nr, dtype=jnp.int32)

    x_aug = jnp.zeros((nr, da), jnp.float32).at[:, d:].set(1.0)
    x_aug = x_aug.at[:n, :d].set(x)
    zf = jnp.zeros((WBC, da), jnp.float32)
    wl1t, wr1t = W1l.T, W1r.T
    wl2t, wr2t = W2l.T, W2r.T
    bl1 = b1l.reshape(1, d)
    bl2 = b2l.reshape(1, d)

    agg = _sc_agg_kernel(nr, da, nbatch)

    p1 = agg(x_aug, src_p, dst_p, wb, zf).reshape(NC, nr, da)
    h_aug = _tc_layer(True, True, nr, d, p1, x_aug, wl1t, bl1, wr1t)
    p2 = agg(h_aug, src_p, dst_p, wb, zf).reshape(NC, nr, da)
    out = _tc_layer(False, False, nr, d, p2, h_aug, wl2t, bl2, wr2t)
    return out[:n]

# --- scband reference (transcript-rebuilt; emitter-appended) ---
"""Pipeline reference for scband-distributed-graph-sage-82703890251957 (READ-ONLY COPY).

The authoritative reference and input builder live on the scoring server;
editing this copy changes nothing except your own understanding.
"""

import jax, jax.numpy as jnp
import numpy as np

N = 10000
E = 320000
D = 128


def _sage_conv(x, edge_index, Wl, bl, Wr):
    # PyG-style SAGEConv with mean aggregation:
    # out = lin_l(mean_{j in N(i)} x_j) + lin_r(x_i)
    src = edge_index[0]
    dst = edge_index[1]
    msg = jnp.take(x, src, axis=0)                       # gather [E, D]
    summed = jax.ops.segment_sum(msg, dst, num_segments=N)
    deg = jax.ops.segment_sum(jnp.ones((E,), dtype=x.dtype), dst, num_segments=N)
    mean = summed / jnp.maximum(deg, 1.0)[:, None]
    out = mean @ Wl.T + bl + x @ Wr.T
    # normalize=True -> F.normalize(out, p=2, dim=-1)
    norm = jnp.sqrt(jnp.sum(out * out, axis=-1, keepdims=True))
    return out / jnp.maximum(norm, 1e-12)


def setup_inputs(seed: int = 0) -> dict:
    key = jax.random.key(seed)
    ks = jax.random.split(key, 10)
    scale = 1.0 / np.sqrt(D)
    x = jax.random.normal(ks[0], (N, D), dtype=jnp.float32)
    edge_index = jax.random.randint(ks[1], (2, E), 0, N, dtype=jnp.int64)
    W1l = jax.random.normal(ks[2], (D, D), dtype=jnp.float32) * scale
    b1l = jnp.zeros((D,), dtype=jnp.float32)
    W1r = jax.random.normal(ks[3], (D, D), dtype=jnp.float32) * scale
    W2l = jax.random.normal(ks[4], (D, D), dtype=jnp.float32) * scale
    b2l = jnp.zeros((D,), dtype=jnp.float32)
    W2r = jax.random.normal(ks[5], (D, D), dtype=jnp.float32) * scale
    return {"x": x, "edge_index": edge_index, "W1l": W1l, "b1l": b1l, "W1r": W1r,
            "W2l": W2l, "b2l": b2l, "W2r": W2r}


def reference(x, edge_index, W1l, b1l, W1r, W2l, b2l, W2r):
    # layer 1: conv -> relu (dropout is identity in eval mode)
    h = _sage_conv(x, edge_index, W1l, b1l, W1r)
    h = jax.nn.relu(h)
    # layer 2 (final): conv only
    out = _sage_conv(h, edge_index, W2l, b2l, W2r)
    return out

if __name__ == "__main__":
    import jax
    _d = setup_inputs()
    print(jax.jit(kernel)(*tuple(_d.values())))

</pallas_src>

<mosaic_0001>
#map = affine_map<(d0, d1) -> (0, 0)>
#map1 = affine_map<(d0, d1) -> (0, 0, 0)>
#map2 = affine_map<(d0, d1) -> (0)>
module attributes {stable_mosaic.version = 14 : i64} {
  func.func @body(%arg0: i32, %arg1: i32, %arg2: memref<10240x144xf32, #tpu.memory_space<hbm>>, %arg3: memref<640x4x128xi32, #tpu.memory_space<hbm>>, %arg4: memref<640x4x128xi32, #tpu.memory_space<hbm>>, %arg5: memref<10240xi32, #tpu.memory_space<hbm>>, %arg6: memref<128x144xf32, #tpu.memory_space<hbm>>, %arg7: memref<20480x144xf32, #tpu.memory_space<hbm>>, %arg8: memref<4x128xi32, #tpu.memory_space<vmem>>, %arg9: memref<4x128xi32, #tpu.memory_space<vmem>>, %arg10: memref<128x144xf32, #tpu.memory_space<vmem>>, %arg11: memref<128x144xf32, #tpu.memory_space<vmem>>, %arg12: memref<10240x144xf32, #tpu.memory_space<vmem_shared>>, %arg13: memref<!tpu.dma_semaphore, #tpu.memory_space<semaphore_mem>>, %arg14: memref<!tpu.dma_semaphore, #tpu.memory_space<semaphore_mem>>, %arg15: memref<!tpu.dma_semaphore, #tpu.memory_space<semaphore_mem>>, %arg16: memref<!tpu.dma_semaphore, #tpu.memory_space<semaphore_mem>>) attributes {dimension_semantics = [#tpu.dimension_semantics<core_parallel>, #tpu.dimension_semantics<subcore_parallel>], iteration_bounds = array<i64: 2, 16>, scalar_prefetch = 0 : i64, scratch_operands = 9 : i64, tpu.core_type = #tpu.core_type<sc_vector_subcore>, window_params = [{transform_indices = #map}, {transform_indices = #map1}, {transform_indices = #map1}, {transform_indices = #map2}, {transform_indices = #map}, {transform_indices = #map}]} {
    %mul3A = arith.constant 16 : i32
    %mul3A_0 = arith.muli %arg0, %mul3A : i32
    %add3A = arith.addi %mul3A_0, %arg1 : i32
    %mul3A_1 = arith.constant 640 : i32
    %mul3A_2 = arith.muli %arg1, %mul3A_1 : i32
    %mul3A_3 = arith.constant 10240 : i32
    %mul3A_4 = arith.muli %arg0, %mul3A_3 : i32
    %add3A_5 = arith.addi %mul3A_4, %mul3A_2 : i32
    "tpu.region"() ({
      %run_scoped3A_124 = tpu.sem_alloc : memref<!tpu.dma_semaphore, #tpu.memory_space<semaphore_mem>>
      tpu.enqueue_dma source(%arg6 : memref<128x144xf32, #tpu.memory_space<hbm>>) target(%arg11 : memref<128x144xf32, #tpu.memory_space<vmem>>) target_semaphore(%run_scoped3A_124 : memref<!tpu.dma_semaphore, #tpu.memory_space<semaphore_mem>>)
      tpu.wait_dma2 semaphore(%run_scoped3A_124 : memref<!tpu.dma_semaphore, #tpu.memory_space<semaphore_mem>>) src(%arg6 : memref<128x144xf32, #tpu.memory_space<hbm>>) dst(%arg11 : memref<128x144xf32, #tpu.memory_space<vmem>>)
      tpu.yield
    }) : () -> ()
    %add3A_6 = arith.constant 0 : i32
    %add3A_7 = arith.addi %mul3A_2, %add3A_6 : i32
    %run_scoped3A = arith.constant 0 : i32
    "tpu.region"() ({
      %run_scoped3A_124 = tpu.sem_alloc : memref<!tpu.dma_semaphore, #tpu.memory_space<semaphore_mem>>
      %dma_start3A_125 = arith.constant 0 : i32
      %dma_start3A_126 = tpu.memref_slice %arg8[%run_scoped3A, %dma_start3A_125] : memref<4x128xi32, #tpu.memory_space<vmem>> -> memref<1x128xi32, #tpu.memory_space<vmem>>
      %dma_start3A_127 = tpu.memref_squeeze %dma_start3A_126 : memref<1x128xi32, #tpu.memory_space<vmem>> -> memref<128xi32, #tpu.memory_space<vmem>>
      %dma_start3A_128 = tpu.memref_slice %arg5[%add3A_7] : memref<10240xi32, #tpu.memory_space<hbm>> -> memref<128xi32, #tpu.memory_space<hbm>>
      %dma_start3A_129 = arith.constant 0 : i32
      %dma_start3A_130 = tpu.memref_slice %arg8[%run_scoped3A, %dma_start3A_129] : memref<4x128xi32, #tpu.memory_space<vmem>> -> memref<1x128xi32, #tpu.memory_space<vmem>>
      %dma_start3A_131 = tpu.memref_squeeze %dma_start3A_130 : memref<1x128xi32, #tpu.memory_space<vmem>> -> memref<128xi32, #tpu.memory_space<vmem>>
      %dma_start3A_132 = tpu.memref_slice %arg5[%add3A_7] : memref<10240xi32, #tpu.memory_space<hbm>> -> memref<128xi32, #tpu.memory_space<hbm>>
      tpu.enqueue_dma source(%dma_start3A_132 : memref<128xi32, #tpu.memory_space<hbm>>) target(%dma_start3A_131 : memref<128xi32, #tpu.memory_space<vmem>>) target_semaphore(%run_scoped3A_124 : memref<!tpu.dma_semaphore, #tpu.memory_space<semaphore_mem>>)
      %dma_wait3A_133 = arith.constant 0 : i32
      %dma_wait3A_134 = tpu.memref_slice %arg8[%run_scoped3A, %dma_wait3A_133] : memref<4x128xi32, #tpu.memory_space<vmem>> -> memref<1x128xi32, #tpu.memory_space<vmem>>
      %dma_wait3A_135 = tpu.memref_squeeze %dma_wait3A_134 : memref<1x128xi32, #tpu.memory_space<vmem>> -> memref<128xi32, #tpu.memory_space<vmem>>
      %dma_wait3A_136 = tpu.memref_slice %arg5[%add3A_7] : memref<10240xi32, #tpu.memory_space<hbm>> -> memref<128xi32, #tpu.memory_space<hbm>>
      %dma_wait3A_137 = arith.constant 0 : i32
      %dma_wait3A_138 = tpu.memref_slice %arg8[%run_scoped3A, %dma_wait3A_137] : memref<4x128xi32, #tpu.memory_space<vmem>> -> memref<1x128xi32, #tpu.memory_space<vmem>>
      %dma_wait3A_139 = tpu.memref_squeeze %dma_wait3A_138 : memref<1x128xi32, #tpu.memory_space<vmem>> -> memref<128xi32, #tpu.memory_space<vmem>>
      %dma_wait3A_140 = tpu.memref_slice %arg5[%add3A_7] : memref<10240xi32, #tpu.memory_space<hbm>> -> memref<128xi32, #tpu.memory_space<hbm>>
      tpu.wait_dma2 semaphore(%run_scoped3A_124 : memref<!tpu.dma_semaphore, #tpu.memory_space<semaphore_mem>>) src(%dma_wait3A_140 : memref<128xi32, #tpu.memory_space<hbm>>) dst(%dma_wait3A_139 : memref<128xi32, #tpu.memory_space<vmem>>)
      tpu.yield
    }) : () -> ()
    %run_scoped3A_8 = arith.constant 0 : i32
    "tpu.region"() ({
      %run_scoped3A_124 = tpu.sem_alloc : memref<!tpu.dma_semaphore, #tpu.memory_space<semaphore_mem>>
      %dma_start3A_125 = arith.constant 0 : i32
      %dma_start3A_126 = tpu.memref_slice %arg8[%run_scoped3A_8, %dma_start3A_125] : memref<4x128xi32, #tpu.memory_space<vmem>> -> memref<1x128xi32, #tpu.memory_space<vmem>>
      %dma_start3A_127 = tpu.memref_squeeze %dma_start3A_126 : memref<1x128xi32, #tpu.memory_space<vmem>> -> memref<128xi32, #tpu.memory_space<vmem>>
      %dma_start3A_128 = arith.constant 0 : i32
      %dma_start3A_129 = arith.constant 0 : i32
      %dma_start3A_130 = tpu.memref_slice %arg12[%dma_start3A_128, %dma_start3A_129] : memref<10240x144xf32, #tpu.memory_space<vmem_shared>> -> memref<10240x144xf32, #tpu.memory_space<vmem_shared>>
      tpu.enqueue_indirect_dma source(%arg11 : memref<128x144xf32, #tpu.memory_space<vmem>>) target(%dma_start3A_130 : memref<10240x144xf32, #tpu.memory_space<vmem_shared>>) offsets(%dma_start3A_127 : memref<128xi32, #tpu.memory_space<vmem>>) semaphore(%run_scoped3A_124 : memref<!tpu.dma_semaphore, #tpu.memory_space<semaphore_mem>>)
      %dma_wait3A_131 = arith.constant 0 : i32
      %dma_wait3A_132 = tpu.memref_slice %arg8[%run_scoped3A_8, %dma_wait3A_131] : memref<4x128xi32, #tpu.memory_space<vmem>> -> memref<1x128xi32, #tpu.memory_space<vmem>>
      %dma_wait3A_133 = tpu.memref_squeeze %dma_wait3A_132 : memref<1x128xi32, #tpu.memory_space<vmem>> -> memref<128xi32, #tpu.memory_space<vmem>>
      %dma_wait3A_134 = arith.constant 0 : i32
      %dma_wait3A_135 = arith.constant 0 : i32
      %dma_wait3A_136 = tpu.memref_slice %arg12[%dma_wait3A_134, %dma_wait3A_135] : memref<10240x144xf32, #tpu.memory_space<vmem_shared>> -> memref<10240x144xf32, #tpu.memory_space<vmem_shared>>
      tpu.wait_indirect_dma semaphore(%run_scoped3A_124 : memref<!tpu.dma_semaphore, #tpu.memory_space<semaphore_mem>>) src(%arg11 : memref<128x144xf32, #tpu.memory_space<vmem>>) dst(%dma_wait3A_136 : memref<10240x144xf32, #tpu.memory_space<vmem_shared>>)
      tpu.yield
    }) : () -> ()
    %add3A_9 = arith.constant 128 : i32
    %add3A_10 = arith.addi %mul3A_2, %add3A_9 : i32
    %run_scoped3A_11 = arith.constant 0 : i32
    "tpu.region"() ({
      %run_scoped3A_124 = tpu.sem_alloc : memref<!tpu.dma_semaphore, #tpu.memory_space<semaphore_mem>>
      %dma_start3A_125 = arith.constant 0 : i32
      %dma_start3A_126 = tpu.memref_slice %arg8[%run_scoped3A_11, %dma_start3A_125] : memref<4x128xi32, #tpu.memory_space<vmem>> -> memref<1x128xi32, #tpu.memory_space<vmem>>
      %dma_start3A_127 = tpu.memref_squeeze %dma_start3A_126 : memref<1x128xi32, #tpu.memory_space<vmem>> -> memref<128xi32, #tpu.memory_space<vmem>>
      %dma_start3A_128 = tpu.memref_slice %arg5[%add3A_10] : memref<10240xi32, #tpu.memory_space<hbm>> -> memref<128xi32, #tpu.memory_space<hbm>>
      %dma_start3A_129 = arith.constant 0 : i32
      %dma_start3A_130 = tpu.memref_slice %arg8[%run_scoped3A_11, %dma_start3A_129] : memref<4x128xi32, #tpu.memory_space<vmem>> -> memref<1x128xi32, #tpu.memory_space<vmem>>
      %dma_start3A_131 = tpu.memref_squeeze %dma_start3A_130 : memref<1x128xi32, #tpu.memory_space<vmem>> -> memref<128xi32, #tpu.memory_space<vmem>>
      %dma_start3A_132 = tpu.memref_slice %arg5[%add3A_10] : memref<10240xi32, #tpu.memory_space<hbm>> -> memref<128xi32, #tpu.memory_space<hbm>>
      tpu.enqueue_dma source(%dma_start3A_132 : memref<128xi32, #tpu.memory_space<hbm>>) target(%dma_start3A_131 : memref<128xi32, #tpu.memory_space<vmem>>) target_semaphore(%run_scoped3A_124 : memref<!tpu.dma_semaphore, #tpu.memory_space<semaphore_mem>>)
      %dma_wait3A_133 = arith.constant 0 : i32
      %dma_wait3A_134 = tpu.memref_slice %arg8[%run_scoped3A_11, %dma_wait3A_133] : memref<4x128xi32, #tpu.memory_space<vmem>> -> memref<1x128xi32, #tpu.memory_space<vmem>>
      %dma_wait3A_135 = tpu.memref_squeeze %dma_wait3A_134 : memref<1x128xi32, #tpu.memory_space<vmem>> -> memref<128xi32, #tpu.memory_space<vmem>>
      %dma_wait3A_136 = tpu.memref_slice %arg5[%add3A_10] : memref<10240xi32, #tpu.memory_space<hbm>> -> memref<128xi32, #tpu.memory_space<hbm>>
      %dma_wait3A_137 = arith.constant 0 : i32
      %dma_wait3A_138 = tpu.memref_slice %arg8[%run_scoped3A_11, %dma_wait3A_137] : memref<4x128xi32, #tpu.memory_space<vmem>> -> memref<1x128xi32, #tpu.memory_space<vmem>>
      %dma_wait3A_139 = tpu.memref_squeeze %dma_wait3A_138 : memref<1x128xi32, #tpu.memory_space<vmem>> -> memref<128xi32, #tpu.memory_space<vmem>>
      %dma_wait3A_140 = tpu.memref_slice %arg5[%add3A_10] : memref<10240xi32, #tpu.memory_space<hbm>> -> memref<128xi32, #tpu.memory_space<hbm>>
      tpu.wait_dma2 semaphore(%run_scoped3A_124 : memref<!tpu.dma_semaphore, #tpu.memory_space<semaphore_mem>>) src(%dma_wait3A_140 : memref<128xi32, #tpu.memory_space<hbm>>) dst(%dma_wait3A_139 : memref<128xi32, #tpu.memory_space<vmem>>)
      tpu.yield
    }) : () -> ()
    %run_scoped3A_12 = arith.constant 0 : i32
    "tpu.region"() ({
      %run_scoped3A_124 = tpu.sem_alloc : memref<!tpu.dma_semaphore, #tpu.memory_space<semaphore_mem>>
      %dma_start3A_125 = arith.constant 0 : i32
      %dma_start3A_126 = tpu.memref_slice %arg8[%run_scoped3A_12, %dma_start3A_125] : memref<4x128xi32, #tpu.memory_space<vmem>> -> memref<1x128xi32, #tpu.memory_space<vmem>>
      %dma_start3A_127 = tpu.memref_squeeze %dma_start3A_126 : memref<1x128xi32, #tpu.memory_space<vmem>> -> memref<128xi32, #tpu.memory_space<vmem>>
      %dma_start3A_128 = arith.constant 0 : i32
      %dma_start3A_129 = arith.constant 0 : i32
      %dma_start3A_130 = tpu.memref_slice %arg12[%dma_start3A_128, %dma_start3A_129] : memref<10240x144xf32, #tpu.memory_space<vmem_shared>> -> memref<10240x144xf32, #tpu.memory_space<vmem_shared>>
      tpu.enqueue_indirect_dma source(%arg11 : memref<128x144xf32, #tpu.memory_space<vmem>>) target(%dma_start3A_130 : memref<10240x144xf32, #tpu.memory_space<vmem_shared>>) offsets(%dma_start3A_127 : memref<128xi32, #tpu.memory_space<vmem>>) semaphore(%run_scoped3A_124 : memref<!tpu.dma_semaphore, #tpu.memory_space<semaphore_mem>>)
      %dma_wait3A_131 = arith.constant 0 : i32
      %dma_wait3A_132 = tpu.memref_slice %arg8[%run_scoped3A_12, %dma_wait3A_131] : memref<4x128xi32, #tpu.memory_space<vmem>> -> memref<1x128xi32, #tpu.memory_space<vmem>>
      %dma_wait3A_133 = tpu.memref_squeeze %dma_wait3A_132 : memref<1x128xi32, #tpu.memory_space<vmem>> -> memref<128xi32, #tpu.memory_space<vmem>>
      %dma_wait3A_134 = arith.constant 0 : i32
      %dma_wait3A_135 = arith.constant 0 : i32
      %dma_wait3A_136 = tpu.memref_slice %arg12[%dma_wait3A_134, %dma_wait3A_135] : memref<10240x144xf32, #tpu.memory_space<vmem_shared>> -> memref<10240x144xf32, #tpu.memory_space<vmem_shared>>
      tpu.wait_indirect_dma semaphore(%run_scoped3A_124 : memref<!tpu.dma_semaphore, #tpu.memory_space<semaphore_mem>>) src(%arg11 : memref<128x144xf32, #tpu.memory_space<vmem>>) dst(%dma_wait3A_136 : memref<10240x144xf32, #tpu.memory_space<vmem_shared>>)
      tpu.yield
    }) : () -> ()
    %add3A_13 = arith.constant 256 : i32
    %add3A_14 = arith.addi %mul3A_2, %add3A_13 : i32
    %run_scoped3A_15 = arith.constant 0 : i32
    "tpu.region"() ({
      %run_scoped3A_124 = tpu.sem_alloc : memref<!tpu.dma_semaphore, #tpu.memory_space<semaphore_mem>>
      %dma_start3A_125 = arith.constant 0 : i32
      %dma_start3A_126 = tpu.memref_slice %arg8[%run_scoped3A_15, %dma_start3A_125] : memref<4x128xi32, #tpu.memory_space<vmem>> -> memref<1x128xi32, #tpu.memory_space<vmem>>
      %dma_start3A_127 = tpu.memref_squeeze %dma_start3A_126 : memref<1x128xi32, #tpu.memory_space<vmem>> -> memref<128xi32, #tpu.memory_space<vmem>>
      %dma_start3A_128 = tpu.memref_slice %arg5[%add3A_14] : memref<10240xi32, #tpu.memory_space<hbm>> -> memref<128xi32, #tpu.memory_space<hbm>>
      %dma_start3A_129 = arith.constant 0 : i32
      %dma_start3A_130 = tpu.memref_slice %arg8[%run_scoped3A_15, %dma_start3A_129] : memref<4x128xi32, #tpu.memory_space<vmem>> -> memref<1x128xi32, #tpu.memory_space<vmem>>
      %dma_start3A_131 = tpu.memref_squeeze %dma_start3A_130 : memref<1x128xi32, #tpu.memory_space<vmem>> -> memref<128xi32, #tpu.memory_space<vmem>>
      %dma_start3A_132 = tpu.memref_slice %arg5[%add3A_14] : memref<10240xi32, #tpu.memory_space<hbm>> -> memref<128xi32, #tpu.memory_space<hbm>>
      tpu.enqueue_dma source(%dma_start3A_132 : memref<128xi32, #tpu.memory_space<hbm>>) target(%dma_start3A_131 : memref<128xi32, #tpu.memory_space<vmem>>) target_semaphore(%run_scoped3A_124 : memref<!tpu.dma_semaphore, #tpu.memory_space<semaphore_mem>>)
      %dma_wait3A_133 = arith.constant 0 : i32
      %dma_wait3A_134 = tpu.memref_slice %arg8[%run_scoped3A_15, %dma_wait3A_133] : memref<4x128xi32, #tpu.memory_space<vmem>> -> memref<1x128xi32, #tpu.memory_space<vmem>>
      %dma_wait3A_135 = tpu.memref_squeeze %dma_wait3A_134 : memref<1x128xi32, #tpu.memory_space<vmem>> -> memref<128xi32, #tpu.memory_space<vmem>>
      %dma_wait3A_136 = tpu.memref_slice %arg5[%add3A_14] : memref<10240xi32, #tpu.memory_space<hbm>> -> memref<128xi32, #tpu.memory_space<hbm>>
      %dma_wait3A_137 = arith.constant 0 : i32
      %dma_wait3A_138 = tpu.memref_slice %arg8[%run_scoped3A_15, %dma_wait3A_137] : memref<4x128xi32, #tpu.memory_space<vmem>> -> memref<1x128xi32, #tpu.memory_space<vmem>>
      %dma_wait3A_139 = tpu.memref_squeeze %dma_wait3A_138 : memref<1x128xi32, #tpu.memory_space<vmem>> -> memref<128xi32, #tpu.memory_space<vmem>>
      %dma_wait3A_140 = tpu.memref_slice %arg5[%add3A_14] : memref<10240xi32, #tpu.memory_space<hbm>> -> memref<128xi32, #tpu.memory_space<hbm>>
      tpu.wait_dma2 semaphore(%run_scoped3A_124 : memref<!tpu.dma_semaphore, #tpu.memory_space<semaphore_mem>>) src(%dma_wait3A_140 : memref<128xi32, #tpu.memory_space<hbm>>) dst(%dma_wait3A_139 : memref<128xi32, #tpu.memory_space<vmem>>)
      tpu.yield
    }) : () -> ()
    %run_scoped3A_16 = arith.constant 0 : i32
    "tpu.region"() ({
      %run_scoped3A_124 = tpu.sem_alloc : memref<!tpu.dma_semaphore, #tpu.memory_space<semaphore_mem>>
      %dma_start3A_125 = arith.constant 0 : i32
      %dma_start3A_126 = tpu.memref_slice %arg8[%run_scoped3A_16, %dma_start3A_125] : memref<4x128xi32, #tpu.memory_space<vmem>> -> memref<1x128xi32, #tpu.memory_space<vmem>>
      %dma_start3A_127 = tpu.memref_squeeze %dma_start3A_126 : memref<1x128xi32, #tpu.memory_space<vmem>> -> memref<128xi32, #tpu.memory_space<vmem>>
      %dma_start3A_128 = arith.constant 0 : i32
      %dma_start3A_129 = arith.constant 0 : i32
      %dma_start3A_130 = tpu.memref_slice %arg12[%dma_start3A_128, %dma_start3A_129] : memref<10240x144xf32, #tpu.memory_space<vmem_shared>> -> memref<10240x144xf32, #tpu.memory_space<vmem_shared>>
      tpu.enqueue_indirect_dma source(%arg11 : memref<128x144xf32, #tpu.memory_space<vmem>>) target(%dma_start3A_130 : memref<10240x144xf32, #tpu.memory_space<vmem_shared>>) offsets(%dma_start3A_127 : memref<128xi32, #tpu.memory_space<vmem>>) semaphore(%run_scoped3A_124 : memref<!tpu.dma_semaphore, #tpu.memory_space<semaphore_mem>>)
      %dma_wait3A_131 = arith.constant 0 : i32
      %dma_wait3A_132 = tpu.memref_slice %arg8[%run_scoped3A_16, %dma_wait3A_131] : memref<4x128xi32, #tpu.memory_space<vmem>> -> memref<1x128xi32, #tpu.memory_space<vmem>>
      %dma_wait3A_133 = tpu.memref_squeeze %dma_wait3A_132 : memref<1x128xi32, #tpu.memory_space<vmem>> -> memref<128xi32, #tpu.memory_space<vmem>>
      %dma_wait3A_134 = arith.constant 0 : i32
      %dma_wait3A_135 = arith.constant 0 : i32
      %dma_wait3A_136 = tpu.memref_slice %arg12[%dma_wait3A_134, %dma_wait3A_135] : memref<10240x144xf32, #tpu.memory_space<vmem_shared>> -> memref<10240x144xf32, #tpu.memory_space<vmem_shared>>
      tpu.wait_indirect_dma semaphore(%run_scoped3A_124 : memref<!tpu.dma_semaphore, #tpu.memory_space<semaphore_mem>>) src(%arg11 : memref<128x144xf32, #tpu.memory_space<vmem>>) dst(%dma_wait3A_136 : memref<10240x144xf32, #tpu.memory_space<vmem_shared>>)
      tpu.yield
    }) : () -> ()
    %add3A_17 = arith.constant 384 : i32
    %add3A_18 = arith.addi %mul3A_2, %add3A_17 : i32
    %run_scoped3A_19 = arith.constant 0 : i32
    "tpu.region"() ({
      %run_scoped3A_124 = tpu.sem_alloc : memref<!tpu.dma_semaphore, #tpu.memory_space<semaphore_mem>>
      %dma_start3A_125 = arith.constant 0 : i32
      %dma_start3A_126 = tpu.memref_slice %arg8[%run_scoped3A_19, %dma_start3A_125] : memref<4x128xi32, #tpu.memory_space<vmem>> -> memref<1x128xi32, #tpu.memory_space<vmem>>
      %dma_start3A_127 = tpu.memref_squeeze %dma_start3A_126 : memref<1x128xi32, #tpu.memory_space<vmem>> -> memref<128xi32, #tpu.memory_space<vmem>>
      %dma_start3A_128 = tpu.memref_slice %arg5[%add3A_18] : memref<10240xi32, #tpu.memory_space<hbm>> -> memref<128xi32, #tpu.memory_space<hbm>>
      %dma_start3A_129 = arith.constant 0 : i32
      %dma_start3A_130 = tpu.memref_slice %arg8[%run_scoped3A_19, %dma_start3A_129] : memref<4x128xi32, #tpu.memory_space<vmem>> -> memref<1x128xi32, #tpu.memory_space<vmem>>
      %dma_start3A_131 = tpu.memref_squeeze %dma_start3A_130 : memref<1x128xi32, #tpu.memory_space<vmem>> -> memref<128xi32, #tpu.memory_space<vmem>>
      %dma_start3A_132 = tpu.memref_slice %arg5[%add3A_18] : memref<10240xi32, #tpu.memory_space<hbm>> -> memref<128xi32, #tpu.memory_space<hbm>>
      tpu.enqueue_dma source(%dma_start3A_132 : memref<128xi32, #tpu.memory_space<hbm>>) target(%dma_start3A_131 : memref<128xi32, #tpu.memory_space<vmem>>) target_semaphore(%run_scoped3A_124 : memref<!tpu.dma_semaphore, #tpu.memory_space<semaphore_mem>>)
      %dma_wait3A_133 = arith.constant 0 : i32
      %dma_wait3A_134 = tpu.memref_slice %arg8[%run_scoped3A_19, %dma_wait3A_133] : memref<4x128xi32, #tpu.memory_space<vmem>> -> memref<1x128xi32, #tpu.memory_space<vmem>>
      %dma_wait3A_135 = tpu.memref_squeeze %dma_wait3A_134 : memref<1x128xi32, #tpu.memory_space<vmem>> -> memref<128xi32, #tpu.memory_space<vmem>>
      %dma_wait3A_136 = tpu.memref_slice %arg5[%add3A_18] : memref<10240xi32, #tpu.memory_space<hbm>> -> memref<128xi32, #tpu.memory_space<hbm>>
      %dma_wait3A_137 = arith.constant 0 : i32
      %dma_wait3A_138 = tpu.memref_slice %arg8[%run_scoped3A_19, %dma_wait3A_137] : memref<4x128xi32, #tpu.memory_space<vmem>> -> memref<1x128xi32, #tpu.memory_space<vmem>>
      %dma_wait3A_139 = tpu.memref_squeeze %dma_wait3A_138 : memref<1x128xi32, #tpu.memory_space<vmem>> -> memref<128xi32, #tpu.memory_space<vmem>>
      %dma_wait3A_140 = tpu.memref_slice %arg5[%add3A_18] : memref<10240xi32, #tpu.memory_space<hbm>> -> memref<128xi32, #tpu.memory_space<hbm>>
      tpu.wait_dma2 semaphore(%run_scoped3A_124 : memref<!tpu.dma_semaphore, #tpu.memory_space<semaphore_mem>>) src(%dma_wait3A_140 : memref<128xi32, #tpu.memory_space<hbm>>) dst(%dma_wait3A_139 : memref<128xi32, #tpu.memory_space<vmem>>)
      tpu.yield
    }) : () -> ()
    %run_scoped3A_20 = arith.constant 0 : i32
    "tpu.region"() ({
      %run_scoped3A_124 = tpu.sem_alloc : memref<!tpu.dma_semaphore, #tpu.memory_space<semaphore_mem>>
      %dma_start3A_125 = arith.constant 0 : i32
      %dma_start3A_126 = tpu.memref_slice %arg8[%run_scoped3A_20, %dma_start3A_125] : memref<4x128xi32, #tpu.memory_space<vmem>> -> memref<1x128xi32, #tpu.memory_space<vmem>>
      %dma_start3A_127 = tpu.memref_squeeze %dma_start3A_126 : memref<1x128xi32, #tpu.memory_space<vmem>> -> memref<128xi32, #tpu.memory_space<vmem>>
      %dma_start3A_128 = arith.constant 0 : i32
      %dma_start3A_129 = arith.constant 0 : i32
      %dma_start3A_130 = tpu.memref_slice %arg12[%dma_start3A_128, %dma_start3A_129] : memref<10240x144xf32, #tpu.memory_space<vmem_shared>> -> memref<10240x144xf32, #tpu.memory_space<vmem_shared>>
      tpu.enqueue_indirect_dma source(%arg11 : memref<128x144xf32, #tpu.memory_space<vmem>>) target(%dma_start3A_130 : memref<10240x144xf32, #tpu.memory_space<vmem_shared>>) offsets(%dma_start3A_127 : memref<128xi32, #tpu.memory_space<vmem>>) semaphore(%run_scoped3A_124 : memref<!tpu.dma_semaphore, #tpu.memory_space<semaphore_mem>>)
      %dma_wait3A_131 = arith.constant 0 : i32
      %dma_wait3A_132 = tpu.memref_slice %arg8[%run_scoped3A_20, %dma_wait3A_131] : memref<4x128xi32, #tpu.memory_space<vmem>> -> memref<1x128xi32, #tpu.memory_space<vmem>>
      %dma_wait3A_133 = tpu.memref_squeeze %dma_wait3A_132 : memref<1x128xi32, #tpu.memory_space<vmem>> -> memref<128xi32, #tpu.memory_space<vmem>>
      %dma_wait3A_134 = arith.constant 0 : i32
      %dma_wait3A_135 = arith.constant 0 : i32
      %dma_wait3A_136 = tpu.memref_slice %arg12[%dma_wait3A_134, %dma_wait3A_135] : memref<10240x144xf32, #tpu.memory_space<vmem_shared>> -> memref<10240x144xf32, #tpu.memory_space<vmem_shared>>
      tpu.wait_indirect_dma semaphore(%run_scoped3A_124 : memref<!tpu.dma_semaphore, #tpu.memory_space<semaphore_mem>>) src(%arg11 : memref<128x144xf32, #tpu.memory_space<vmem>>) dst(%dma_wait3A_136 : memref<10240x144xf32, #tpu.memory_space<vmem_shared>>)
      tpu.yield
    }) : () -> ()
    %add3A_21 = arith.constant 512 : i32
    %add3A_22 = arith.addi %mul3A_2, %add3A_21 : i32
    %run_scoped3A_23 = arith.constant 0 : i32
    "tpu.region"() ({
      %run_scoped3A_124 = tpu.sem_alloc : memref<!tpu.dma_semaphore, #tpu.memory_space<semaphore_mem>>
      %dma_start3A_125 = arith.constant 0 : i32
      %dma_start3A_126 = tpu.memref_slice %arg8[%run_scoped3A_23, %dma_start3A_125] : memref<4x128xi32, #tpu.memory_space<vmem>> -> memref<1x128xi32, #tpu.memory_space<vmem>>
      %dma_start3A_127 = tpu.memref_squeeze %dma_start3A_126 : memref<1x128xi32, #tpu.memory_space<vmem>> -> memref<128xi32, #tpu.memory_space<vmem>>
      %dma_start3A_128 = tpu.memref_slice %arg5[%add3A_22] : memref<10240xi32, #tpu.memory_space<hbm>> -> memref<128xi32, #tpu.memory_space<hbm>>
      %dma_start3A_129 = arith.constant 0 : i32
      %dma_start3A_130 = tpu.memref_slice %arg8[%run_scoped3A_23, %dma_start3A_129] : memref<4x128xi32, #tpu.memory_space<vmem>> -> memref<1x128xi32, #tpu.memory_space<vmem>>
      %dma_start3A_131 = tpu.memref_squeeze %dma_start3A_130 : memref<1x128xi32, #tpu.memory_space<vmem>> -> memref<128xi32, #tpu.memory_space<vmem>>
      %dma_start3A_132 = tpu.memref_slice %arg5[%add3A_22] : memref<10240xi32, #tpu.memory_space<hbm>> -> memref<128xi32, #tpu.memory_space<hbm>>
      tpu.enqueue_dma source(%dma_start3A_132 : memref<128xi32, #tpu.memory_space<hbm>>) target(%dma_start3A_131 : memref<128xi32, #tpu.memory_space<vmem>>) target_semaphore(%run_scoped3A_124 : memref<!tpu.dma_semaphore, #tpu.memory_space<semaphore_mem>>)
      %dma_wait3A_133 = arith.constant 0 : i32
      %dma_wait3A_134 = tpu.memref_slice %arg8[%run_scoped3A_23, %dma_wait3A_133] : memref<4x128xi32, #tpu.memory_space<vmem>> -> memref<1x128xi32, #tpu.memory_space<vmem>>
      %dma_wait3A_135 = tpu.memref_squeeze %dma_wait3A_134 : memref<1x128xi32, #tpu.memory_space<vmem>> -> memref<128xi32, #tpu.memory_space<vmem>>
      %dma_wait3A_136 = tpu.memref_slice %arg5[%add3A_22] : memref<10240xi32, #tpu.memory_space<hbm>> -> memref<128xi32, #tpu.memory_space<hbm>>
      %dma_wait3A_137 = arith.constant 0 : i32
      %dma_wait3A_138 = tpu.memref_slice %arg8[%run_scoped3A_23, %dma_wait3A_137] : memref<4x128xi32, #tpu.memory_space<vmem>> -> memref<1x128xi32, #tpu.memory_space<vmem>>
      %dma_wait3A_139 = tpu.memref_squeeze %dma_wait3A_138 : memref<1x128xi32, #tpu.memory_space<vmem>> -> memref<128xi32, #tpu.memory_space<vmem>>
      %dma_wait3A_140 = tpu.memref_slice %arg5[%add3A_22] : memref<10240xi32, #tpu.memory_space<hbm>> -> memref<128xi32, #tpu.memory_space<hbm>>
      tpu.wait_dma2 semaphore(%run_scoped3A_124 : memref<!tpu.dma_semaphore, #tpu.memory_space<semaphore_mem>>) src(%dma_wait3A_140 : memref<128xi32, #tpu.memory_space<hbm>>) dst(%dma_wait3A_139 : memref<128xi32, #tpu.memory_space<vmem>>)
      tpu.yield
    }) : () -> ()
    %run_scoped3A_24 = arith.constant 0 : i32
    "tpu.region"() ({
      %run_scoped3A_124 = tpu.sem_alloc : memref<!tpu.dma_semaphore, #tpu.memory_space<semaphore_mem>>
      %dma_start3A_125 = arith.constant 0 : i32
      %dma_start3A_126 = tpu.memref_slice %arg8[%run_scoped3A_24, %dma_start3A_125] : memref<4x128xi32, #tpu.memory_space<vmem>> -> memref<1x128xi32, #tpu.memory_space<vmem>>
      %dma_start3A_127 = tpu.memref_squeeze %dma_start3A_126 : memref<1x128xi32, #tpu.memory_space<vmem>> -> memref<128xi32, #tpu.memory_space<vmem>>
      %dma_start3A_128 = arith.constant 0 : i32
      %dma_start3A_129 = arith.constant 0 : i32
      %dma_start3A_130 = tpu.memref_slice %arg12[%dma_start3A_128, %dma_start3A_129] : memref<10240x144xf32, #tpu.memory_space<vmem_shared>> -> memref<10240x144xf32, #tpu.memory_space<vmem_shared>>
      tpu.enqueue_indirect_dma source(%arg11 : memref<128x144xf32, #tpu.memory_space<vmem>>) target(%dma_start3A_130 : memref<10240x144xf32, #tpu.memory_space<vmem_shared>>) offsets(%dma_start3A_127 : memref<128xi32, #tpu.memory_space<vmem>>) semaphore(%run_scoped3A_124 : memref<!tpu.dma_semaphore, #tpu.memory_space<semaphore_mem>>)
      %dma_wait3A_131 = arith.constant 0 : i32
      %dma_wait3A_132 = tpu.memref_slice %arg8[%run_scoped3A_24, %dma_wait3A_131] : memref<4x128xi32, #tpu.memory_space<vmem>> -> memref<1x128xi32, #tpu.memory_space<vmem>>
      %dma_wait3A_133 = tpu.memref_squeeze %dma_wait3A_132 : memref<1x128xi32, #tpu.memory_space<vmem>> -> memref<128xi32, #tpu.memory_space<vmem>>
      %dma_wait3A_134 = arith.constant 0 : i32
      %dma_wait3A_135 = arith.constant 0 : i32
      %dma_wait3A_136 = tpu.memref_slice %arg12[%dma_wait3A_134, %dma_wait3A_135] : memref<10240x144xf32, #tpu.memory_space<vmem_shared>> -> memref<10240x144xf32, #tpu.memory_space<vmem_shared>>
      tpu.wait_indirect_dma semaphore(%run_scoped3A_124 : memref<!tpu.dma_semaphore, #tpu.memory_space<semaphore_mem>>) src(%arg11 : memref<128x144xf32, #tpu.memory_space<vmem>>) dst(%dma_wait3A_136 : memref<10240x144xf32, #tpu.memory_space<vmem_shared>>)
      tpu.yield
    }) : () -> ()
    %barrier3A = arith.constant 0 : index
    tpu.barrier barrier_id(%barrier3A)
    %scan3A = arith.constant 0 : i32
    %scan3A_25 = arith.constant 0 : i32
    %scan3A_26 = arith.constant 20 : i32
    %scan3A_27 = arith.addi %scan3A_25, %scan3A_26 : i32
    %scan3A_28 = arith.constant 1 : i32
    scf.for %scan3A_124 = %scan3A_25 to %scan3A_27 step %scan3A_28  : i32 {
      %mul3A_125 = arith.constant 20 : i32
      %mul3A_126 = arith.muli %add3A, %mul3A_125 : i32
      %add3A_127 = arith.addi %mul3A_126, %scan3A_124 : i32
      "tpu.region"() ({
        %run_scoped3A_243 = tpu.sem_alloc : memref<!tpu.dma_semaphore, #tpu.memory_space<semaphore_mem>>
        %dma_start3A_244 = arith.constant 0 : i32
        %dma_start3A_245 = arith.constant 0 : i32
        %dma_start3A_246 = tpu.memref_slice %arg3[%add3A_127, %dma_start3A_244, %dma_start3A_245] : memref<640x4x128xi32, #tpu.memory_space<hbm>> -> memref<1x4x128xi32, #tpu.memory_space<hbm>>
        %dma_start3A_247 = tpu.memref_squeeze %dma_start3A_246 : memref<1x4x128xi32, #tpu.memory_space<hbm>> -> memref<4x128xi32, #tpu.memory_space<hbm>>
        %dma_start3A_248 = arith.constant 0 : i32
        %dma_start3A_249 = arith.constant 0 : i32
        %dma_start3A_250 = tpu.memref_slice %arg3[%add3A_127, %dma_start3A_248, %dma_start3A_249] : memref<640x4x128xi32, #tpu.memory_space<hbm>> -> memref<1x4x128xi32, #tpu.memory_space<hbm>>
        %dma_start3A_251 = tpu.memref_squeeze %dma_start3A_250 : memref<1x4x128xi32, #tpu.memory_space<hbm>> -> memref<4x128xi32, #tpu.memory_space<hbm>>
        tpu.enqueue_dma source(%dma_start3A_251 : memref<4x128xi32, #tpu.memory_space<hbm>>) target(%arg8 : memref<4x128xi32, #tpu.memory_space<vmem>>) target_semaphore(%run_scoped3A_243 : memref<!tpu.dma_semaphore, #tpu.memory_space<semaphore_mem>>)
        %dma_wait3A_252 = arith.constant 0 : i32
        %dma_wait3A_253 = arith.constant 0 : i32
        %dma_wait3A_254 = tpu.memref_slice %arg3[%add3A_127, %dma_wait3A_252, %dma_wait3A_253] : memref<640x4x128xi32, #tpu.memory_space<hbm>> -> memref<1x4x128xi32, #tpu.memory_space<hbm>>
        %dma_wait3A_255 = tpu.memref_squeeze %dma_wait3A_254 : memref<1x4x128xi32, #tpu.memory_space<hbm>> -> memref<4x128xi32, #tpu.memory_space<hbm>>
        %dma_wait3A_256 = arith.constant 0 : i32
        %dma_wait3A_257 = arith.constant 0 : i32
        %dma_wait3A_258 = tpu.memref_slice %arg3[%add3A_127, %dma_wait3A_256, %dma_wait3A_257] : memref<640x4x128xi32, #tpu.memory_space<hbm>> -> memref<1x4x128xi32, #tpu.memory_space<hbm>>
        %dma_wait3A_259 = tpu.memref_squeeze %dma_wait3A_258 : memref<1x4x128xi32, #tpu.memory_space<hbm>> -> memref<4x128xi32, #tpu.memory_space<hbm>>
        tpu.wait_dma2 semaphore(%run_scoped3A_243 : memref<!tpu.dma_semaphore, #tpu.memory_space<semaphore_mem>>) src(%dma_wait3A_259 : memref<4x128xi32, #tpu.memory_space<hbm>>) dst(%arg8 : memref<4x128xi32, #tpu.memory_space<vmem>>)
        tpu.yield
      }) : () -> ()
      %mul3A_128 = arith.constant 20 : i32
      %mul3A_129 = arith.muli %add3A, %mul3A_128 : i32
      %add3A_130 = arith.addi %mul3A_129, %scan3A_124 : i32
      "tpu.region"() ({
        %run_scoped3A_243 = tpu.sem_alloc : memref<!tpu.dma_semaphore, #tpu.memory_space<semaphore_mem>>
        %dma_start3A_244 = arith.constant 0 : i32
        %dma_start3A_245 = arith.constant 0 : i32
        %dma_start3A_246 = tpu.memref_slice %arg4[%add3A_130, %dma_start3A_244, %dma_start3A_245] : memref<640x4x128xi32, #tpu.memory_space<hbm>> -> memref<1x4x128xi32, #tpu.memory_space<hbm>>
        %dma_start3A_247 = tpu.memref_squeeze %dma_start3A_246 : memref<1x4x128xi32, #tpu.memory_space<hbm>> -> memref<4x128xi32, #tpu.memory_space<hbm>>
        %dma_start3A_248 = arith.constant 0 : i32
        %dma_start3A_249 = arith.constant 0 : i32
        %dma_start3A_250 = tpu.memref_slice %arg4[%add3A_130, %dma_start3A_248, %dma_start3A_249] : memref<640x4x128xi32, #tpu.memory_space<hbm>> -> memref<1x4x128xi32, #tpu.memory_space<hbm>>
        %dma_start3A_251 = tpu.memref_squeeze %dma_start3A_250 : memref<1x4x128xi32, #tpu.memory_space<hbm>> -> memref<4x128xi32, #tpu.memory_space<hbm>>
        tpu.enqueue_dma source(%dma_start3A_251 : memref<4x128xi32, #tpu.memory_space<hbm>>) target(%arg9 : memref<4x128xi32, #tpu.memory_space<vmem>>) target_semaphore(%run_scoped3A_243 : memref<!tpu.dma_semaphore, #tpu.memory_space<semaphore_mem>>)
        %dma_wait3A_252 = arith.constant 0 : i32
        %dma_wait3A_253 = arith.constant 0 : i32
        %dma_wait3A_254 = tpu.memref_slice %arg4[%add3A_130, %dma_wait3A_252, %dma_wait3A_253] : memref<640x4x128xi32, #tpu.memory_space<hbm>> -> memref<1x4x128xi32, #tpu.memory_space<hbm>>
        %dma_wait3A_255 = tpu.memref_squeeze %dma_wait3A_254 : memref<1x4x128xi32, #tpu.memory_space<hbm>> -> memref<4x128xi32, #tpu.memory_space<hbm>>
        %dma_wait3A_256 = arith.constant 0 : i32
        %dma_wait3A_257 = arith.constant 0 : i32
        %dma_wait3A_258 = tpu.memref_slice %arg4[%add3A_130, %dma_wait3A_256, %dma_wait3A_257] : memref<640x4x128xi32, #tpu.memory_space<hbm>> -> memref<1x4x128xi32, #tpu.memory_space<hbm>>
        %dma_wait3A_259 = tpu.memref_squeeze %dma_wait3A_258 : memref<1x4x128xi32, #tpu.memory_space<hbm>> -> memref<4x128xi32, #tpu.memory_space<hbm>>
        tpu.wait_dma2 semaphore(%run_scoped3A_243 : memref<!tpu.dma_semaphore, #tpu.memory_space<semaphore_mem>>) src(%dma_wait3A_259 : memref<4x128xi32, #tpu.memory_space<hbm>>) dst(%arg9 : memref<4x128xi32, #tpu.memory_space<vmem>>)
        tpu.yield
      }) : () -> ()
      %dma_start3A_131 = arith.constant 0 : i32
      %dma_start3A_132 = arith.constant 0 : i32
      %dma_start3A_133 = tpu.memref_slice %arg8[%dma_start3A_131, %dma_start3A_132] : memref<4x128xi32, #tpu.memory_space<vmem>> -> memref<1x128xi32, #tpu.memory_space<vmem>>
      %dma_start3A_134 = tpu.memref_squeeze %dma_start3A_133 : memref<1x128xi32, #tpu.memory_space<vmem>> -> memref<128xi32, #tpu.memory_space<vmem>>
      %dma_start3A_135 = arith.constant 0 : i32
      %dma_start3A_136 = arith.constant 0 : i32
      %dma_start3A_137 = tpu.memref_slice %arg2[%dma_start3A_135, %dma_start3A_136] : memref<10240x144xf32, #tpu.memory_space<hbm>> -> memref<10240x144xf32, #tpu.memory_space<hbm>>
      tpu.enqueue_indirect_dma source(%dma_start3A_137 : memref<10240x144xf32, #tpu.memory_space<hbm>>) target(%arg10 : memref<128x144xf32, #tpu.memory_space<vmem>>) offsets(%dma_start3A_134 : memref<128xi32, #tpu.memory_space<vmem>>) semaphore(%arg13 : memref<!tpu.dma_semaphore, #tpu.memory_space<semaphore_mem>>)
      %dma_start3A_138 = arith.constant 1 : i32
      %dma_start3A_139 = arith.constant 0 : i32
      %dma_start3A_140 = tpu.memref_slice %arg8[%dma_start3A_138, %dma_start3A_139] : memref<4x128xi32, #tpu.memory_space<vmem>> -> memref<1x128xi32, #tpu.memory_space<vmem>>
      %dma_start3A_141 = tpu.memref_squeeze %dma_start3A_140 : memref<1x128xi32, #tpu.memory_space<vmem>> -> memref<128xi32, #tpu.memory_space<vmem>>
      %dma_start3A_142 = arith.constant 0 : i32
      %dma_start3A_143 = arith.constant 0 : i32
      %dma_start3A_144 = tpu.memref_slice %arg2[%dma_start3A_142, %dma_start3A_143] : memref<10240x144xf32, #tpu.memory_space<hbm>> -> memref<10240x144xf32, #tpu.memory_space<hbm>>
      tpu.enqueue_indirect_dma source(%dma_start3A_144 : memref<10240x144xf32, #tpu.memory_space<hbm>>) target(%arg11 : memref<128x144xf32, #tpu.memory_space<vmem>>) offsets(%dma_start3A_141 : memref<128xi32, #tpu.memory_space<vmem>>) semaphore(%arg14 : memref<!tpu.dma_semaphore, #tpu.memory_space<semaphore_mem>>)
      %dma_wait3A_145 = arith.constant 0 : i32
      %dma_wait3A_146 = arith.constant 0 : i32
      %dma_wait3A_147 = tpu.memref_slice %arg8[%dma_wait3A_145, %dma_wait3A_146] : memref<4x128xi32, #tpu.memory_space<vmem>> -> memref<1x128xi32, #tpu.memory_space<vmem>>
      %dma_wait3A_148 = tpu.memref_squeeze %dma_wait3A_147 : memref<1x128xi32, #tpu.memory_space<vmem>> -> memref<128xi32, #tpu.memory_space<vmem>>
      %dma_wait3A_149 = arith.constant 0 : i32
      %dma_wait3A_150 = arith.constant 0 : i32
      %dma_wait3A_151 = tpu.memref_slice %arg2[%dma_wait3A_149, %dma_wait3A_150] : memref<10240x144xf32, #tpu.memory_space<hbm>> -> memref<10240x144xf32, #tpu.memory_space<hbm>>
      tpu.wait_indirect_dma semaphore(%arg13 : memref<!tpu.dma_semaphore, #tpu.memory_space<semaphore_mem>>) src(%dma_wait3A_151 : memref<10240x144xf32, #tpu.memory_space<hbm>>) dst(%arg10 : memref<128x144xf32, #tpu.memory_space<vmem>>)
      %dma_start3A_152 = arith.constant 0 : i32
      %dma_start3A_153 = arith.constant 0 : i32
      %dma_start3A_154 = tpu.memref_slice %arg9[%dma_start3A_152, %dma_start3A_153] : memref<4x128xi32, #tpu.memory_space<vmem>> -> memref<1x128xi32, #tpu.memory_space<vmem>>
      %dma_start3A_155 = tpu.memref_squeeze %dma_start3A_154 : memref<1x128xi32, #tpu.memory_space<vmem>> -> memref<128xi32, #tpu.memory_space<vmem>>
      %dma_start3A_156 = arith.constant 0 : i32
      %dma_start3A_157 = arith.constant 0 : i32
      %dma_start3A_158 = tpu.memref_slice %arg12[%dma_start3A_156, %dma_start3A_157] : memref<10240x144xf32, #tpu.memory_space<vmem_shared>> -> memref<10240x144xf32, #tpu.memory_space<vmem_shared>>
      tpu.enqueue_indirect_dma source(%arg10 : memref<128x144xf32, #tpu.memory_space<vmem>>) target(%dma_start3A_158 : memref<10240x144xf32, #tpu.memory_space<vmem_shared>>) offsets(%dma_start3A_155 : memref<128xi32, #tpu.memory_space<vmem>>) semaphore(%arg15 : memref<!tpu.dma_semaphore, #tpu.memory_space<semaphore_mem>>) {add = true}
      %dma_wait3A_159 = arith.constant 0 : i32
      %dma_wait3A_160 = arith.constant 0 : i32
      %dma_wait3A_161 = tpu.memref_slice %arg9[%dma_wait3A_159, %dma_wait3A_160] : memref<4x128xi32, #tpu.memory_space<vmem>> -> memref<1x128xi32, #tpu.memory_space<vmem>>
      %dma_wait3A_162 = tpu.memref_squeeze %dma_wait3A_161 : memref<1x128xi32, #tpu.memory_space<vmem>> -> memref<128xi32, #tpu.memory_space<vmem>>
      %dma_wait3A_163 = arith.constant 0 : i32
      %dma_wait3A_164 = arith.constant 0 : i32
      %dma_wait3A_165 = tpu.memref_slice %arg12[%dma_wait3A_163, %dma_wait3A_164] : memref<10240x144xf32, #tpu.memory_space<vmem_shared>> -> memref<10240x144xf32, #tpu.memory_space<vmem_shared>>
      tpu.wait_indirect_dma semaphore(%arg15 : memref<!tpu.dma_semaphore, #tpu.memory_space<semaphore_mem>>) src(%arg10 : memref<128x144xf32, #tpu.memory_space<vmem>>) dst(%dma_wait3A_165 : memref<10240x144xf32, #tpu.memory_space<vmem_shared>>)
      %dma_start3A_166 = arith.constant 2 : i32
      %dma_start3A_167 = arith.constant 0 : i32
      %dma_start3A_168 = tpu.memref_slice %arg8[%dma_start3A_166, %dma_start3A_167] : memref<4x128xi32, #tpu.memory_space<vmem>> -> memref<1x128xi32, #tpu.memory_space<vmem>>
      %dma_start3A_169 = tpu.memref_squeeze %dma_start3A_168 : memref<1x128xi32, #tpu.memory_space<vmem>> -> memref<128xi32, #tpu.memory_space<vmem>>
      %dma_start3A_170 = arith.constant 0 : i32
      %dma_start3A_171 = arith.constant 0 : i32
      %dma_start3A_172 = tpu.memref_slice %arg2[%dma_start3A_170, %dma_start3A_171] : memref<10240x144xf32, #tpu.memory_space<hbm>> -> memref<10240x144xf32, #tpu.memory_space<hbm>>
      tpu.enqueue_indirect_dma source(%dma_start3A_172 : memref<10240x144xf32, #tpu.memory_space<hbm>>) target(%arg10 : memref<128x144xf32, #tpu.memory_space<vmem>>) offsets(%dma_start3A_169 : memref<128xi32, #tpu.memory_space<vmem>>) semaphore(%arg13 : memref<!tpu.dma_semaphore, #tpu.memory_space<semaphore_mem>>)
      %dma_wait3A_173 = arith.constant 1 : i32
      %dma_wait3A_174 = arith.constant 0 : i32
      %dma_wait3A_175 = tpu.memref_slice %arg8[%dma_wait3A_173, %dma_wait3A_174] : memref<4x128xi32, #tpu.memory_space<vmem>> -> memref<1x128xi32, #tpu.memory_space<vmem>>
      %dma_wait3A_176 = tpu.memref_squeeze %dma_wait3A_175 : memref<1x128xi32, #tpu.memory_space<vmem>> -> memref<128xi32, #tpu.memory_space<vmem>>
      %dma_wait3A_177 = arith.constant 0 : i32
      %dma_wait3A_178 = arith.constant 0 : i32
      %dma_wait3A_179 = tpu.memref_slice %arg2[%dma_wait3A_177, %dma_wait3A_178] : memref<10240x144xf32, #tpu.memory_space<hbm>> -> memref<10240x144xf32, #tpu.memory_space<hbm>>
      tpu.wait_indirect_dma semaphore(%arg14 : memref<!tpu.dma_semaphore, #tpu.memory_space<semaphore_mem>>) src(%dma_wait3A_179 : memref<10240x144xf32, #tpu.memory_space<hbm>>) dst(%arg11 : memref<128x144xf32, #tpu.memory_space<vmem>>)
      %dma_start3A_180 = arith.constant 1 : i32
      %dma_start3A_181 = arith.constant 0 : i32
      %dma_start3A_182 = tpu.memref_slice %arg9[%dma_start3A_180, %dma_start3A_181] : memref<4x128xi32, #tpu.memory_space<vmem>> -> memref<1x128xi32, #tpu.memory_space<vmem>>
      %dma_start3A_183 = tpu.memref_squeeze %dma_start3A_182 : memref<1x128xi32, #tpu.memory_space<vmem>> -> memref<128xi32, #tpu.memory_space<vmem>>
      %dma_start3A_184 = arith.constant 0 : i32
      %dma_start3A_185 = arith.constant 0 : i32
      %dma_start3A_186 = tpu.memref_slice %arg12[%dma_start3A_184, %dma_start3A_185] : memref<10240x144xf32, #tpu.memory_space<vmem_shared>> -> memref<10240x144xf32, #tpu.memory_space<vmem_shared>>
      tpu.enqueue_indirect_dma source(%arg11 : memref<128x144xf32, #tpu.memory_space<vmem>>) target(%dma_start3A_186 : memref<10240x144xf32, #tpu.memory_space<vmem_shared>>) offsets(%dma_start3A_183 : memref<128xi32, #tpu.memory_space<vmem>>) semaphore(%arg16 : memref<!tpu.dma_semaphore, #tpu.memory_space<semaphore_mem>>) {add = true}
      %dma_wait3A_187 = arith.constant 1 : i32
      %dma_wait3A_188 = arith.constant 0 : i32
      %dma_wait3A_189 = tpu.memref_slice %arg9[%dma_wait3A_187, %dma_wait3A_188] : memref<4x128xi32, #tpu.memory_space<vmem>> -> memref<1x128xi32, #tpu.memory_space<vmem>>
      %dma_wait3A_190 = tpu.memref_squeeze %dma_wait3A_189 : memref<1x128xi32, #tpu.memory_space<vmem>> -> memref<128xi32, #tpu.memory_space<vmem>>
      %dma_wait3A_191 = arith.constant 0 : i32
      %dma_wait3A_192 = arith.constant 0 : i32
      %dma_wait3A_193 = tpu.memref_slice %arg12[%dma_wait3A_191, %dma_wait3A_192] : memref<10240x144xf32, #tpu.memory_space<vmem_shared>> -> memref<10240x144xf32, #tpu.memory_space<vmem_shared>>
      tpu.wait_indirect_dma semaphore(%arg16 : memref<!tpu.dma_semaphore, #tpu.memory_space<semaphore_mem>>) src(%arg11 : memref<128x144xf32, #tpu.memory_space<vmem>>) dst(%dma_wait3A_193 : memref<10240x144xf32, #tpu.memory_space<vmem_shared>>)
      %dma_start3A_194 = arith.constant 3 : i32
      %dma_start3A_195 = arith.constant 0 : i32
      %dma_start3A_196 = tpu.memref_slice %arg8[%dma_start3A_194, %dma_start3A_195] : memref<4x128xi32, #tpu.memory_space<vmem>> -> memref<1x128xi32, #tpu.memory_space<vmem>>
      %dma_start3A_197 = tpu.memref_squeeze %dma_start3A_196 : memref<1x128xi32, #tpu.memory_space<vmem>> -> memref<128xi32, #tpu.memory_space<vmem>>
      %dma_start3A_198 = arith.constant 0 : i32
      %dma_start3A_199 = arith.constant 0 : i32
      %dma_start3A_200 = tpu.memref_slice %arg2[%dma_start3A_198, %dma_start3A_199] : memref<10240x144xf32, #tpu.memory_space<hbm>> -> memref<10240x144xf32, #tpu.memory_space<hbm>>
      tpu.enqueue_indirect_dma source(%dma_start3A_200 : memref<10240x144xf32, #tpu.memory_space<hbm>>) target(%arg11 : memref<128x144xf32, #tpu.memory_space<vmem>>) offsets(%dma_start3A_197 : memref<128xi32, #tpu.memory_space<vmem>>) semaphore(%arg14 : memref<!tpu.dma_semaphore, #tpu.memory_space<semaphore_mem>>)
      %dma_wait3A_201 = arith.constant 2 : i32
      %dma_wait3A_202 = arith.constant 0 : i32
      %dma_wait3A_203 = tpu.memref_slice %arg8[%dma_wait3A_201, %dma_wait3A_202] : memref<4x128xi32, #tpu.memory_space<vmem>> -> memref<1x128xi32, #tpu.memory_space<vmem>>
      %dma_wait3A_204 = tpu.memref_squeeze %dma_wait3A_203 : memref<1x128xi32, #tpu.memory_space<vmem>> -> memref<128xi32, #tpu.memory_space<vmem>>
      %dma_wait3A_205 = arith.constant 0 : i32
      %dma_wait3A_206 = arith.constant 0 : i32
      %dma_wait3A_207 = tpu.memref_slice %arg2[%dma_wait3A_205, %dma_wait3A_206] : memref<10240x144xf32, #tpu.memory_space<hbm>> -> memref<10240x144xf32, #tpu.memory_space<hbm>>
      tpu.wait_indirect_dma semaphore(%arg13 : memref<!tpu.dma_semaphore, #tpu.memory_space<semaphore_mem>>) src(%dma_wait3A_207 : memref<10240x144xf32, #tpu.memory_space<hbm>>) dst(%arg10 : memref<128x144xf32, #tpu.memory_space<vmem>>)
      %dma_start3A_208 = arith.constant 2 : i32
      %dma_start3A_209 = arith.constant 0 : i32
      %dma_start3A_210 = tpu.memref_slice %arg9[%dma_start3A_208, %dma_start3A_209] : memref<4x128xi32, #tpu.memory_space<vmem>> -> memref<1x128xi32, #tpu.memory_space<vmem>>
      %dma_start3A_211 = tpu.memref_squeeze %dma_start3A_210 : memref<1x128xi32, #tpu.memory_space<vmem>> -> memref<128xi32, #tpu.memory_space<vmem>>
      %dma_start3A_212 = arith.constant 0 : i32
      %dma_start3A_213 = arith.constant 0 : i32
      %dma_start3A_214 = tpu.memref_slice %arg12[%dma_start3A_212, %dma_start3A_213] : memref<10240x144xf32, #tpu.memory_space<vmem_shared>> -> memref<10240x144xf32, #tpu.memory_space<vmem_shared>>
      tpu.enqueue_indirect_dma source(%arg10 : memref<128x144xf32, #tpu.memory_space<vmem>>) target(%dma_start3A_214 : memref<10240x144xf32, #tpu.memory_space<vmem_shared>>) offsets(%dma_start3A_211 : memref<128xi32, #tpu.memory_space<vmem>>) semaphore(%arg15 : memref<!tpu.dma_semaphore, #tpu.memory_space<semaphore_mem>>) {add = true}
      %dma_wait3A_215 = arith.constant 3 : i32
      %dma_wait3A_216 = arith.constant 0 : i32
      %dma_wait3A_217 = tpu.memref_slice %arg8[%dma_wait3A_215, %dma_wait3A_216] : memref<4x128xi32, #tpu.memory_space<vmem>> -> memref<1x128xi32, #tpu.memory_space<vmem>>
      %dma_wait3A_218 = tpu.memref_squeeze %dma_wait3A_217 : memref<1x128xi32, #tpu.memory_space<vmem>> -> memref<128xi32, #tpu.memory_space<vmem>>
      %dma_wait3A_219 = arith.constant 0 : i32
      %dma_wait3A_220 = arith.constant 0 : i32
      %dma_wait3A_221 = tpu.memref_slice %arg2[%dma_wait3A_219, %dma_wait3A_220] : memref<10240x144xf32, #tpu.memory_space<hbm>> -> memref<10240x144xf32, #tpu.memory_space<hbm>>
      tpu.wait_indirect_dma semaphore(%arg14 : memref<!tpu.dma_semaphore, #tpu.memory_space<semaphore_mem>>) src(%dma_wait3A_221 : memref<10240x144xf32, #tpu.memory_space<hbm>>) dst(%arg11 : memref<128x144xf32, #tpu.memory_space<vmem>>)
      %dma_start3A_222 = arith.constant 3 : i32
      %dma_start3A_223 = arith.constant 0 : i32
      %dma_start3A_224 = tpu.memref_slice %arg9[%dma_start3A_222, %dma_start3A_223] : memref<4x128xi32, #tpu.memory_space<vmem>> -> memref<1x128xi32, #tpu.memory_space<vmem>>
      %dma_start3A_225 = tpu.memref_squeeze %dma_start3A_224 : memref<1x128xi32, #tpu.memory_space<vmem>> -> memref<128xi32, #tpu.memory_space<vmem>>
      %dma_start3A_226 = arith.constant 0 : i32
      %dma_start3A_227 = arith.constant 0 : i32
      %dma_start3A_228 = tpu.memref_slice %arg12[%dma_start3A_226, %dma_start3A_227] : memref<10240x144xf32, #tpu.memory_space<vmem_shared>> -> memref<10240x144xf32, #tpu.memory_space<vmem_shared>>
      tpu.enqueue_indirect_dma source(%arg11 : memref<128x144xf32, #tpu.memory_space<vmem>>) target(%dma_start3A_228 : memref<10240x144xf32, #tpu.memory_space<vmem_shared>>) offsets(%dma_start3A_225 : memref<128xi32, #tpu.memory_space<vmem>>) semaphore(%arg16 : memref<!tpu.dma_semaphore, #tpu.memory_space<semaphore_mem>>) {add = true}
      %dma_wait3A_229 = arith.constant 2 : i32
      %dma_wait3A_230 = arith.constant 0 : i32
      %dma_wait3A_231 = tpu.memref_slice %arg9[%dma_wait3A_229, %dma_wait3A_230] : memref<4x128xi32, #tpu.memory_space<vmem>> -> memref<1x128xi32, #tpu.memory_space<vmem>>
      %dma_wait3A_232 = tpu.memref_squeeze %dma_wait3A_231 : memref<1x128xi32, #tpu.memory_space<vmem>> -> memref<128xi32, #tpu.memory_space<vmem>>
      %dma_wait3A_233 = arith.constant 0 : i32
      %dma_wait3A_234 = arith.constant 0 : i32
      %dma_wait3A_235 = tpu.memref_slice %arg12[%dma_wait3A_233, %dma_wait3A_234] : memref<10240x144xf32, #tpu.memory_space<vmem_shared>> -> memref<10240x144xf32, #tpu.memory_space<vmem_shared>>
      tpu.wait_indirect_dma semaphore(%arg15 : memref<!tpu.dma_semaphore, #tpu.memory_space<semaphore_mem>>) src(%arg10 : memref<128x144xf32, #tpu.memory_space<vmem>>) dst(%dma_wait3A_235 : memref<10240x144xf32, #tpu.memory_space<vmem_shared>>)
      %dma_wait3A_236 = arith.constant 3 : i32
      %dma_wait3A_237 = arith.constant 0 : i32
      %dma_wait3A_238 = tpu.memref_slice %arg9[%dma_wait3A_236, %dma_wait3A_237] : memref<4x128xi32, #tpu.memory_space<vmem>> -> memref<1x128xi32, #tpu.memory_space<vmem>>
      %dma_wait3A_239 = tpu.memref_squeeze %dma_wait3A_238 : memref<1x128xi32, #tpu.memory_space<vmem>> -> memref<128xi32, #tpu.memory_space<vmem>>
      %dma_wait3A_240 = arith.constant 0 : i32
      %dma_wait3A_241 = arith.constant 0 : i32
      %dma_wait3A_242 = tpu.memref_slice %arg12[%dma_wait3A_240, %dma_wait3A_241] : memref<10240x144xf32, #tpu.memory_space<vmem_shared>> -> memref<10240x144xf32, #tpu.memory_space<vmem_shared>>
      tpu.wait_indirect_dma semaphore(%arg16 : memref<!tpu.dma_semaphore, #tpu.memory_space<semaphore_mem>>) src(%arg11 : memref<128x144xf32, #tpu.memory_space<vmem>>) dst(%dma_wait3A_242 : memref<10240x144xf32, #tpu.memory_space<vmem_shared>>)
    }
    %scan3A_29 = arith.constant 20 : i32
    %barrier3A_30 = arith.constant 0 : index
    tpu.barrier barrier_id(%barrier3A_30)
    %add3A_31 = arith.constant 0 : i32
    %add3A_32 = arith.addi %mul3A_2, %add3A_31 : i32
    %run_scoped3A_33 = arith.constant 0 : i32
    "tpu.region"() ({
      %run_scoped3A_124 = tpu.sem_alloc : memref<!tpu.dma_semaphore, #tpu.memory_space<semaphore_mem>>
      %dma_start3A_125 = arith.constant 0 : i32
      %dma_start3A_126 = tpu.memref_slice %arg8[%run_scoped3A_33, %dma_start3A_125] : memref<4x128xi32, #tpu.memory_space<vmem>> -> memref<1x128xi32, #tpu.memory_space<vmem>>
      %dma_start3A_127 = tpu.memref_squeeze %dma_start3A_126 : memref<1x128xi32, #tpu.memory_space<vmem>> -> memref<128xi32, #tpu.memory_space<vmem>>
      %dma_start3A_128 = tpu.memref_slice %arg5[%add3A_32] : memref<10240xi32, #tpu.memory_space<hbm>> -> memref<128xi32, #tpu.memory_space<hbm>>
      %dma_start3A_129 = arith.constant 0 : i32
      %dma_start3A_130 = tpu.memref_slice %arg8[%run_scoped3A_33, %dma_start3A_129] : memref<4x128xi32, #tpu.memory_space<vmem>> -> memref<1x128xi32, #tpu.memory_space<vmem>>
      %dma_start3A_131 = tpu.memref_squeeze %dma_start3A_130 : memref<1x128xi32, #tpu.memory_space<vmem>> -> memref<128xi32, #tpu.memory_space<vmem>>
      %dma_start3A_132 = tpu.memref_slice %arg5[%add3A_32] : memref<10240xi32, #tpu.memory_space<hbm>> -> memref<128xi32, #tpu.memory_space<hbm>>
      tpu.enqueue_dma source(%dma_start3A_132 : memref<128xi32, #tpu.memory_space<hbm>>) target(%dma_start3A_131 : memref<128xi32, #tpu.memory_space<vmem>>) target_semaphore(%run_scoped3A_124 : memref<!tpu.dma_semaphore, #tpu.memory_space<semaphore_mem>>)
      %dma_wait3A_133 = arith.constant 0 : i32
      %dma_wait3A_134 = tpu.memref_slice %arg8[%run_scoped3A_33, %dma_wait3A_133] : memref<4x128xi32, #tpu.memory_space<vmem>> -> memref<1x128xi32, #tpu.memory_space<vmem>>
      %dma_wait3A_135 = tpu.memref_squeeze %dma_wait3A_134 : memref<1x128xi32, #tpu.memory_space<vmem>> -> memref<128xi32, #tpu.memory_space<vmem>>
      %dma_wait3A_136 = tpu.memref_slice %arg5[%add3A_32] : memref<10240xi32, #tpu.memory_space<hbm>> -> memref<128xi32, #tpu.memory_space<hbm>>
      %dma_wait3A_137 = arith.constant 0 : i32
      %dma_wait3A_138 = tpu.memref_slice %arg8[%run_scoped3A_33, %dma_wait3A_137] : memref<4x128xi32, #tpu.memory_space<vmem>> -> memref<1x128xi32, #tpu.memory_space<vmem>>
      %dma_wait3A_139 = tpu.memref_squeeze %dma_wait3A_138 : memref<1x128xi32, #tpu.memory_space<vmem>> -> memref<128xi32, #tpu.memory_space<vmem>>
      %dma_wait3A_140 = tpu.memref_slice %arg5[%add3A_32] : memref<10240xi32, #tpu.memory_space<hbm>> -> memref<128xi32, #tpu.memory_space<hbm>>
      tpu.wait_dma2 semaphore(%run_scoped3A_124 : memref<!tpu.dma_semaphore, #tpu.memory_space<semaphore_mem>>) src(%dma_wait3A_140 : memref<128xi32, #tpu.memory_space<hbm>>) dst(%dma_wait3A_139 : memref<128xi32, #tpu.memory_space<vmem>>)
      tpu.yield
    }) : () -> ()
    %dma_start3A = arith.constant 0 : i32
    %dma_start3A_34 = arith.constant 0 : i32
    %dma_start3A_35 = tpu.memref_slice %arg8[%dma_start3A, %dma_start3A_34] : memref<4x128xi32, #tpu.memory_space<vmem>> -> memref<1x128xi32, #tpu.memory_space<vmem>>
    %dma_start3A_36 = tpu.memref_squeeze %dma_start3A_35 : memref<1x128xi32, #tpu.memory_space<vmem>> -> memref<128xi32, #tpu.memory_space<vmem>>
    %dma_start3A_37 = arith.constant 0 : i32
    %dma_start3A_38 = arith.constant 0 : i32
    %dma_start3A_39 = tpu.memref_slice %arg12[%dma_start3A_37, %dma_start3A_38] : memref<10240x144xf32, #tpu.memory_space<vmem_shared>> -> memref<10240x144xf32, #tpu.memory_space<vmem_shared>>
    tpu.enqueue_indirect_dma source(%dma_start3A_39 : memref<10240x144xf32, #tpu.memory_space<vmem_shared>>) target(%arg11 : memref<128x144xf32, #tpu.memory_space<vmem>>) offsets(%dma_start3A_36 : memref<128xi32, #tpu.memory_space<vmem>>) semaphore(%arg13 : memref<!tpu.dma_semaphore, #tpu.memory_space<semaphore_mem>>)
    %dma_wait3A = arith.constant 0 : i32
    %dma_wait3A_40 = arith.constant 0 : i32
    %dma_wait3A_41 = tpu.memref_slice %arg8[%dma_wait3A, %dma_wait3A_40] : memref<4x128xi32, #tpu.memory_space<vmem>> -> memref<1x128xi32, #tpu.memory_space<vmem>>
    %dma_wait3A_42 = tpu.memref_squeeze %dma_wait3A_41 : memref<1x128xi32, #tpu.memory_space<vmem>> -> memref<128xi32, #tpu.memory_space<vmem>>
    %dma_wait3A_43 = arith.constant 0 : i32
    %dma_wait3A_44 = arith.constant 0 : i32
    %dma_wait3A_45 = tpu.memref_slice %arg12[%dma_wait3A_43, %dma_wait3A_44] : memref<10240x144xf32, #tpu.memory_space<vmem_shared>> -> memref<10240x144xf32, #tpu.memory_space<vmem_shared>>
    tpu.wait_indirect_dma semaphore(%arg13 : memref<!tpu.dma_semaphore, #tpu.memory_space<semaphore_mem>>) src(%dma_wait3A_45 : memref<10240x144xf32, #tpu.memory_space<vmem_shared>>) dst(%arg11 : memref<128x144xf32, #tpu.memory_space<vmem>>)
    %add3A_46 = arith.constant 0 : i32
    %add3A_47 = arith.addi %add3A_5, %add3A_46 : i32
    "tpu.region"() ({
      %run_scoped3A_124 = tpu.sem_alloc : memref<!tpu.dma_semaphore, #tpu.memory_space<semaphore_mem>>
      %dma_start3A_125 = arith.constant 0 : i32
      %dma_start3A_126 = tpu.memref_slice %arg7[%add3A_47, %dma_start3A_125] : memref<20480x144xf32, #tpu.memory_space<hbm>> -> memref<128x144xf32, #tpu.memory_space<hbm>>
      %dma_start3A_127 = arith.constant 0 : i32
      %dma_start3A_128 = tpu.memref_slice %arg7[%add3A_47, %dma_start3A_127] : memref<20480x144xf32, #tpu.memory_space<hbm>> -> memref<128x144xf32, #tpu.memory_space<hbm>>
      tpu.enqueue_dma source(%arg11 : memref<128x144xf32, #tpu.memory_space<vmem>>) target(%dma_start3A_128 : memref<128x144xf32, #tpu.memory_space<hbm>>) target_semaphore(%run_scoped3A_124 : memref<!tpu.dma_semaphore, #tpu.memory_space<semaphore_mem>>)
      %dma_wait3A_129 = arith.constant 0 : i32
      %dma_wait3A_130 = tpu.memref_slice %arg7[%add3A_47, %dma_wait3A_129] : memref<20480x144xf32, #tpu.memory_space<hbm>> -> memref<128x144xf32, #tpu.memory_space<hbm>>
      %dma_wait3A_131 = arith.constant 0 : i32
      %dma_wait3A_132 = tpu.memref_slice %arg7[%add3A_47, %dma_wait3A_131] : memref<20480x144xf32, #tpu.memory_space<hbm>> -> memref<128x144xf32, #tpu.memory_space<hbm>>
      tpu.wait_dma2 semaphore(%run_scoped3A_124 : memref<!tpu.dma_semaphore, #tpu.memory_space<semaphore_mem>>) src(%arg11 : memref<128x144xf32, #tpu.memory_space<vmem>>) dst(%dma_wait3A_132 : memref<128x144xf32, #tpu.memory_space<hbm>>)
      tpu.yield
    }) : () -> ()
    %add3A_48 = arith.constant 128 : i32
    %add3A_49 = arith.addi %mul3A_2, %add3A_48 : i32
    %run_scoped3A_50 = arith.constant 0 : i32
    "tpu.region"() ({
      %run_scoped3A_124 = tpu.sem_alloc : memref<!tpu.dma_semaphore, #tpu.memory_space<semaphore_mem>>
      %dma_start3A_125 = arith.constant 0 : i32
      %dma_start3A_126 = tpu.memref_slice %arg8[%run_scoped3A_50, %dma_start3A_125] : memref<4x128xi32, #tpu.memory_space<vmem>> -> memref<1x128xi32, #tpu.memory_space<vmem>>
      %dma_start3A_127 = tpu.memref_squeeze %dma_start3A_126 : memref<1x128xi32, #tpu.memory_space<vmem>> -> memref<128xi32, #tpu.memory_space<vmem>>
      %dma_start3A_128 = tpu.memref_slice %arg5[%add3A_49] : memref<10240xi32, #tpu.memory_space<hbm>> -> memref<128xi32, #tpu.memory_space<hbm>>
      %dma_start3A_129 = arith.constant 0 : i32
      %dma_start3A_130 = tpu.memref_slice %arg8[%run_scoped3A_50, %dma_start3A_129] : memref<4x128xi32, #tpu.memory_space<vmem>> -> memref<1x128xi32, #tpu.memory_space<vmem>>
      %dma_start3A_131 = tpu.memref_squeeze %dma_start3A_130 : memref<1x128xi32, #tpu.memory_space<vmem>> -> memref<128xi32, #tpu.memory_space<vmem>>
      %dma_start3A_132 = tpu.memref_slice %arg5[%add3A_49] : memref<10240xi32, #tpu.memory_space<hbm>> -> memref<128xi32, #tpu.memory_space<hbm>>
      tpu.enqueue_dma source(%dma_start3A_132 : memref<128xi32, #tpu.memory_space<hbm>>) target(%dma_start3A_131 : memref<128xi32, #tpu.memory_space<vmem>>) target_semaphore(%run_scoped3A_124 : memref<!tpu.dma_semaphore, #tpu.memory_space<semaphore_mem>>)
      %dma_wait3A_133 = arith.constant 0 : i32
      %dma_wait3A_134 = tpu.memref_slice %arg8[%run_scoped3A_50, %dma_wait3A_133] : memref<4x128xi32, #tpu.memory_space<vmem>> -> memref<1x128xi32, #tpu.memory_space<vmem>>
      %dma_wait3A_135 = tpu.memref_squeeze %dma_wait3A_134 : memref<1x128xi32, #tpu.memory_space<vmem>> -> memref<128xi32, #tpu.memory_space<vmem>>
      %dma_wait3A_136 = tpu.memref_slice %arg5[%add3A_49] : memref<10240xi32, #tpu.memory_space<hbm>> -> memref<128xi32, #tpu.memory_space<hbm>>
      %dma_wait3A_137 = arith.constant 0 : i32
      %dma_wait3A_138 = tpu.memref_slice %arg8[%run_scoped3A_50, %dma_wait3A_137] : memref<4x128xi32, #tpu.memory_space<vmem>> -> memref<1x128xi32, #tpu.memory_space<vmem>>
      %dma_wait3A_139 = tpu.memref_squeeze %dma_wait3A_138 : memref<1x128xi32, #tpu.memory_space<vmem>> -> memref<128xi32, #tpu.memory_space<vmem>>
      %dma_wait3A_140 = tpu.memref_slice %arg5[%add3A_49] : memref<10240xi32, #tpu.memory_space<hbm>> -> memref<128xi32, #tpu.memory_space<hbm>>
      tpu.wait_dma2 semaphore(%run_scoped3A_124 : memref<!tpu.dma_semaphore, #tpu.memory_space<semaphore_mem>>) src(%dma_wait3A_140 : memref<128xi32, #tpu.memory_space<hbm>>) dst(%dma_wait3A_139 : memref<128xi32, #tpu.memory_space<vmem>>)
      tpu.yield
    }) : () -> ()
    %dma_start3A_51 = arith.constant 0 : i32
    %dma_start3A_52 = arith.constant 0 : i32
    %dma_start3A_53 = tpu.memref_slice %arg8[%dma_start3A_51, %dma_start3A_52] : memref<4x128xi32, #tpu.memory_space<vmem>> -> memref<1x128xi32, #tpu.memory_space<vmem>>
    %dma_start3A_54 = tpu.memref_squeeze %dma_start3A_53 : memref<1x128xi32, #tpu.memory_space<vmem>> -> memref<128xi32, #tpu.memory_space<vmem>>
    %dma_start3A_55 = arith.constant 0 : i32
    %dma_start3A_56 = arith.constant 0 : i32
    %dma_start3A_57 = tpu.memref_slice %arg12[%dma_start3A_55, %dma_start3A_56] : memref<10240x144xf32, #tpu.memory_space<vmem_shared>> -> memref<10240x144xf32, #tpu.memory_space<vmem_shared>>
    tpu.enqueue_indirect_dma source(%dma_start3A_57 : memref<10240x144xf32, #tpu.memory_space<vmem_shared>>) target(%arg11 : memref<128x144xf32, #tpu.memory_space<vmem>>) offsets(%dma_start3A_54 : memref<128xi32, #tpu.memory_space<vmem>>) semaphore(%arg13 : memref<!tpu.dma_semaphore, #tpu.memory_space<semaphore_mem>>)
    %dma_wait3A_58 = arith.constant 0 : i32
    %dma_wait3A_59 = arith.constant 0 : i32
    %dma_wait3A_60 = tpu.memref_slice %arg8[%dma_wait3A_58, %dma_wait3A_59] : memref<4x128xi32, #tpu.memory_space<vmem>> -> memref<1x128xi32, #tpu.memory_space<vmem>>
    %dma_wait3A_61 = tpu.memref_squeeze %dma_wait3A_60 : memref<1x128xi32, #tpu.memory_space<vmem>> -> memref<128xi32, #tpu.memory_space<vmem>>
    %dma_wait3A_62 = arith.constant 0 : i32
    %dma_wait3A_63 = arith.constant 0 : i32
    %dma_wait3A_64 = tpu.memref_slice %arg12[%dma_wait3A_62, %dma_wait3A_63] : memref<10240x144xf32, #tpu.memory_space<vmem_shared>> -> memref<10240x144xf32, #tpu.memory_space<vmem_shared>>
    tpu.wait_indirect_dma semaphore(%arg13 : memref<!tpu.dma_semaphore, #tpu.memory_space<semaphore_mem>>) src(%dma_wait3A_64 : memref<10240x144xf32, #tpu.memory_space<vmem_shared>>) dst(%arg11 : memref<128x144xf32, #tpu.memory_space<vmem>>)
    %add3A_65 = arith.constant 128 : i32
    %add3A_66 = arith.addi %add3A_5, %add3A_65 : i32
    "tpu.region"() ({
      %run_scoped3A_124 = tpu.sem_alloc : memref<!tpu.dma_semaphore, #tpu.memory_space<semaphore_mem>>
      %dma_start3A_125 = arith.constant 0 : i32
      %dma_start3A_126 = tpu.memref_slice %arg7[%add3A_66, %dma_start3A_125] : memref<20480x144xf32, #tpu.memory_space<hbm>> -> memref<128x144xf32, #tpu.memory_space<hbm>>
      %dma_start3A_127 = arith.constant 0 : i32
      %dma_start3A_128 = tpu.memref_slice %arg7[%add3A_66, %dma_start3A_127] : memref<20480x144xf32, #tpu.memory_space<hbm>> -> memref<128x144xf32, #tpu.memory_space<hbm>>
      tpu.enqueue_dma source(%arg11 : memref<128x144xf32, #tpu.memory_space<vmem>>) target(%dma_start3A_128 : memref<128x144xf32, #tpu.memory_space<hbm>>) target_semaphore(%run_scoped3A_124 : memref<!tpu.dma_semaphore, #tpu.memory_space<semaphore_mem>>)
      %dma_wait3A_129 = arith.constant 0 : i32
      %dma_wait3A_130 = tpu.memref_slice %arg7[%add3A_66, %dma_wait3A_129] : memref<20480x144xf32, #tpu.memory_space<hbm>> -> memref<128x144xf32, #tpu.memory_space<hbm>>
      %dma_wait3A_131 = arith.constant 0 : i32
      %dma_wait3A_132 = tpu.memref_slice %arg7[%add3A_66, %dma_wait3A_131] : memref<20480x144xf32, #tpu.memory_space<hbm>> -> memref<128x144xf32, #tpu.memory_space<hbm>>
      tpu.wait_dma2 semaphore(%run_scoped3A_124 : memref<!tpu.dma_semaphore, #tpu.memory_space<semaphore_mem>>) src(%arg11 : memref<128x144xf32, #tpu.memory_space<vmem>>) dst(%dma_wait3A_132 : memref<128x144xf32, #tpu.memory_space<hbm>>)
      tpu.yield
    }) : () -> ()
    %add3A_67 = arith.constant 256 : i32
    %add3A_68 = arith.addi %mul3A_2, %add3A_67 : i32
    %run_scoped3A_69 = arith.constant 0 : i32
    "tpu.region"() ({
      %run_scoped3A_124 = tpu.sem_alloc : memref<!tpu.dma_semaphore, #tpu.memory_space<semaphore_mem>>
      %dma_start3A_125 = arith.constant 0 : i32
      %dma_start3A_126 = tpu.memref_slice %arg8[%run_scoped3A_69, %dma_start3A_125] : memref<4x128xi32, #tpu.memory_space<vmem>> -> memref<1x128xi32, #tpu.memory_space<vmem>>
      %dma_start3A_127 = tpu.memref_squeeze %dma_start3A_126 : memref<1x128xi32, #tpu.memory_space<vmem>> -> memref<128xi32, #tpu.memory_space<vmem>>
      %dma_start3A_128 = tpu.memref_slice %arg5[%add3A_68] : memref<10240xi32, #tpu.memory_space<hbm>> -> memref<128xi32, #tpu.memory_space<hbm>>
      %dma_start3A_129 = arith.constant 0 : i32
      %dma_start3A_130 = tpu.memref_slice %arg8[%run_scoped3A_69, %dma_start3A_129] : memref<4x128xi32, #tpu.memory_space<vmem>> -> memref<1x128xi32, #tpu.memory_space<vmem>>
      %dma_start3A_131 = tpu.memref_squeeze %dma_start3A_130 : memref<1x128xi32, #tpu.memory_space<vmem>> -> memref<128xi32, #tpu.memory_space<vmem>>
      %dma_start3A_132 = tpu.memref_slice %arg5[%add3A_68] : memref<10240xi32, #tpu.memory_space<hbm>> -> memref<128xi32, #tpu.memory_space<hbm>>
      tpu.enqueue_dma source(%dma_start3A_132 : memref<128xi32, #tpu.memory_space<hbm>>) target(%dma_start3A_131 : memref<128xi32, #tpu.memory_space<vmem>>) target_semaphore(%run_scoped3A_124 : memref<!tpu.dma_semaphore, #tpu.memory_space<semaphore_mem>>)
      %dma_wait3A_133 = arith.constant 0 : i32
      %dma_wait3A_134 = tpu.memref_slice %arg8[%run_scoped3A_69, %dma_wait3A_133] : memref<4x128xi32, #tpu.memory_space<vmem>> -> memref<1x128xi32, #tpu.memory_space<vmem>>
      %dma_wait3A_135 = tpu.memref_squeeze %dma_wait3A_134 : memref<1x128xi32, #tpu.memory_space<vmem>> -> memref<128xi32, #tpu.memory_space<vmem>>
      %dma_wait3A_136 = tpu.memref_slice %arg5[%add3A_68] : memref<10240xi32, #tpu.memory_space<hbm>> -> memref<128xi32, #tpu.memory_space<hbm>>
      %dma_wait3A_137 = arith.constant 0 : i32
      %dma_wait3A_138 = tpu.memref_slice %arg8[%run_scoped3A_69, %dma_wait3A_137] : memref<4x128xi32, #tpu.memory_space<vmem>> -> memref<1x128xi32, #tpu.memory_space<vmem>>
      %dma_wait3A_139 = tpu.memref_squeeze %dma_wait3A_138 : memref<1x128xi32, #tpu.memory_space<vmem>> -> memref<128xi32, #tpu.memory_space<vmem>>
      %dma_wait3A_140 = tpu.memref_slice %arg5[%add3A_68] : memref<10240xi32, #tpu.memory_space<hbm>> -> memref<128xi32, #tpu.memory_space<hbm>>
      tpu.wait_dma2 semaphore(%run_scoped3A_124 : memref<!tpu.dma_semaphore, #tpu.memory_space<semaphore_mem>>) src(%dma_wait3A_140 : memref<128xi32, #tpu.memory_space<hbm>>) dst(%dma_wait3A_139 : memref<128xi32, #tpu.memory_space<vmem>>)
      tpu.yield
    }) : () -> ()
    %dma_start3A_70 = arith.constant 0 : i32
    %dma_start3A_71 = arith.constant 0 : i32
    %dma_start3A_72 = tpu.memref_slice %arg8[%dma_start3A_70, %dma_start3A_71] : memref<4x128xi32, #tpu.memory_space<vmem>> -> memref<1x128xi32, #tpu.memory_space<vmem>>
    %dma_start3A_73 = tpu.memref_squeeze %dma_start3A_72 : memref<1x128xi32, #tpu.memory_space<vmem>> -> memref<128xi32, #tpu.memory_space<vmem>>
    %dma_start3A_74 = arith.constant 0 : i32
    %dma_start3A_75 = arith.constant 0 : i32
    %dma_start3A_76 = tpu.memref_slice %arg12[%dma_start3A_74, %dma_start3A_75] : memref<10240x144xf32, #tpu.memory_space<vmem_shared>> -> memref<10240x144xf32, #tpu.memory_space<vmem_shared>>
    tpu.enqueue_indirect_dma source(%dma_start3A_76 : memref<10240x144xf32, #tpu.memory_space<vmem_shared>>) target(%arg11 : memref<128x144xf32, #tpu.memory_space<vmem>>) offsets(%dma_start3A_73 : memref<128xi32, #tpu.memory_space<vmem>>) semaphore(%arg13 : memref<!tpu.dma_semaphore, #tpu.memory_space<semaphore_mem>>)
    %dma_wait3A_77 = arith.constant 0 : i32
    %dma_wait3A_78 = arith.constant 0 : i32
    %dma_wait3A_79 = tpu.memref_slice %arg8[%dma_wait3A_77, %dma_wait3A_78] : memref<4x128xi32, #tpu.memory_space<vmem>> -> memref<1x128xi32, #tpu.memory_space<vmem>>
    %dma_wait3A_80 = tpu.memref_squeeze %dma_wait3A_79 : memref<1x128xi32, #tpu.memory_space<vmem>> -> memref<128xi32, #tpu.memory_space<vmem>>
    %dma_wait3A_81 = arith.constant 0 : i32
    %dma_wait3A_82 = arith.constant 0 : i32
    %dma_wait3A_83 = tpu.memref_slice %arg12[%dma_wait3A_81, %dma_wait3A_82] : memref<10240x144xf32, #tpu.memory_space<vmem_shared>> -> memref<10240x144xf32, #tpu.memory_space<vmem_shared>>
    tpu.wait_indirect_dma semaphore(%arg13 : memref<!tpu.dma_semaphore, #tpu.memory_space<semaphore_mem>>) src(%dma_wait3A_83 : memref<10240x144xf32, #tpu.memory_space<vmem_shared>>) dst(%arg11 : memref<128x144xf32, #tpu.memory_space<vmem>>)
    %add3A_84 = arith.constant 256 : i32
    %add3A_85 = arith.addi %add3A_5, %add3A_84 : i32
    "tpu.region"() ({
      %run_scoped3A_124 = tpu.sem_alloc : memref<!tpu.dma_semaphore, #tpu.memory_space<semaphore_mem>>
      %dma_start3A_125 = arith.constant 0 : i32
      %dma_start3A_126 = tpu.memref_slice %arg7[%add3A_85, %dma_start3A_125] : memref<20480x144xf32, #tpu.memory_space<hbm>> -> memref<128x144xf32, #tpu.memory_space<hbm>>
      %dma_start3A_127 = arith.constant 0 : i32
      %dma_start3A_128 = tpu.memref_slice %arg7[%add3A_85, %dma_start3A_127] : memref<20480x144xf32, #tpu.memory_space<hbm>> -> memref<128x144xf32, #tpu.memory_space<hbm>>
      tpu.enqueue_dma source(%arg11 : memref<128x144xf32, #tpu.memory_space<vmem>>) target(%dma_start3A_128 : memref<128x144xf32, #tpu.memory_space<hbm>>) target_semaphore(%run_scoped3A_124 : memref<!tpu.dma_semaphore, #tpu.memory_space<semaphore_mem>>)
      %dma_wait3A_129 = arith.constant 0 : i32
      %dma_wait3A_130 = tpu.memref_slice %arg7[%add3A_85, %dma_wait3A_129] : memref<20480x144xf32, #tpu.memory_space<hbm>> -> memref<128x144xf32, #tpu.memory_space<hbm>>
      %dma_wait3A_131 = arith.constant 0 : i32
      %dma_wait3A_132 = tpu.memref_slice %arg7[%add3A_85, %dma_wait3A_131] : memref<20480x144xf32, #tpu.memory_space<hbm>> -> memref<128x144xf32, #tpu.memory_space<hbm>>
      tpu.wait_dma2 semaphore(%run_scoped3A_124 : memref<!tpu.dma_semaphore, #tpu.memory_space<semaphore_mem>>) src(%arg11 : memref<128x144xf32, #tpu.memory_space<vmem>>) dst(%dma_wait3A_132 : memref<128x144xf32, #tpu.memory_space<hbm>>)
      tpu.yield
    }) : () -> ()
    %add3A_86 = arith.constant 384 : i32
    %add3A_87 = arith.addi %mul3A_2, %add3A_86 : i32
    %run_scoped3A_88 = arith.constant 0 : i32
    "tpu.region"() ({
      %run_scoped3A_124 = tpu.sem_alloc : memref<!tpu.dma_semaphore, #tpu.memory_space<semaphore_mem>>
      %dma_start3A_125 = arith.constant 0 : i32
      %dma_start3A_126 = tpu.memref_slice %arg8[%run_scoped3A_88, %dma_start3A_125] : memref<4x128xi32, #tpu.memory_space<vmem>> -> memref<1x128xi32, #tpu.memory_space<vmem>>
      %dma_start3A_127 = tpu.memref_squeeze %dma_start3A_126 : memref<1x128xi32, #tpu.memory_space<vmem>> -> memref<128xi32, #tpu.memory_space<vmem>>
      %dma_start3A_128 = tpu.memref_slice %arg5[%add3A_87] : memref<10240xi32, #tpu.memory_space<hbm>> -> memref<128xi32, #tpu.memory_space<hbm>>
      %dma_start3A_129 = arith.constant 0 : i32
      %dma_start3A_130 = tpu.memref_slice %arg8[%run_scoped3A_88, %dma_start3A_129] : memref<4x128xi32, #tpu.memory_space<vmem>> -> memref<1x128xi32, #tpu.memory_space<vmem>>
      %dma_start3A_131 = tpu.memref_squeeze %dma_start3A_130 : memref<1x128xi32, #tpu.memory_space<vmem>> -> memref<128xi32, #tpu.memory_space<vmem>>
      %dma_start3A_132 = tpu.memref_slice %arg5[%add3A_87] : memref<10240xi32, #tpu.memory_space<hbm>> -> memref<128xi32, #tpu.memory_space<hbm>>
      tpu.enqueue_dma source(%dma_start3A_132 : memref<128xi32, #tpu.memory_space<hbm>>) target(%dma_start3A_131 : memref<128xi32, #tpu.memory_space<vmem>>) target_semaphore(%run_scoped3A_124 : memref<!tpu.dma_semaphore, #tpu.memory_space<semaphore_mem>>)
      %dma_wait3A_133 = arith.constant 0 : i32
      %dma_wait3A_134 = tpu.memref_slice %arg8[%run_scoped3A_88, %dma_wait3A_133] : memref<4x128xi32, #tpu.memory_space<vmem>> -> memref<1x128xi32, #tpu.memory_space<vmem>>
      %dma_wait3A_135 = tpu.memref_squeeze %dma_wait3A_134 : memref<1x128xi32, #tpu.memory_space<vmem>> -> memref<128xi32, #tpu.memory_space<vmem>>
      %dma_wait3A_136 = tpu.memref_slice %arg5[%add3A_87] : memref<10240xi32, #tpu.memory_space<hbm>> -> memref<128xi32, #tpu.memory_space<hbm>>
      %dma_wait3A_137 = arith.constant 0 : i32
      %dma_wait3A_138 = tpu.memref_slice %arg8[%run_scoped3A_88, %dma_wait3A_137] : memref<4x128xi32, #tpu.memory_space<vmem>> -> memref<1x128xi32, #tpu.memory_space<vmem>>
      %dma_wait3A_139 = tpu.memref_squeeze %dma_wait3A_138 : memref<1x128xi32, #tpu.memory_space<vmem>> -> memref<128xi32, #tpu.memory_space<vmem>>
      %dma_wait3A_140 = tpu.memref_slice %arg5[%add3A_87] : memref<10240xi32, #tpu.memory_space<hbm>> -> memref<128xi32, #tpu.memory_space<hbm>>
      tpu.wait_dma2 semaphore(%run_scoped3A_124 : memref<!tpu.dma_semaphore, #tpu.memory_space<semaphore_mem>>) src(%dma_wait3A_140 : memref<128xi32, #tpu.memory_space<hbm>>) dst(%dma_wait3A_139 : memref<128xi32, #tpu.memory_space<vmem>>)
      tpu.yield
    }) : () -> ()
    %dma_start3A_89 = arith.constant 0 : i32
    %dma_start3A_90 = arith.constant 0 : i32
    %dma_start3A_91 = tpu.memref_slice %arg8[%dma_start3A_89, %dma_start3A_90] : memref<4x128xi32, #tpu.memory_space<vmem>> -> memref<1x128xi32, #tpu.memory_space<vmem>>
    %dma_start3A_92 = tpu.memref_squeeze %dma_start3A_91 : memref<1x128xi32, #tpu.memory_space<vmem>> -> memref<128xi32, #tpu.memory_space<vmem>>
    %dma_start3A_93 = arith.constant 0 : i32
    %dma_start3A_94 = arith.constant 0 : i32
    %dma_start3A_95 = tpu.memref_slice %arg12[%dma_start3A_93, %dma_start3A_94] : memref<10240x144xf32, #tpu.memory_space<vmem_shared>> -> memref<10240x144xf32, #tpu.memory_space<vmem_shared>>
    tpu.enqueue_indirect_dma source(%dma_start3A_95 : memref<10240x144xf32, #tpu.memory_space<vmem_shared>>) target(%arg11 : memref<128x144xf32, #tpu.memory_space<vmem>>) offsets(%dma_start3A_92 : memref<128xi32, #tpu.memory_space<vmem>>) semaphore(%arg13 : memref<!tpu.dma_semaphore, #tpu.memory_space<semaphore_mem>>)
    %dma_wait3A_96 = arith.constant 0 : i32
    %dma_wait3A_97 = arith.constant 0 : i32
    %dma_wait3A_98 = tpu.memref_slice %arg8[%dma_wait3A_96, %dma_wait3A_97] : memref<4x128xi32, #tpu.memory_space<vmem>> -> memref<1x128xi32, #tpu.memory_space<vmem>>
    %dma_wait3A_99 = tpu.memref_squeeze %dma_wait3A_98 : memref<1x128xi32, #tpu.memory_space<vmem>> -> memref<128xi32, #tpu.memory_space<vmem>>
    %dma_wait3A_100 = arith.constant 0 : i32
    %dma_wait3A_101 = arith.constant 0 : i32
    %dma_wait3A_102 = tpu.memref_slice %arg12[%dma_wait3A_100, %dma_wait3A_101] : memref<10240x144xf32, #tpu.memory_space<vmem_shared>> -> memref<10240x144xf32, #tpu.memory_space<vmem_shared>>
    tpu.wait_indirect_dma semaphore(%arg13 : memref<!tpu.dma_semaphore, #tpu.memory_space<semaphore_mem>>) src(%dma_wait3A_102 : memref<10240x144xf32, #tpu.memory_space<vmem_shared>>) dst(%arg11 : memref<128x144xf32, #tpu.memory_space<vmem>>)
    %add3A_103 = arith.constant 384 : i32
    %add3A_104 = arith.addi %add3A_5, %add3A_103 : i32
    "tpu.region"() ({
      %run_scoped3A_124 = tpu.sem_alloc : memref<!tpu.dma_semaphore, #tpu.memory_space<semaphore_mem>>
      %dma_start3A_125 = arith.constant 0 : i32
      %dma_start3A_126 = tpu.memref_slice %arg7[%add3A_104, %dma_start3A_125] : memref<20480x144xf32, #tpu.memory_space<hbm>> -> memref<128x144xf32, #tpu.memory_space<hbm>>
      %dma_start3A_127 = arith.constant 0 : i32
      %dma_start3A_128 = tpu.memref_slice %arg7[%add3A_104, %dma_start3A_127] : memref<20480x144xf32, #tpu.memory_space<hbm>> -> memref<128x144xf32, #tpu.memory_space<hbm>>
      tpu.enqueue_dma source(%arg11 : memref<128x144xf32, #tpu.memory_space<vmem>>) target(%dma_start3A_128 : memref<128x144xf32, #tpu.memory_space<hbm>>) target_semaphore(%run_scoped3A_124 : memref<!tpu.dma_semaphore, #tpu.memory_space<semaphore_mem>>)
      %dma_wait3A_129 = arith.constant 0 : i32
      %dma_wait3A_130 = tpu.memref_slice %arg7[%add3A_104, %dma_wait3A_129] : memref<20480x144xf32, #tpu.memory_space<hbm>> -> memref<128x144xf32, #tpu.memory_space<hbm>>
      %dma_wait3A_131 = arith.constant 0 : i32
      %dma_wait3A_132 = tpu.memref_slice %arg7[%add3A_104, %dma_wait3A_131] : memref<20480x144xf32, #tpu.memory_space<hbm>> -> memref<128x144xf32, #tpu.memory_space<hbm>>
      tpu.wait_dma2 semaphore(%run_scoped3A_124 : memref<!tpu.dma_semaphore, #tpu.memory_space<semaphore_mem>>) src(%arg11 : memref<128x144xf32, #tpu.memory_space<vmem>>) dst(%dma_wait3A_132 : memref<128x144xf32, #tpu.memory_space<hbm>>)
      tpu.yield
    }) : () -> ()
    %add3A_105 = arith.constant 512 : i32
    %add3A_106 = arith.addi %mul3A_2, %add3A_105 : i32
    %run_scoped3A_107 = arith.constant 0 : i32
    "tpu.region"() ({
      %run_scoped3A_124 = tpu.sem_alloc : memref<!tpu.dma_semaphore, #tpu.memory_space<semaphore_mem>>
      %dma_start3A_125 = arith.constant 0 : i32
      %dma_start3A_126 = tpu.memref_slice %arg8[%run_scoped3A_107, %dma_start3A_125] : memref<4x128xi32, #tpu.memory_space<vmem>> -> memref<1x128xi32, #tpu.memory_space<vmem>>
      %dma_start3A_127 = tpu.memref_squeeze %dma_start3A_126 : memref<1x128xi32, #tpu.memory_space<vmem>> -> memref<128xi32, #tpu.memory_space<vmem>>
      %dma_start3A_128 = tpu.memref_slice %arg5[%add3A_106] : memref<10240xi32, #tpu.memory_space<hbm>> -> memref<128xi32, #tpu.memory_space<hbm>>
      %dma_start3A_129 = arith.constant 0 : i32
      %dma_start3A_130 = tpu.memref_slice %arg8[%run_scoped3A_107, %dma_start3A_129] : memref<4x128xi32, #tpu.memory_space<vmem>> -> memref<1x128xi32, #tpu.memory_space<vmem>>
      %dma_start3A_131 = tpu.memref_squeeze %dma_start3A_130 : memref<1x128xi32, #tpu.memory_space<vmem>> -> memref<128xi32, #tpu.memory_space<vmem>>
      %dma_start3A_132 = tpu.memref_slice %arg5[%add3A_106] : memref<10240xi32, #tpu.memory_space<hbm>> -> memref<128xi32, #tpu.memory_space<hbm>>
      tpu.enqueue_dma source(%dma_start3A_132 : memref<128xi32, #tpu.memory_space<hbm>>) target(%dma_start3A_131 : memref<128xi32, #tpu.memory_space<vmem>>) target_semaphore(%run_scoped3A_124 : memref<!tpu.dma_semaphore, #tpu.memory_space<semaphore_mem>>)
      %dma_wait3A_133 = arith.constant 0 : i32
      %dma_wait3A_134 = tpu.memref_slice %arg8[%run_scoped3A_107, %dma_wait3A_133] : memref<4x128xi32, #tpu.memory_space<vmem>> -> memref<1x128xi32, #tpu.memory_space<vmem>>
      %dma_wait3A_135 = tpu.memref_squeeze %dma_wait3A_134 : memref<1x128xi32, #tpu.memory_space<vmem>> -> memref<128xi32, #tpu.memory_space<vmem>>
      %dma_wait3A_136 = tpu.memref_slice %arg5[%add3A_106] : memref<10240xi32, #tpu.memory_space<hbm>> -> memref<128xi32, #tpu.memory_space<hbm>>
      %dma_wait3A_137 = arith.constant 0 : i32
      %dma_wait3A_138 = tpu.memref_slice %arg8[%run_scoped3A_107, %dma_wait3A_137] : memref<4x128xi32, #tpu.memory_space<vmem>> -> memref<1x128xi32, #tpu.memory_space<vmem>>
      %dma_wait3A_139 = tpu.memref_squeeze %dma_wait3A_138 : memref<1x128xi32, #tpu.memory_space<vmem>> -> memref<128xi32, #tpu.memory_space<vmem>>
      %dma_wait3A_140 = tpu.memref_slice %arg5[%add3A_106] : memref<10240xi32, #tpu.memory_space<hbm>> -> memref<128xi32, #tpu.memory_space<hbm>>
      tpu.wait_dma2 semaphore(%run_scoped3A_124 : memref<!tpu.dma_semaphore, #tpu.memory_space<semaphore_mem>>) src(%dma_wait3A_140 : memref<128xi32, #tpu.memory_space<hbm>>) dst(%dma_wait3A_139 : memref<128xi32, #tpu.memory_space<vmem>>)
      tpu.yield
    }) : () -> ()
    %dma_start3A_108 = arith.constant 0 : i32
    %dma_start3A_109 = arith.constant 0 : i32
    %dma_start3A_110 = tpu.memref_slice %arg8[%dma_start3A_108, %dma_start3A_109] : memref<4x128xi32, #tpu.memory_space<vmem>> -> memref<1x128xi32, #tpu.memory_space<vmem>>
    %dma_start3A_111 = tpu.memref_squeeze %dma_start3A_110 : memref<1x128xi32, #tpu.memory_space<vmem>> -> memref<128xi32, #tpu.memory_space<vmem>>
    %dma_start3A_112 = arith.constant 0 : i32
    %dma_start3A_113 = arith.constant 0 : i32
    %dma_start3A_114 = tpu.memref_slice %arg12[%dma_start3A_112, %dma_start3A_113] : memref<10240x144xf32, #tpu.memory_space<vmem_shared>> -> memref<10240x144xf32, #tpu.memory_space<vmem_shared>>
    tpu.enqueue_indirect_dma source(%dma_start3A_114 : memref<10240x144xf32, #tpu.memory_space<vmem_shared>>) target(%arg11 : memref<128x144xf32, #tpu.memory_space<vmem>>) offsets(%dma_start3A_111 : memref<128xi32, #tpu.memory_space<vmem>>) semaphore(%arg13 : memref<!tpu.dma_semaphore, #tpu.memory_space<semaphore_mem>>)
    %dma_wait3A_115 = arith.constant 0 : i32
    %dma_wait3A_116 = arith.constant 0 : i32
    %dma_wait3A_117 = tpu.memref_slice %arg8[%dma_wait3A_115, %dma_wait3A_116] : memref<4x128xi32, #tpu.memory_space<vmem>> -> memref<1x128xi32, #tpu.memory_space<vmem>>
    %dma_wait3A_118 = tpu.memref_squeeze %dma_wait3A_117 : memref<1x128xi32, #tpu.memory_space<vmem>> -> memref<128xi32, #tpu.memory_space<vmem>>
    %dma_wait3A_119 = arith.constant 0 : i32
    %dma_wait3A_120 = arith.constant 0 : i32
    %dma_wait3A_121 = tpu.memref_slice %arg12[%dma_wait3A_119, %dma_wait3A_120] : memref<10240x144xf32, #tpu.memory_space<vmem_shared>> -> memref<10240x144xf32, #tpu.memory_space<vmem_shared>>
    tpu.wait_indirect_dma semaphore(%arg13 : memref<!tpu.dma_semaphore, #tpu.memory_space<semaphore_mem>>) src(%dma_wait3A_121 : memref<10240x144xf32, #tpu.memory_space<vmem_shared>>) dst(%arg11 : memref<128x144xf32, #tpu.memory_space<vmem>>)
    %add3A_122 = arith.constant 512 : i32
    %add3A_123 = arith.addi %add3A_5, %add3A_122 : i32
    "tpu.region"() ({
      %run_scoped3A_124 = tpu.sem_alloc : memref<!tpu.dma_semaphore, #tpu.memory_space<semaphore_mem>>
      %dma_start3A_125 = arith.constant 0 : i32
      %dma_start3A_126 = tpu.memref_slice %arg7[%add3A_123, %dma_start3A_125] : memref<20480x144xf32, #tpu.memory_space<hbm>> -> memref<128x144xf32, #tpu.memory_space<hbm>>
      %dma_start3A_127 = arith.constant 0 : i32
      %dma_start3A_128 = tpu.memref_slice %arg7[%add3A_123, %dma_start3A_127] : memref<20480x144xf32, #tpu.memory_space<hbm>> -> memref<128x144xf32, #tpu.memory_space<hbm>>
      tpu.enqueue_dma source(%arg11 : memref<128x144xf32, #tpu.memory_space<vmem>>) target(%dma_start3A_128 : memref<128x144xf32, #tpu.memory_space<hbm>>) target_semaphore(%run_scoped3A_124 : memref<!tpu.dma_semaphore, #tpu.memory_space<semaphore_mem>>)
      %dma_wait3A_129 = arith.constant 0 : i32
      %dma_wait3A_130 = tpu.memref_slice %arg7[%add3A_123, %dma_wait3A_129] : memref<20480x144xf32, #tpu.memory_space<hbm>> -> memref<128x144xf32, #tpu.memory_space<hbm>>
      %dma_wait3A_131 = arith.constant 0 : i32
      %dma_wait3A_132 = tpu.memref_slice %arg7[%add3A_123, %dma_wait3A_131] : memref<20480x144xf32, #tpu.memory_space<hbm>> -> memref<128x144xf32, #tpu.memory_space<hbm>>
      tpu.wait_dma2 semaphore(%run_scoped3A_124 : memref<!tpu.dma_semaphore, #tpu.memory_space<semaphore_mem>>) src(%arg11 : memref<128x144xf32, #tpu.memory_space<vmem>>) dst(%dma_wait3A_132 : memref<128x144xf32, #tpu.memory_space<hbm>>)
      tpu.yield
    }) : () -> ()
    return
  }
}

#map = affine_map<(d0, d1) -> (0, 0)>
#map1 = affine_map<(d0, d1) -> (0, 0, 0)>
#map2 = affine_map<(d0, d1) -> (0)>
module attributes {stable_mosaic.version = 14 : i64} {
  func.func @body(%arg0: i32, %arg1: i32, %arg2: memref<10240x144xf32, #tpu.memory_space<hbm>>, %arg3: memref<640x4x128xi32, #tpu.memory_space<hbm>>, %arg4: memref<640x4x128xi32, #tpu.memory_space<hbm>>, %arg5: memref<10240xi32, #tpu.memory_space<hbm>>, %arg6: memref<128x144xf32, #tpu.memory_space<hbm>>, %arg7: memref<20480x144xf32, #tpu.memory_space<hbm>>, %arg8: memref<4x128xi32, #tpu.memory_space<vmem>>, %arg9: memref<4x128xi32, #tpu.memory_space<vmem>>, %arg10: memref<128x144xf32, #tpu.memory_space<vmem>>, %arg11: memref<128x144xf32, #tpu.memory_space<vmem>>, %arg12: memref<10240x144xf32, #tpu.memory_space<vmem_shared>>, %arg13: memref<!tpu.dma_semaphore, #tpu.memory_space<semaphore_mem>>, %arg14: memref<!tpu.dma_semaphore, #tpu.memory_space<semaphore_mem>>, %arg15: memref<!tpu.dma_semaphore, #tpu.memory_space<semaphore_mem>>, %arg16: memref<!tpu.dma_semaphore, #tpu.memory_space<semaphore_mem>>) attributes {dimension_semantics = [#tpu.dimension_semantics<core_parallel>, #tpu.dimension_semantics<subcore_parallel>], iteration_bounds = array<i64: 2, 16>, scalar_prefetch = 0 : i64, scratch_operands = 9 : i64, tpu.core_type = #tpu.core_type<sc_vector_subcore>, window_params = [{transform_indices = #map}, {transform_indices = #map1}, {transform_indices = #map1}, {transform_indices = #map2}, {transform_indices = #map}, {transform_indices = #map}]} {
    %mul3A = arith.constant 16 : i32
    %mul3A_0 = arith.muli %arg0, %mul3A : i32
    %add3A = arith.addi %mul3A_0, %arg1 : i32
    %mul3A_1 = arith.constant 640 : i32
    %mul3A_2 = arith.muli %arg1, %mul3A_1 : i32
    %mul3A_3 = arith.constant 10240 : i32
    %mul3A_4 = arith.muli %arg0, %mul3A_3 : i32
    %add3A_5 = arith.addi %mul3A_4, %mul3A_2 : i32
    "tpu.region"() ({
      %run_scoped3A_124 = tpu.sem_alloc : memref<!tpu.dma_semaphore, #tpu.memory_space<semaphore_mem>>
      tpu.enqueue_dma source(%arg6 : memref<128x144xf32, #tpu.memory_space<hbm>>) target(%arg11 : memref<128x144xf32, #tpu.memory_space<vmem>>) target_semaphore(%run_scoped3A_124 : memref<!tpu.dma_semaphore, #tpu.memory_space<semaphore_mem>>)
      tpu.wait_dma2 semaphore(%run_scoped3A_124 : memref<!tpu.dma_semaphore, #tpu.memory_space<semaphore_mem>>) src(%arg6 : memref<128x144xf32, #tpu.memory_space<hbm>>) dst(%arg11 : memref<128x144xf32, #tpu.memory_space<vmem>>)
      tpu.yield
    }) : () -> ()
    %add3A_6 = arith.constant 0 : i32
    %add3A_7 = arith.addi %mul3A_2, %add3A_6 : i32
    %run_scoped3A = arith.constant 0 : i32
    "tpu.region"() ({
      %run_scoped3A_124 = tpu.sem_alloc : memref<!tpu.dma_semaphore, #tpu.memory_space<semaphore_mem>>
      %dma_start3A_125 = arith.constant 0 : i32
      %dma_start3A_126 = tpu.memref_slice %arg8[%run_scoped3A, %dma_start3A_125] : memref<4x128xi32, #tpu.memory_space<vmem>> -> memref<1x128xi32, #tpu.memory_space<vmem>>
      %dma_start3A_127 = tpu.memref_squeeze %dma_start3A_126 : memref<1x128xi32, #tpu.memory_space<vmem>> -> memref<128xi32, #tpu.memory_space<vmem>>
      %dma_start3A_128 = tpu.memref_slice %arg5[%add3A_7] : memref<10240xi32, #tpu.memory_space<hbm>> -> memref<128xi32, #tpu.memory_space<hbm>>
      %dma_start3A_129 = arith.constant 0 : i32
      %dma_start3A_130 = tpu.memref_slice %arg8[%run_scoped3A, %dma_start3A_129] : memref<4x128xi32, #tpu.memory_space<vmem>> -> memref<1x128xi32, #tpu.memory_space<vmem>>
      %dma_start3A_131 = tpu.memref_squeeze %dma_start3A_130 : memref<1x128xi32, #tpu.memory_space<vmem>> -> memref<128xi32, #tpu.memory_space<vmem>>
      %dma_start3A_132 = tpu.memref_slice %arg5[%add3A_7] : memref<10240xi32, #tpu.memory_space<hbm>> -> memref<128xi32, #tpu.memory_space<hbm>>
      tpu.enqueue_dma source(%dma_start3A_132 : memref<128xi32, #tpu.memory_space<hbm>>) target(%dma_start3A_131 : memref<128xi32, #tpu.memory_space<vmem>>) target_semaphore(%run_scoped3A_124 : memref<!tpu.dma_semaphore, #tpu.memory_space<semaphore_mem>>)
      %dma_wait3A_133 = arith.constant 0 : i32
      %dma_wait3A_134 = tpu.memref_slice %arg8[%run_scoped3A, %dma_wait3A_133] : memref<4x128xi32, #tpu.memory_space<vmem>> -> memref<1x128xi32, #tpu.memory_space<vmem>>
      %dma_wait3A_135 = tpu.memref_squeeze %dma_wait3A_134 : memref<1x128xi32, #tpu.memory_space<vmem>> -> memref<128xi32, #tpu.memory_space<vmem>>
      %dma_wait3A_136 = tpu.memref_slice %arg5[%add3A_7] : memref<10240xi32, #tpu.memory_space<hbm>> -> memref<128xi32, #tpu.memory_space<hbm>>
      %dma_wait3A_137 = arith.constant 0 : i32
      %dma_wait3A_138 = tpu.memref_slice %arg8[%run_scoped3A, %dma_wait3A_137] : memref<4x128xi32, #tpu.memory_space<vmem>> -> memref<1x128xi32, #tpu.memory_space<vmem>>
      %dma_wait3A_139 = tpu.memref_squeeze %dma_wait3A_138 : memref<1x128xi32, #tpu.memory_space<vmem>> -> memref<128xi32, #tpu.memory_space<vmem>>
      %dma_wait3A_140 = tpu.memref_slice %arg5[%add3A_7] : memref<10240xi32, #tpu.memory_space<hbm>> -> memref<128xi32, #tpu.memory_space<hbm>>
      tpu.wait_dma2 semaphore(%run_scoped3A_124 : memref<!tpu.dma_semaphore, #tpu.memory_space<semaphore_mem>>) src(%dma_wait3A_140 : memref<128xi32, #tpu.memory_space<hbm>>) dst(%dma_wait3A_139 : memref<128xi32, #tpu.memory_space<vmem>>)
      tpu.yield
    }) : () -> ()
    %run_scoped3A_8 = arith.constant 0 : i32
    "tpu.region"() ({
      %run_scoped3A_124 = tpu.sem_alloc : memref<!tpu.dma_semaphore, #tpu.memory_space<semaphore_mem>>
      %dma_start3A_125 = arith.constant 0 : i32
      %dma_start3A_126 = tpu.memref_slice %arg8[%run_scoped3A_8, %dma_start3A_125] : memref<4x128xi32, #tpu.memory_space<vmem>> -> memref<1x128xi32, #tpu.memory_space<vmem>>
      %dma_start3A_127 = tpu.memref_squeeze %dma_start3A_126 : memref<1x128xi32, #tpu.memory_space<vmem>> -> memref<128xi32, #tpu.memory_space<vmem>>
      %dma_start3A_128 = arith.constant 0 : i32
      %dma_start3A_129 = arith.constant 0 : i32
      %dma_start3A_130 = tpu.memref_slice %arg12[%dma_start3A_128, %dma_start3A_129] : memref<10240x144xf32, #tpu.memory_space<vmem_shared>> -> memref<10240x144xf32, #tpu.memory_space<vmem_shared>>
      tpu.enqueue_indirect_dma source(%arg11 : memref<128x144xf32, #tpu.memory_space<vmem>>) target(%dma_start3A_130 : memref<10240x144xf32, #tpu.memory_space<vmem_shared>>) offsets(%dma_start3A_127 : memref<128xi32, #tpu.memory_space<vmem>>) semaphore(%run_scoped3A_124 : memref<!tpu.dma_semaphore, #tpu.memory_space<semaphore_mem>>)
      %dma_wait3A_131 = arith.constant 0 : i32
      %dma_wait3A_132 = tpu.memref_slice %arg8[%run_scoped3A_8, %dma_wait3A_131] : memref<4x128xi32, #tpu.memory_space<vmem>> -> memref<1x128xi32, #tpu.memory_space<vmem>>
      %dma_wait3A_133 = tpu.memref_squeeze %dma_wait3A_132 : memref<1x128xi32, #tpu.memory_space<vmem>> -> memref<128xi32, #tpu.memory_space<vmem>>
      %dma_wait3A_134 = arith.constant 0 : i32
      %dma_wait3A_135 = arith.constant 0 : i32
      %dma_wait3A_136 = tpu.memref_slice %arg12[%dma_wait3A_134, %dma_wait3A_135] : memref<10240x144xf32, #tpu.memory_space<vmem_shared>> -> memref<10240x144xf32, #tpu.memory_space<vmem_shared>>
      tpu.wait_indirect_dma semaphore(%run_scoped3A_124 : memref<!tpu.dma_semaphore, #tpu.memory_space<semaphore_mem>>) src(%arg11 : memref<128x144xf32, #tpu.memory_space<vmem>>) dst(%dma_wait3A_136 : memref<10240x144xf32, #tpu.memory_space<vmem_shared>>)
      tpu.yield
    }) : () -> ()
    %add3A_9 = arith.constant 128 : i32
    %add3A_10 = arith.addi %mul3A_2, %add3A_9 : i32
    %run_scoped3A_11 = arith.constant 0 : i32
    "tpu.region"() ({
      %run_scoped3A_124 = tpu.sem_alloc : memref<!tpu.dma_semaphore, #tpu.memory_space<semaphore_mem>>
      %dma_start3A_125 = arith.constant 0 : i32
      %dma_start3A_126 = tpu.memref_slice %arg8[%run_scoped3A_11, %dma_start3A_125] : memref<4x128xi32, #tpu.memory_space<vmem>> -> memref<1x128xi32, #tpu.memory_space<vmem>>
      %dma_start3A_127 = tpu.memref_squeeze %dma_start3A_126 : memref<1x128xi32, #tpu.memory_space<vmem>> -> memref<128xi32, #tpu.memory_space<vmem>>
      %dma_start3A_128 = tpu.memref_slice %arg5[%add3A_10] : memref<10240xi32, #tpu.memory_space<hbm>> -> memref<128xi32, #tpu.memory_space<hbm>>
      %dma_start3A_129 = arith.constant 0 : i32
      %dma_start3A_130 = tpu.memref_slice %arg8[%run_scoped3A_11, %dma_start3A_129] : memref<4x128xi32, #tpu.memory_space<vmem>> -> memref<1x128xi32, #tpu.memory_space<vmem>>
      %dma_start3A_131 = tpu.memref_squeeze %dma_start3A_130 : memref<1x128xi32, #tpu.memory_space<vmem>> -> memref<128xi32, #tpu.memory_space<vmem>>
      %dma_start3A_132 = tpu.memref_slice %arg5[%add3A_10] : memref<10240xi32, #tpu.memory_space<hbm>> -> memref<128xi32, #tpu.memory_space<hbm>>
      tpu.enqueue_dma source(%dma_start3A_132 : memref<128xi32, #tpu.memory_space<hbm>>) target(%dma_start3A_131 : memref<128xi32, #tpu.memory_space<vmem>>) target_semaphore(%run_scoped3A_124 : memref<!tpu.dma_semaphore, #tpu.memory_space<semaphore_mem>>)
      %dma_wait3A_133 = arith.constant 0 : i32
      %dma_wait3A_134 = tpu.memref_slice %arg8[%run_scoped3A_11, %dma_wait3A_133] : memref<4x128xi32, #tpu.memory_space<vmem>> -> memref<1x128xi32, #tpu.memory_space<vmem>>
      %dma_wait3A_135 = tpu.memref_squeeze %dma_wait3A_134 : memref<1x128xi32, #tpu.memory_space<vmem>> -> memref<128xi32, #tpu.memory_space<vmem>>
      %dma_wait3A_136 = tpu.memref_slice %arg5[%add3A_10] : memref<10240xi32, #tpu.memory_space<hbm>> -> memref<128xi32, #tpu.memory_space<hbm>>
      %dma_wait3A_137 = arith.constant 0 : i32
      %dma_wait3A_138 = tpu.memref_slice %arg8[%run_scoped3A_11, %dma_wait3A_137] : memref<4x128xi32, #tpu.memory_space<vmem>> -> memref<1x128xi32, #tpu.memory_space<vmem>>
      %dma_wait3A_139 = tpu.memref_squeeze %dma_wait3A_138 : memref<1x128xi32, #tpu.memory_space<vmem>> -> memref<128xi32, #tpu.memory_space<vmem>>
      %dma_wait3A_140 = tpu.memref_slice %arg5[%add3A_10] : memref<10240xi32, #tpu.memory_space<hbm>> -> memref<128xi32, #tpu.memory_space<hbm>>
      tpu.wait_dma2 semaphore(%run_scoped3A_124 : memref<!tpu.dma_semaphore, #tpu.memory_space<semaphore_mem>>) src(%dma_wait3A_140 : memref<128xi32, #tpu.memory_space<hbm>>) dst(%dma_wait3A_139 : memref<128xi32, #tpu.memory_space<vmem>>)
      tpu.yield
    }) : () -> ()
    %run_scoped3A_12 = arith.constant 0 : i32
    "tpu.region"() ({
      %run_scoped3A_124 = tpu.sem_alloc : memref<!tpu.dma_semaphore, #tpu.memory_space<semaphore_mem>>
      %dma_start3A_125 = arith.constant 0 : i32
      %dma_start3A_126 = tpu.memref_slice %arg8[%run_scoped3A_12, %dma_start3A_125] : memref<4x128xi32, #tpu.memory_space<vmem>> -> memref<1x128xi32, #tpu.memory_space<vmem>>
      %dma_start3A_127 = tpu.memref_squeeze %dma_start3A_126 : memref<1x128xi32, #tpu.memory_space<vmem>> -> memref<128xi32, #tpu.memory_space<vmem>>
      %dma_start3A_128 = arith.constant 0 : i32
      %dma_start3A_129 = arith.constant 0 : i32
      %dma_start3A_130 = tpu.memref_slice %arg12[%dma_start3A_128, %dma_start3A_129] : memref<10240x144xf32, #tpu.memory_space<vmem_shared>> -> memref<10240x144xf32, #tpu.memory_space<vmem_shared>>
      tpu.enqueue_indirect_dma source(%arg11 : memref<128x144xf32, #tpu.memory_space<vmem>>) target(%dma_start3A_130 : memref<10240x144xf32, #tpu.memory_space<vmem_shared>>) offsets(%dma_start3A_127 : memref<128xi32, #tpu.memory_space<vmem>>) semaphore(%run_scoped3A_124 : memref<!tpu.dma_semaphore, #tpu.memory_space<semaphore_mem>>)
      %dma_wait3A_131 = arith.constant 0 : i32
      %dma_wait3A_132 = tpu.memref_slice %arg8[%run_scoped3A_12, %dma_wait3A_131] : memref<4x128xi32, #tpu.memory_space<vmem>> -> memref<1x128xi32, #tpu.memory_space<vmem>>
      %dma_wait3A_133 = tpu.memref_squeeze %dma_wait3A_132 : memref<1x128xi32, #tpu.memory_space<vmem>> -> memref<128xi32, #tpu.memory_space<vmem>>
      %dma_wait3A_134 = arith.constant 0 : i32
      %dma_wait3A_135 = arith.constant 0 : i32
      %dma_wait3A_136 = tpu.memref_slice %arg12[%dma_wait3A_134, %dma_wait3A_135] : memref<10240x144xf32, #tpu.memory_space<vmem_shared>> -> memref<10240x144xf32, #tpu.memory_space<vmem_shared>>
      tpu.wait_indirect_dma semaphore(%run_scoped3A_124 : memref<!tpu.dma_semaphore, #tpu.memory_space<semaphore_mem>>) src(%arg11 : memref<128x144xf32, #tpu.memory_space<vmem>>) dst(%dma_wait3A_136 : memref<10240x144xf32, #tpu.memory_space<vmem_shared>>)
      tpu.yield
    }) : () -> ()
    %add3A_13 = arith.constant 256 : i32
    %add3A_14 = arith.addi %mul3A_2, %add3A_13 : i32
    %run_scoped3A_15 = arith.constant 0 : i32
    "tpu.region"() ({
      %run_scoped3A_124 = tpu.sem_alloc : memref<!tpu.dma_semaphore, #tpu.memory_space<semaphore_mem>>
      %dma_start3A_125 = arith.constant 0 : i32
      %dma_start3A_126 = tpu.memref_slice %arg8[%run_scoped3A_15, %dma_start3A_125] : memref<4x128xi32, #tpu.memory_space<vmem>> -> memref<1x128xi32, #tpu.memory_space<vmem>>
      %dma_start3A_127 = tpu.memref_squeeze %dma_start3A_126 : memref<1x128xi32, #tpu.memory_space<vmem>> -> memref<128xi32, #tpu.memory_space<vmem>>
      %dma_start3A_128 = tpu.memref_slice %arg5[%add3A_14] : memref<10240xi32, #tpu.memory_space<hbm>> -> memref<128xi32, #tpu.memory_space<hbm>>
      %dma_start3A_129 = arith.constant 0 : i32
      %dma_start3A_130 = tpu.memref_slice %arg8[%run_scoped3A_15, %dma_start3A_129] : memref<4x128xi32, #tpu.memory_space<vmem>> -> memref<1x128xi32, #tpu.memory_space<vmem>>
      %dma_start3A_131 = tpu.memref_squeeze %dma_start3A_130 : memref<1x128xi32, #tpu.memory_space<vmem>> -> memref<128xi32, #tpu.memory_space<vmem>>
      %dma_start3A_132 = tpu.memref_slice %arg5[%add3A_14] : memref<10240xi32, #tpu.memory_space<hbm>> -> memref<128xi32, #tpu.memory_space<hbm>>
      tpu.enqueue_dma source(%dma_start3A_132 : memref<128xi32, #tpu.memory_space<hbm>>) target(%dma_start3A_131 : memref<128xi32, #tpu.memory_space<vmem>>) target_semaphore(%run_scoped3A_124 : memref<!tpu.dma_semaphore, #tpu.memory_space<semaphore_mem>>)
      %dma_wait3A_133 = arith.constant 0 : i32
      %dma_wait3A_134 = tpu.memref_slice %arg8[%run_scoped3A_15, %dma_wait3A_133] : memref<4x128xi32, #tpu.memory_space<vmem>> -> memref<1x128xi32, #tpu.memory_space<vmem>>
      %dma_wait3A_135 = tpu.memref_squeeze %dma_wait3A_134 : memref<1x128xi32, #tpu.memory_space<vmem>> -> memref<128xi32, #tpu.memory_space<vmem>>
      %dma_wait3A_136 = tpu.memref_slice %arg5[%add3A_14] : memref<10240xi32, #tpu.memory_space<hbm>> -> memref<128xi32, #tpu.memory_space<hbm>>
      %dma_wait3A_137 = arith.constant 0 : i32
      %dma_wait3A_138 = tpu.memref_slice %arg8[%run_scoped3A_15, %dma_wait3A_137] : memref<4x128xi32, #tpu.memory_space<vmem>> -> memref<1x128xi32, #tpu.memory_space<vmem>>
      %dma_wait3A_139 = tpu.memref_squeeze %dma_wait3A_138 : memref<1x128xi32, #tpu.memory_space<vmem>> -> memref<128xi32, #tpu.memory_space<vmem>>
      %dma_wait3A_140 = tpu.memref_slice %arg5[%add3A_14] : memref<10240xi32, #tpu.memory_space<hbm>> -> memref<128xi32, #tpu.memory_space<hbm>>
      tpu.wait_dma2 semaphore(%run_scoped3A_124 : memref<!tpu.dma_semaphore, #tpu.memory_space<semaphore_mem>>) src(%dma_wait3A_140 : memref<128xi32, #tpu.memory_space<hbm>>) dst(%dma_wait3A_139 : memref<128xi32, #tpu.memory_space<vmem>>)
      tpu.yield
    }) : () -> ()
    %run_scoped3A_16 = arith.constant 0 : i32
    "tpu.region"() ({
      %run_scoped3A_124 = tpu.sem_alloc : memref<!tpu.dma_semaphore, #tpu.memory_space<semaphore_mem>>
      %dma_start3A_125 = arith.constant 0 : i32
      %dma_start3A_126 = tpu.memref_slice %arg8[%run_scoped3A_16, %dma_start3A_125] : memref<4x128xi32, #tpu.memory_space<vmem>> -> memref<1x128xi32, #tpu.memory_space<vmem>>
      %dma_start3A_127 = tpu.memref_squeeze %dma_start3A_126 : memref<1x128xi32, #tpu.memory_space<vmem>> -> memref<128xi32, #tpu.memory_space<vmem>>
      %dma_start3A_128 = arith.constant 0 : i32
      %dma_start3A_129 = arith.constant 0 : i32
      %dma_start3A_130 = tpu.memref_slice %arg12[%dma_start3A_128, %dma_start3A_129] : memref<10240x144xf32, #tpu.memory_space<vmem_shared>> -> memref<10240x144xf32, #tpu.memory_space<vmem_shared>>
      tpu.enqueue_indirect_dma source(%arg11 : memref<128x144xf32, #tpu.memory_space<vmem>>) target(%dma_start3A_130 : memref<10240x144xf32, #tpu.memory_space<vmem_shared>>) offsets(%dma_start3A_127 : memref<128xi32, #tpu.memory_space<vmem>>) semaphore(%run_scoped3A_124 : memref<!tpu.dma_semaphore, #tpu.memory_space<semaphore_mem>>)
      %dma_wait3A_131 = arith.constant 0 : i32
      %dma_wait3A_132 = tpu.memref_slice %arg8[%run_scoped3A_16, %dma_wait3A_131] : memref<4x128xi32, #tpu.memory_space<vmem>> -> memref<1x128xi32, #tpu.memory_space<vmem>>
      %dma_wait3A_133 = tpu.memref_squeeze %dma_wait3A_132 : memref<1x128xi32, #tpu.memory_space<vmem>> -> memref<128xi32, #tpu.memory_space<vmem>>
      %dma_wait3A_134 = arith.constant 0 : i32
      %dma_wait3A_135 = arith.constant 0 : i32
      %dma_wait3A_136 = tpu.memref_slice %arg12[%dma_wait3A_134, %dma_wait3A_135] : memref<10240x144xf32, #tpu.memory_space<vmem_shared>> -> memref<10240x144xf32, #tpu.memory_space<vmem_shared>>
      tpu.wait_indirect_dma semaphore(%run_scoped3A_124 : memref<!tpu.dma_semaphore, #tpu.memory_space<semaphore_mem>>) src(%arg11 : memref<128x144xf32, #tpu.memory_space<vmem>>) dst(%dma_wait3A_136 : memref<10240x144xf32, #tpu.memory_space<vmem_shared>>)
      tpu.yield
    }) : () -> ()
    %add3A_17 = arith.constant 384 : i32
    %add3A_18 = arith.addi %mul3A_2, %add3A_17 : i32
    %run_scoped3A_19 = arith.constant 0 : i32
    "tpu.region"() ({
      %run_scoped3A_124 = tpu.sem_alloc : memref<!tpu.dma_semaphore, #tpu.memory_space<semaphore_mem>>
      %dma_start3A_125 = arith.constant 0 : i32
      %dma_start3A_126 = tpu.memref_slice %arg8[%run_scoped3A_19, %dma_start3A_125] : memref<4x128xi32, #tpu.memory_space<vmem>> -> memref<1x128xi32, #tpu.memory_space<vmem>>
      %dma_start3A_127 = tpu.memref_squeeze %dma_start3A_126 : memref<1x128xi32, #tpu.memory_space<vmem>> -> memref<128xi32, #tpu.memory_space<vmem>>
      %dma_start3A_128 = tpu.memref_slice %arg5[%add3A_18] : memref<10240xi32, #tpu.memory_space<hbm>> -> memref<128xi32, #tpu.memory_space<hbm>>
      %dma_start3A_129 = arith.constant 0 : i32
      %dma_start3A_130 = tpu.memref_slice %arg8[%run_scoped3A_19, %dma_start3A_129] : memref<4x128xi32, #tpu.memory_space<vmem>> -> memref<1x128xi32, #tpu.memory_space<vmem>>
      %dma_start3A_131 = tpu.memref_squeeze %dma_start3A_130 : memref<1x128xi32, #tpu.memory_space<vmem>> -> memref<128xi32, #tpu.memory_space<vmem>>
      %dma_start3A_132 = tpu.memref_slice %arg5[%add3A_18] : memref<10240xi32, #tpu.memory_space<hbm>> -> memref<128xi32, #tpu.memory_space<hbm>>
      tpu.enqueue_dma source(%dma_start3A_132 : memref<128xi32, #tpu.memory_space<hbm>>) target(%dma_start3A_131 : memref<128xi32, #tpu.memory_space<vmem>>) target_semaphore(%run_scoped3A_124 : memref<!tpu.dma_semaphore, #tpu.memory_space<semaphore_mem>>)
      %dma_wait3A_133 = arith.constant 0 : i32
      %dma_wait3A_134 = tpu.memref_slice %arg8[%run_scoped3A_19, %dma_wait3A_133] : memref<4x128xi32, #tpu.memory_space<vmem>> -> memref<1x128xi32, #tpu.memory_space<vmem>>
      %dma_wait3A_135 = tpu.memref_squeeze %dma_wait3A_134 : memref<1x128xi32, #tpu.memory_space<vmem>> -> memref<128xi32, #tpu.memory_space<vmem>>
      %dma_wait3A_136 = tpu.memref_slice %arg5[%add3A_18] : memref<10240xi32, #tpu.memory_space<hbm>> -> memref<128xi32, #tpu.memory_space<hbm>>
      %dma_wait3A_137 = arith.constant 0 : i32
      %dma_wait3A_138 = tpu.memref_slice %arg8[%run_scoped3A_19, %dma_wait3A_137] : memref<4x128xi32, #tpu.memory_space<vmem>> -> memref<1x128xi32, #tpu.memory_space<vmem>>
      %dma_wait3A_139 = tpu.memref_squeeze %dma_wait3A_138 : memref<1x128xi32, #tpu.memory_space<vmem>> -> memref<128xi32, #tpu.memory_space<vmem>>
      %dma_wait3A_140 = tpu.memref_slice %arg5[%add3A_18] : memref<10240xi32, #tpu.memory_space<hbm>> -> memref<128xi32, #tpu.memory_space<hbm>>
      tpu.wait_dma2 semaphore(%run_scoped3A_124 : memref<!tpu.dma_semaphore, #tpu.memory_space<semaphore_mem>>) src(%dma_wait3A_140 : memref<128xi32, #tpu.memory_space<hbm>>) dst(%dma_wait3A_139 : memref<128xi32, #tpu.memory_space<vmem>>)
      tpu.yield
    }) : () -> ()
    %run_scoped3A_20 = arith.constant 0 : i32
    "tpu.region"() ({
      %run_scoped3A_124 = tpu.sem_alloc : memref<!tpu.dma_semaphore, #tpu.memory_space<semaphore_mem>>
      %dma_start3A_125 = arith.constant 0 : i32
      %dma_start3A_126 = tpu.memref_slice %arg8[%run_scoped3A_20, %dma_start3A_125] : memref<4x128xi32, #tpu.memory_space<vmem>> -> memref<1x128xi32, #tpu.memory_space<vmem>>
      %dma_start3A_127 = tpu.memref_squeeze %dma_start3A_126 : memref<1x128xi32, #tpu.memory_space<vmem>> -> memref<128xi32, #tpu.memory_space<vmem>>
      %dma_start3A_128 = arith.constant 0 : i32
      %dma_start3A_129 = arith.constant 0 : i32
      %dma_start3A_130 = tpu.memref_slice %arg12[%dma_start3A_128, %dma_start3A_129] : memref<10240x144xf32, #tpu.memory_space<vmem_shared>> -> memref<10240x144xf32, #tpu.memory_space<vmem_shared>>
      tpu.enqueue_indirect_dma source(%arg11 : memref<128x144xf32, #tpu.memory_space<vmem>>) target(%dma_start3A_130 : memref<10240x144xf32, #tpu.memory_space<vmem_shared>>) offsets(%dma_start3A_127 : memref<128xi32, #tpu.memory_space<vmem>>) semaphore(%run_scoped3A_124 : memref<!tpu.dma_semaphore, #tpu.memory_space<semaphore_mem>>)
      %dma_wait3A_131 = arith.constant 0 : i32
      %dma_wait3A_132 = tpu.memref_slice %arg8[%run_scoped3A_20, %dma_wait3A_131] : memref<4x128xi32, #tpu.memory_space<vmem>> -> memref<1x128xi32, #tpu.memory_space<vmem>>
      %dma_wait3A_133 = tpu.memref_squeeze %dma_wait3A_132 : memref<1x128xi32, #tpu.memory_space<vmem>> -> memref<128xi32, #tpu.memory_space<vmem>>
      %dma_wait3A_134 = arith.constant 0 : i32
      %dma_wait3A_135 = arith.constant 0 : i32
      %dma_wait3A_136 = tpu.memref_slice %arg12[%dma_wait3A_134, %dma_wait3A_135] : memref<10240x144xf32, #tpu.memory_space<vmem_shared>> -> memref<10240x144xf32, #tpu.memory_space<vmem_shared>>
      tpu.wait_indirect_dma semaphore(%run_scoped3A_124 : memref<!tpu.dma_semaphore, #tpu.memory_space<semaphore_mem>>) src(%arg11 : memref<128x144xf32, #tpu.memory_space<vmem>>) dst(%dma_wait3A_136 : memref<10240x144xf32, #tpu.memory_space<vmem_shared>>)
      tpu.yield
    }) : () -> ()
    %add3A_21 = arith.constant 512 : i32
    %add3A_22 = arith.addi %mul3A_2, %add3A_21 : i32
    %run_scoped3A_23 = arith.constant 0 : i32
    "tpu.region"() ({
      %run_scoped3A_124 = tpu.sem_alloc : memref<!tpu.dma_semaphore, #tpu.memory_space<semaphore_mem>>
      %dma_start3A_125 = arith.constant 0 : i32
      %dma_start3A_126 = tpu.memref_slice %arg8[%run_scoped3A_23, %dma_start3A_125] : memref<4x128xi32, #tpu.memory_space<vmem>> -> memref<1x128xi32, #tpu.memory_space<vmem>>
      %dma_start3A_127 = tpu.memref_squeeze %dma_start3A_126 : memref<1x128xi32, #tpu.memory_space<vmem>> -> memref<128xi32, #tpu.memory_space<vmem>>
      %dma_start3A_128 = tpu.memref_slice %arg5[%add3A_22] : memref<10240xi32, #tpu.memory_space<hbm>> -> memref<128xi32, #tpu.memory_space<hbm>>
      %dma_start3A_129 = arith.constant 0 : i32
      %dma_start3A_130 = tpu.memref_slice %arg8[%run_scoped3A_23, %dma_start3A_129] : memref<4x128xi32, #tpu.memory_space<vmem>> -> memref<1x128xi32, #tpu.memory_space<vmem>>
      %dma_start3A_131 = tpu.memref_squeeze %dma_start3A_130 : memref<1x128xi32, #tpu.memory_space<vmem>> -> memref<128xi32, #tpu.memory_space<vmem>>
      %dma_start3A_132 = tpu.memref_slice %arg5[%add3A_22] : memref<10240xi32, #tpu.memory_space<hbm>> -> memref<128xi32, #tpu.memory_space<hbm>>
      tpu.enqueue_dma source(%dma_start3A_132 : memref<128xi32, #tpu.memory_space<hbm>>) target(%dma_start3A_131 : memref<128xi32, #tpu.memory_space<vmem>>) target_semaphore(%run_scoped3A_124 : memref<!tpu.dma_semaphore, #tpu.memory_space<semaphore_mem>>)
      %dma_wait3A_133 = arith.constant 0 : i32
      %dma_wait3A_134 = tpu.memref_slice %arg8[%run_scoped3A_23, %dma_wait3A_133] : memref<4x128xi32, #tpu.memory_space<vmem>> -> memref<1x128xi32, #tpu.memory_space<vmem>>
      %dma_wait3A_135 = tpu.memref_squeeze %dma_wait3A_134 : memref<1x128xi32, #tpu.memory_space<vmem>> -> memref<128xi32, #tpu.memory_space<vmem>>
      %dma_wait3A_136 = tpu.memref_slice %arg5[%add3A_22] : memref<10240xi32, #tpu.memory_space<hbm>> -> memref<128xi32, #tpu.memory_space<hbm>>
      %dma_wait3A_137 = arith.constant 0 : i32
      %dma_wait3A_138 = tpu.memref_slice %arg8[%run_scoped3A_23, %dma_wait3A_137] : memref<4x128xi32, #tpu.memory_space<vmem>> -> memref<1x128xi32, #tpu.memory_space<vmem>>
      %dma_wait3A_139 = tpu.memref_squeeze %dma_wait3A_138 : memref<1x128xi32, #tpu.memory_space<vmem>> -> memref<128xi32, #tpu.memory_space<vmem>>
      %dma_wait3A_140 = tpu.memref_slice %arg5[%add3A_22] : memref<10240xi32, #tpu.memory_space<hbm>> -> memref<128xi32, #tpu.memory_space<hbm>>
      tpu.wait_dma2 semaphore(%run_scoped3A_124 : memref<!tpu.dma_semaphore, #tpu.memory_space<semaphore_mem>>) src(%dma_wait3A_140 : memref<128xi32, #tpu.memory_space<hbm>>) dst(%dma_wait3A_139 : memref<128xi32, #tpu.memory_space<vmem>>)
      tpu.yield
    }) : () -> ()
    %run_scoped3A_24 = arith.constant 0 : i32
    "tpu.region"() ({
      %run_scoped3A_124 = tpu.sem_alloc : memref<!tpu.dma_semaphore, #tpu.memory_space<semaphore_mem>>
      %dma_start3A_125 = arith.constant 0 : i32
      %dma_start3A_126 = tpu.memref_slice %arg8[%run_scoped3A_24, %dma_start3A_125] : memref<4x128xi32, #tpu.memory_space<vmem>> -> memref<1x128xi32, #tpu.memory_space<vmem>>
      %dma_start3A_127 = tpu.memref_squeeze %dma_start3A_126 : memref<1x128xi32, #tpu.memory_space<vmem>> -> memref<128xi32, #tpu.memory_space<vmem>>
      %dma_start3A_128 = arith.constant 0 : i32
      %dma_start3A_129 = arith.constant 0 : i32
      %dma_start3A_130 = tpu.memref_slice %arg12[%dma_start3A_128, %dma_start3A_129] : memref<10240x144xf32, #tpu.memory_space<vmem_shared>> -> memref<10240x144xf32, #tpu.memory_space<vmem_shared>>
      tpu.enqueue_indirect_dma source(%arg11 : memref<128x144xf32, #tpu.memory_space<vmem>>) target(%dma_start3A_130 : memref<10240x144xf32, #tpu.memory_space<vmem_shared>>) offsets(%dma_start3A_127 : memref<128xi32, #tpu.memory_space<vmem>>) semaphore(%run_scoped3A_124 : memref<!tpu.dma_semaphore, #tpu.memory_space<semaphore_mem>>)
      %dma_wait3A_131 = arith.constant 0 : i32
      %dma_wait3A_132 = tpu.memref_slice %arg8[%run_scoped3A_24, %dma_wait3A_131] : memref<4x128xi32, #tpu.memory_space<vmem>> -> memref<1x128xi32, #tpu.memory_space<vmem>>
      %dma_wait3A_133 = tpu.memref_squeeze %dma_wait3A_132 : memref<1x128xi32, #tpu.memory_space<vmem>> -> memref<128xi32, #tpu.memory_space<vmem>>
      %dma_wait3A_134 = arith.constant 0 : i32
      %dma_wait3A_135 = arith.constant 0 : i32
      %dma_wait3A_136 = tpu.memref_slice %arg12[%dma_wait3A_134, %dma_wait3A_135] : memref<10240x144xf32, #tpu.memory_space<vmem_shared>> -> memref<10240x144xf32, #tpu.memory_space<vmem_shared>>
      tpu.wait_indirect_dma semaphore(%run_scoped3A_124 : memref<!tpu.dma_semaphore, #tpu.memory_space<semaphore_mem>>) src(%arg11 : memref<128x144xf32, #tpu.memory_space<vmem>>) dst(%dma_wait3A_136 : memref<10240x144xf32, #tpu.memory_space<vmem_shared>>)
      tpu.yield
    }) : () -> ()
    %barrier3A = arith.constant 0 : index
    tpu.barrier barrier_id(%barrier3A)
    %scan3A = arith.constant 0 : i32
    %scan3A_25 = arith.constant 0 : i32
    %scan3A_26 = arith.constant 20 : i32
    %scan3A_27 = arith.addi %scan3A_25, %scan3A_26 : i32
    %scan3A_28 = arith.constant 1 : i32
    scf.for %scan3A_124 = %scan3A_25 to %scan3A_27 step %scan3A_28  : i32 {
      %mul3A_125 = arith.constant 20 : i32
      %mul3A_126 = arith.muli %add3A, %mul3A_125 : i32
      %add3A_127 = arith.addi %mul3A_126, %scan3A_124 : i32
      "tpu.region"() ({
        %run_scoped3A_243 = tpu.sem_alloc : memref<!tpu.dma_semaphore, #tpu.memory_space<semaphore_mem>>
        %dma_start3A_244 = arith.constant 0 : i32
        %dma_start3A_245 = arith.constant 0 : i32
        %dma_start3A_246 = tpu.memref_slice %arg3[%add3A_127, %dma_start3A_244, %dma_start3A_245] : memref<640x4x128xi32, #tpu.memory_space<hbm>> -> memref<1x4x128xi32, #tpu.memory_space<hbm>>
        %dma_start3A_247 = tpu.memref_squeeze %dma_start3A_246 : memref<1x4x128xi32, #tpu.memory_space<hbm>> -> memref<4x128xi32, #tpu.memory_space<hbm>>
        %dma_start3A_248 = arith.constant 0 : i32
        %dma_start3A_249 = arith.constant 0 : i32
        %dma_start3A_250 = tpu.memref_slice %arg3[%add3A_127, %dma_start3A_248, %dma_start3A_249] : memref<640x4x128xi32, #tpu.memory_space<hbm>> -> memref<1x4x128xi32, #tpu.memory_space<hbm>>
        %dma_start3A_251 = tpu.memref_squeeze %dma_start3A_250 : memref<1x4x128xi32, #tpu.memory_space<hbm>> -> memref<4x128xi32, #tpu.memory_space<hbm>>
        tpu.enqueue_dma source(%dma_start3A_251 : memref<4x128xi32, #tpu.memory_space<hbm>>) target(%arg8 : memref<4x128xi32, #tpu.memory_space<vmem>>) target_semaphore(%run_scoped3A_243 : memref<!tpu.dma_semaphore, #tpu.memory_space<semaphore_mem>>)
        %dma_wait3A_252 = arith.constant 0 : i32
        %dma_wait3A_253 = arith.constant 0 : i32
        %dma_wait3A_254 = tpu.memref_slice %arg3[%add3A_127, %dma_wait3A_252, %dma_wait3A_253] : memref<640x4x128xi32, #tpu.memory_space<hbm>> -> memref<1x4x128xi32, #tpu.memory_space<hbm>>
        %dma_wait3A_255 = tpu.memref_squeeze %dma_wait3A_254 : memref<1x4x128xi32, #tpu.memory_space<hbm>> -> memref<4x128xi32, #tpu.memory_space<hbm>>
        %dma_wait3A_256 = arith.constant 0 : i32
        %dma_wait3A_257 = arith.constant 0 : i32
        %dma_wait3A_258 = tpu.memref_slice %arg3[%add3A_127, %dma_wait3A_256, %dma_wait3A_257] : memref<640x4x128xi32, #tpu.memory_space<hbm>> -> memref<1x4x128xi32, #tpu.memory_space<hbm>>
        %dma_wait3A_259 = tpu.memref_squeeze %dma_wait3A_258 : memref<1x4x128xi32, #tpu.memory_space<hbm>> -> memref<4x128xi32, #tpu.memory_space<hbm>>
        tpu.wait_dma2 semaphore(%run_scoped3A_243 : memref<!tpu.dma_semaphore, #tpu.memory_space<semaphore_mem>>) src(%dma_wait3A_259 : memref<4x128xi32, #tpu.memory_space<hbm>>) dst(%arg8 : memref<4x128xi32, #tpu.memory_space<vmem>>)
        tpu.yield
      }) : () -> ()
      %mul3A_128 = arith.constant 20 : i32
      %mul3A_129 = arith.muli %add3A, %mul3A_128 : i32
      %add3A_130 = arith.addi %mul3A_129, %scan3A_124 : i32
      "tpu.region"() ({
        %run_scoped3A_243 = tpu.sem_alloc : memref<!tpu.dma_semaphore, #tpu.memory_space<semaphore_mem>>
        %dma_start3A_244 = arith.constant 0 : i32
        %dma_start3A_245 = arith.constant 0 : i32
        %dma_start3A_246 = tpu.memref_slice %arg4[%add3A_130, %dma_start3A_244, %dma_start3A_245] : memref<640x4x128xi32, #tpu.memory_space<hbm>> -> memref<1x4x128xi32, #tpu.memory_space<hbm>>
        %dma_start3A_247 = tpu.memref_squeeze %dma_start3A_246 : memref<1x4x128xi32, #tpu.memory_space<hbm>> -> memref<4x128xi32, #tpu.memory_space<hbm>>
        %dma_start3A_248 = arith.constant 0 : i32
        %dma_start3A_249 = arith.constant 0 : i32
        %dma_start3A_250 = tpu.memref_slice %arg4[%add3A_130, %dma_start3A_248, %dma_start3A_249] : memref<640x4x128xi32, #tpu.memory_space<hbm>> -> memref<1x4x128xi32, #tpu.memory_space<hbm>>
        %dma_start3A_251 = tpu.memref_squeeze %dma_start3A_250 : memref<1x4x128xi32, #tpu.memory_space<hbm>> -> memref<4x128xi32, #tpu.memory_space<hbm>>
        tpu.enqueue_dma source(%dma_start3A_251 : memref<4x128xi32, #tpu.memory_space<hbm>>) target(%arg9 : memref<4x128xi32, #tpu.memory_space<vmem>>) target_semaphore(%run_scoped3A_243 : memref<!tpu.dma_semaphore, #tpu.memory_space<semaphore_mem>>)
        %dma_wait3A_252 = arith.constant 0 : i32
        %dma_wait3A_253 = arith.constant 0 : i32
        %dma_wait3A_254 = tpu.memref_slice %arg4[%add3A_130, %dma_wait3A_252, %dma_wait3A_253] : memref<640x4x128xi32, #tpu.memory_space<hbm>> -> memref<1x4x128xi32, #tpu.memory_space<hbm>>
        %dma_wait3A_255 = tpu.memref_squeeze %dma_wait3A_254 : memref<1x4x128xi32, #tpu.memory_space<hbm>> -> memref<4x128xi32, #tpu.memory_space<hbm>>
        %dma_wait3A_256 = arith.constant 0 : i32
        %dma_wait3A_257 = arith.constant 0 : i32
        %dma_wait3A_258 = tpu.memref_slice %arg4[%add3A_130, %dma_wait3A_256, %dma_wait3A_257] : memref<640x4x128xi32, #tpu.memory_space<hbm>> -> memref<1x4x128xi32, #tpu.memory_space<hbm>>
        %dma_wait3A_259 = tpu.memref_squeeze %dma_wait3A_258 : memref<1x4x128xi32, #tpu.memory_space<hbm>> -> memref<4x128xi32, #tpu.memory_space<hbm>>
        tpu.wait_dma2 semaphore(%run_scoped3A_243 : memref<!tpu.dma_semaphore, #tpu.memory_space<semaphore_mem>>) src(%dma_wait3A_259 : memref<4x128xi32, #tpu.memory_space<hbm>>) dst(%arg9 : memref<4x128xi32, #tpu.memory_space<vmem>>)
        tpu.yield
      }) : () -> ()
      %dma_start3A_131 = arith.constant 0 : i32
      %dma_start3A_132 = arith.constant 0 : i32
      %dma_start3A_133 = tpu.memref_slice %arg8[%dma_start3A_131, %dma_start3A_132] : memref<4x128xi32, #tpu.memory_space<vmem>> -> memref<1x128xi32, #tpu.memory_space<vmem>>
      %dma_start3A_134 = tpu.memref_squeeze %dma_start3A_133 : memref<1x128xi32, #tpu.memory_space<vmem>> -> memref<128xi32, #tpu.memory_space<vmem>>
      %dma_start3A_135 = arith.constant 0 : i32
      %dma_start3A_136 = arith.constant 0 : i32
      %dma_start3A_137 = tpu.memref_slice %arg2[%dma_start3A_135, %dma_start3A_136] : memref<10240x144xf32, #tpu.memory_space<hbm>> -> memref<10240x144xf32, #tpu.memory_space<hbm>>
      tpu.enqueue_indirect_dma source(%dma_start3A_137 : memref<10240x144xf32, #tpu.memory_space<hbm>>) target(%arg10 : memref<128x144xf32, #tpu.memory_space<vmem>>) offsets(%dma_start3A_134 : memref<128xi32, #tpu.memory_space<vmem>>) semaphore(%arg13 : memref<!tpu.dma_semaphore, #tpu.memory_space<semaphore_mem>>)
      %dma_start3A_138 = arith.constant 1 : i32
      %dma_start3A_139 = arith.constant 0 : i32
      %dma_start3A_140 = tpu.memref_slice %arg8[%dma_start3A_138, %dma_start3A_139] : memref<4x128xi32, #tpu.memory_space<vmem>> -> memref<1x128xi32, #tpu.memory_space<vmem>>
      %dma_start3A_141 = tpu.memref_squeeze %dma_start3A_140 : memref<1x128xi32, #tpu.memory_space<vmem>> -> memref<128xi32, #tpu.memory_space<vmem>>
      %dma_start3A_142 = arith.constant 0 : i32
      %dma_start3A_143 = arith.constant 0 : i32
      %dma_start3A_144 = tpu.memref_slice %arg2[%dma_start3A_142, %dma_start3A_143] : memref<10240x144xf32, #tpu.memory_space<hbm>> -> memref<10240x144xf32, #tpu.memory_space<hbm>>
      tpu.enqueue_indirect_dma source(%dma_start3A_144 : memref<10240x144xf32, #tpu.memory_space<hbm>>) target(%arg11 : memref<128x144xf32, #tpu.memory_space<vmem>>) offsets(%dma_start3A_141 : memref<128xi32, #tpu.memory_space<vmem>>) semaphore(%arg14 : memref<!tpu.dma_semaphore, #tpu.memory_space<semaphore_mem>>)
      %dma_wait3A_145 = arith.constant 0 : i32
      %dma_wait3A_146 = arith.constant 0 : i32
      %dma_wait3A_147 = tpu.memref_slice %arg8[%dma_wait3A_145, %dma_wait3A_146] : memref<4x128xi32, #tpu.memory_space<vmem>> -> memref<1x128xi32, #tpu.memory_space<vmem>>
      %dma_wait3A_148 = tpu.memref_squeeze %dma_wait3A_147 : memref<1x128xi32, #tpu.memory_space<vmem>> -> memref<128xi32, #tpu.memory_space<vmem>>
      %dma_wait3A_149 = arith.constant 0 : i32
      %dma_wait3A_150 = arith.constant 0 : i32
      %dma_wait3A_151 = tpu.memref_slice %arg2[%dma_wait3A_149, %dma_wait3A_150] : memref<10240x144xf32, #tpu.memory_space<hbm>> -> memref<10240x144xf32, #tpu.memory_space<hbm>>
      tpu.wait_indirect_dma semaphore(%arg13 : memref<!tpu.dma_semaphore, #tpu.memory_space<semaphore_mem>>) src(%dma_wait3A_151 : memref<10240x144xf32, #tpu.memory_space<hbm>>) dst(%arg10 : memref<128x144xf32, #tpu.memory_space<vmem>>)
      %dma_start3A_152 = arith.constant 0 : i32
      %dma_start3A_153 = arith.constant 0 : i32
      %dma_start3A_154 = tpu.memref_slice %arg9[%dma_start3A_152, %dma_start3A_153] : memref<4x128xi32, #tpu.memory_space<vmem>> -> memref<1x128xi32, #tpu.memory_space<vmem>>
      %dma_start3A_155 = tpu.memref_squeeze %dma_start3A_154 : memref<1x128xi32, #tpu.memory_space<vmem>> -> memref<128xi32, #tpu.memory_space<vmem>>
      %dma_start3A_156 = arith.constant 0 : i32
      %dma_start3A_157 = arith.constant 0 : i32
      %dma_start3A_158 = tpu.memref_slice %arg12[%dma_start3A_156, %dma_start3A_157] : memref<10240x144xf32, #tpu.memory_space<vmem_shared>> -> memref<10240x144xf32, #tpu.memory_space<vmem_shared>>
      tpu.enqueue_indirect_dma source(%arg10 : memref<128x144xf32, #tpu.memory_space<vmem>>) target(%dma_start3A_158 : memref<10240x144xf32, #tpu.memory_space<vmem_shared>>) offsets(%dma_start3A_155 : memref<128xi32, #tpu.memory_space<vmem>>) semaphore(%arg15 : memref<!tpu.dma_semaphore, #tpu.memory_space<semaphore_mem>>) {add = true}
      %dma_wait3A_159 = arith.constant 0 : i32
      %dma_wait3A_160 = arith.constant 0 : i32
      %dma_wait3A_161 = tpu.memref_slice %arg9[%dma_wait3A_159, %dma_wait3A_160] : memref<4x128xi32, #tpu.memory_space<vmem>> -> memref<1x128xi32, #tpu.memory_space<vmem>>
      %dma_wait3A_162 = tpu.memref_squeeze %dma_wait3A_161 : memref<1x128xi32, #tpu.memory_space<vmem>> -> memref<128xi32, #tpu.memory_space<vmem>>
      %dma_wait3A_163 = arith.constant 0 : i32
      %dma_wait3A_164 = arith.constant 0 : i32
      %dma_wait3A_165 = tpu.memref_slice %arg12[%dma_wait3A_163, %dma_wait3A_164] : memref<10240x144xf32, #tpu.memory_space<vmem_shared>> -> memref<10240x144xf32, #tpu.memory_space<vmem_shared>>
      tpu.wait_indirect_dma semaphore(%arg15 : memref<!tpu.dma_semaphore, #tpu.memory_space<semaphore_mem>>) src(%arg10 : memref<128x144xf32, #tpu.memory_space<vmem>>) dst(%dma_wait3A_165 : memref<10240x144xf32, #tpu.memory_space<vmem_shared>>)
      %dma_start3A_166 = arith.constant 2 : i32
      %dma_start3A_167 = arith.constant 0 : i32
      %dma_start3A_168 = tpu.memref_slice %arg8[%dma_start3A_166, %dma_start3A_167] : memref<4x128xi32, #tpu.memory_space<vmem>> -> memref<1x128xi32, #tpu.memory_space<vmem>>
      %dma_start3A_169 = tpu.memref_squeeze %dma_start3A_168 : memref<1x128xi32, #tpu.memory_space<vmem>> -> memref<128xi32, #tpu.memory_space<vmem>>
      %dma_start3A_170 = arith.constant 0 : i32
      %dma_start3A_171 = arith.constant 0 : i32
      %dma_start3A_172 = tpu.memref_slice %arg2[%dma_start3A_170, %dma_start3A_171] : memref<10240x144xf32, #tpu.memory_space<hbm>> -> memref<10240x144xf32, #tpu.memory_space<hbm>>
      tpu.enqueue_indirect_dma source(%dma_start3A_172 : memref<10240x144xf32, #tpu.memory_space<hbm>>) target(%arg10 : memref<128x144xf32, #tpu.memory_space<vmem>>) offsets(%dma_start3A_169 : memref<128xi32, #tpu.memory_space<vmem>>) semaphore(%arg13 : memref<!tpu.dma_semaphore, #tpu.memory_space<semaphore_mem>>)
      %dma_wait3A_173 = arith.constant 1 : i32
      %dma_wait3A_174 = arith.constant 0 : i32
      %dma_wait3A_175 = tpu.memref_slice %arg8[%dma_wait3A_173, %dma_wait3A_174] : memref<4x128xi32, #tpu.memory_space<vmem>> -> memref<1x128xi32, #tpu.memory_space<vmem>>
      %dma_wait3A_176 = tpu.memref_squeeze %dma_wait3A_175 : memref<1x128xi32, #tpu.memory_space<vmem>> -> memref<128xi32, #tpu.memory_space<vmem>>
      %dma_wait3A_177 = arith.constant 0 : i32
      %dma_wait3A_178 = arith.constant 0 : i32
      %dma_wait3A_179 = tpu.memref_slice %arg2[%dma_wait3A_177, %dma_wait3A_178] : memref<10240x144xf32, #tpu.memory_space<hbm>> -> memref<10240x144xf32, #tpu.memory_space<hbm>>
      tpu.wait_indirect_dma semaphore(%arg14 : memref<!tpu.dma_semaphore, #tpu.memory_space<semaphore_mem>>) src(%dma_wait3A_179 : memref<10240x144xf32, #tpu.memory_space<hbm>>) dst(%arg11 : memref<128x144xf32, #tpu.memory_space<vmem>>)
      %dma_start3A_180 = arith.constant 1 : i32
      %dma_start3A_181 = arith.constant 0 : i32
      %dma_start3A_182 = tpu.memref_slice %arg9[%dma_start3A_180, %dma_start3A_181] : memref<4x128xi32, #tpu.memory_space<vmem>> -> memref<1x128xi32, #tpu.memory_space<vmem>>
      %dma_start3A_183 = tpu.memref_squeeze %dma_start3A_182 : memref<1x128xi32, #tpu.memory_space<vmem>> -> memref<128xi32, #tpu.memory_space<vmem>>
      %dma_start3A_184 = arith.constant 0 : i32
      %dma_start3A_185 = arith.constant 0 : i32
      %dma_start3A_186 = tpu.memref_slice %arg12[%dma_start3A_184, %dma_start3A_185] : memref<10240x144xf32, #tpu.memory_space<vmem_shared>> -> memref<10240x144xf32, #tpu.memory_space<vmem_shared>>
      tpu.enqueue_indirect_dma source(%arg11 : memref<128x144xf32, #tpu.memory_space<vmem>>) target(%dma_start3A_186 : memref<10240x144xf32, #tpu.memory_space<vmem_shared>>) offsets(%dma_start3A_183 : memref<128xi32, #tpu.memory_space<vmem>>) semaphore(%arg16 : memref<!tpu.dma_semaphore, #tpu.memory_space<semaphore_mem>>) {add = true}
      %dma_wait3A_187 = arith.constant 1 : i32
      %dma_wait3A_188 = arith.constant 0 : i32
      %dma_wait3A_189 = tpu.memref_slice %arg9[%dma_wait3A_187, %dma_wait3A_188] : memref<4x128xi32, #tpu.memory_space<vmem>> -> memref<1x128xi32, #tpu.memory_space<vmem>>
      %dma_wait3A_190 = tpu.memref_squeeze %dma_wait3A_189 : memref<1x128xi32, #tpu.memory_space<vmem>> -> memref<128xi32, #tpu.memory_space<vmem>>
      %dma_wait3A_191 = arith.constant 0 : i32
      %dma_wait3A_192 = arith.constant 0 : i32
      %dma_wait3A_193 = tpu.memref_slice %arg12[%dma_wait3A_191, %dma_wait3A_192] : memref<10240x144xf32, #tpu.memory_space<vmem_shared>> -> memref<10240x144xf32, #tpu.memory_space<vmem_shared>>
      tpu.wait_indirect_dma semaphore(%arg16 : memref<!tpu.dma_semaphore, #tpu.memory_space<semaphore_mem>>) src(%arg11 : memref<128x144xf32, #tpu.memory_space<vmem>>) dst(%dma_wait3A_193 : memref<10240x144xf32, #tpu.memory_space<vmem_shared>>)
      %dma_start3A_194 = arith.constant 3 : i32
      %dma_start3A_195 = arith.constant 0 : i32
      %dma_start3A_196 = tpu.memref_slice %arg8[%dma_start3A_194, %dma_start3A_195] : memref<4x128xi32, #tpu.memory_space<vmem>> -> memref<1x128xi32, #tpu.memory_space<vmem>>
      %dma_start3A_197 = tpu.memref_squeeze %dma_start3A_196 : memref<1x128xi32, #tpu.memory_space<vmem>> -> memref<128xi32, #tpu.memory_space<vmem>>
      %dma_start3A_198 = arith.constant 0 : i32
      %dma_start3A_199 = arith.constant 0 : i32
      %dma_start3A_200 = tpu.memref_slice %arg2[%dma_start3A_198, %dma_start3A_199] : memref<10240x144xf32, #tpu.memory_space<hbm>> -> memref<10240x144xf32, #tpu.memory_space<hbm>>
      tpu.enqueue_indirect_dma source(%dma_start3A_200 : memref<10240x144xf32, #tpu.memory_space<hbm>>) target(%arg11 : memref<128x144xf32, #tpu.memory_space<vmem>>) offsets(%dma_start3A_197 : memref<128xi32, #tpu.memory_space<vmem>>) semaphore(%arg14 : memref<!tpu.dma_semaphore, #tpu.memory_space<semaphore_mem>>)
      %dma_wait3A_201 = arith.constant 2 : i32
      %dma_wait3A_202 = arith.constant 0 : i32
      %dma_wait3A_203 = tpu.memref_slice %arg8[%dma_wait3A_201, %dma_wait3A_202] : memref<4x128xi32, #tpu.memory_space<vmem>> -> memref<1x128xi32, #tpu.memory_space<vmem>>
      %dma_wait3A_204 = tpu.memref_squeeze %dma_wait3A_203 : memref<1x128xi32, #tpu.memory_space<vmem>> -> memref<128xi32, #tpu.memory_space<vmem>>
      %dma_wait3A_205 = arith.constant 0 : i32
      %dma_wait3A_206 = arith.constant 0 : i32
      %dma_wait3A_207 = tpu.memref_slice %arg2[%dma_wait3A_205, %dma_wait3A_206] : memref<10240x144xf32, #tpu.memory_space<hbm>> -> memref<10240x144xf32, #tpu.memory_space<hbm>>
      tpu.wait_indirect_dma semaphore(%arg13 : memref<!tpu.dma_semaphore, #tpu.memory_space<semaphore_mem>>) src(%dma_wait3A_207 : memref<10240x144xf32, #tpu.memory_space<hbm>>) dst(%arg10 : memref<128x144xf32, #tpu.memory_space<vmem>>)
      %dma_start3A_208 = arith.constant 2 : i32
      %dma_start3A_209 = arith.constant 0 : i32
      %dma_start3A_210 = tpu.memref_slice %arg9[%dma_start3A_208, %dma_start3A_209] : memref<4x128xi32, #tpu.memory_space<vmem>> -> memref<1x128xi32, #tpu.memory_space<vmem>>
      %dma_start3A_211 = tpu.memref_squeeze %dma_start3A_210 : memref<1x128xi32, #tpu.memory_space<vmem>> -> memref<128xi32, #tpu.memory_space<vmem>>
      %dma_start3A_212 = arith.constant 0 : i32
      %dma_start3A_213 = arith.constant 0 : i32
      %dma_start3A_214 = tpu.memref_slice %arg12[%dma_start3A_212, %dma_start3A_213] : memref<10240x144xf32, #tpu.memory_space<vmem_shared>> -> memref<10240x144xf32, #tpu.memory_space<vmem_shared>>
      tpu.enqueue_indirect_dma source(%arg10 : memref<128x144xf32, #tpu.memory_space<vmem>>) target(%dma_start3A_214 : memref<10240x144xf32, #tpu.memory_space<vmem_shared>>) offsets(%dma_start3A_211 : memref<128xi32, #tpu.memory_space<vmem>>) semaphore(%arg15 : memref<!tpu.dma_semaphore, #tpu.memory_space<semaphore_mem>>) {add = true}
      %dma_wait3A_215 = arith.constant 3 : i32
      %dma_wait3A_216 = arith.constant 0 : i32
      %dma_wait3A_217 = tpu.memref_slice %arg8[%dma_wait3A_215, %dma_wait3A_216] : memref<4x128xi32, #tpu.memory_space<vmem>> -> memref<1x128xi32, #tpu.memory_space<vmem>>
      %dma_wait3A_218 = tpu.memref_squeeze %dma_wait3A_217 : memref<1x128xi32, #tpu.memory_space<vmem>> -> memref<128xi32, #tpu.memory_space<vmem>>
      %dma_wait3A_219 = arith.constant 0 : i32
      %dma_wait3A_220 = arith.constant 0 : i32
      %dma_wait3A_221 = tpu.memref_slice %arg2[%dma_wait3A_219, %dma_wait3A_220] : memref<10240x144xf32, #tpu.memory_space<hbm>> -> memref<10240x144xf32, #tpu.memory_space<hbm>>
      tpu.wait_indirect_dma semaphore(%arg14 : memref<!tpu.dma_semaphore, #tpu.memory_space<semaphore_mem>>) src(%dma_wait3A_221 : memref<10240x144xf32, #tpu.memory_space<hbm>>) dst(%arg11 : memref<128x144xf32, #tpu.memory_space<vmem>>)
      %dma_start3A_222 = arith.constant 3 : i32
      %dma_start3A_223 = arith.constant 0 : i32
      %dma_start3A_224 = tpu.memref_slice %arg9[%dma_start3A_222, %dma_start3A_223] : memref<4x128xi32, #tpu.memory_space<vmem>> -> memref<1x128xi32, #tpu.memory_space<vmem>>
      %dma_start3A_225 = tpu.memref_squeeze %dma_start3A_224 : memref<1x128xi32, #tpu.memory_space<vmem>> -> memref<128xi32, #tpu.memory_space<vmem>>
      %dma_start3A_226 = arith.constant 0 : i32
      %dma_start3A_227 = arith.constant 0 : i32
      %dma_start3A_228 = tpu.memref_slice %arg12[%dma_start3A_226, %dma_start3A_227] : memref<10240x144xf32, #tpu.memory_space<vmem_shared>> -> memref<10240x144xf32, #tpu.memory_space<vmem_shared>>
      tpu.enqueue_indirect_dma source(%arg11 : memref<128x144xf32, #tpu.memory_space<vmem>>) target(%dma_start3A_228 : memref<10240x144xf32, #tpu.memory_space<vmem_shared>>) offsets(%dma_start3A_225 : memref<128xi32, #tpu.memory_space<vmem>>) semaphore(%arg16 : memref<!tpu.dma_semaphore, #tpu.memory_space<semaphore_mem>>) {add = true}
      %dma_wait3A_229 = arith.constant 2 : i32
      %dma_wait3A_230 = arith.constant 0 : i32
      %dma_wait3A_231 = tpu.memref_slice %arg9[%dma_wait3A_229, %dma_wait3A_230] : memref<4x128xi32, #tpu.memory_space<vmem>> -> memref<1x128xi32, #tpu.memory_space<vmem>>
      %dma_wait3A_232 = tpu.memref_squeeze %dma_wait3A_231 : memref<1x128xi32, #tpu.memory_space<vmem>> -> memref<128xi32, #tpu.memory_space<vmem>>
      %dma_wait3A_233 = arith.constant 0 : i32
      %dma_wait3A_234 = arith.constant 0 : i32
      %dma_wait3A_235 = tpu.memref_slice %arg12[%dma_wait3A_233, %dma_wait3A_234] : memref<10240x144xf32, #tpu.memory_space<vmem_shared>> -> memref<10240x144xf32, #tpu.memory_space<vmem_shared>>
      tpu.wait_indirect_dma semaphore(%arg15 : memref<!tpu.dma_semaphore, #tpu.memory_space<semaphore_mem>>) src(%arg10 : memref<128x144xf32, #tpu.memory_space<vmem>>) dst(%dma_wait3A_235 : memref<10240x144xf32, #tpu.memory_space<vmem_shared>>)
      %dma_wait3A_236 = arith.constant 3 : i32
      %dma_wait3A_237 = arith.constant 0 : i32
      %dma_wait3A_238 = tpu.memref_slice %arg9[%dma_wait3A_236, %dma_wait3A_237] : memref<4x128xi32, #tpu.memory_space<vmem>> -> memref<1x128xi32, #tpu.memory_space<vmem>>
      %dma_wait3A_239 = tpu.memref_squeeze %dma_wait3A_238 : memref<1x128xi32, #tpu.memory_space<vmem>> -> memref<128xi32, #tpu.memory_space<vmem>>
      %dma_wait3A_240 = arith.constant 0 : i32
      %dma_wait3A_241 = arith.constant 0 : i32
      %dma_wait3A_242 = tpu.memref_slice %arg12[%dma_wait3A_240, %dma_wait3A_241] : memref<10240x144xf32, #tpu.memory_space<vmem_shared>> -> memref<10240x144xf32, #tpu.memory_space<vmem_shared>>
      tpu.wait_indirect_dma semaphore(%arg16 : memref<!tpu.dma_semaphore, #tpu.memory_space<semaphore_mem>>) src(%arg11 : memref<128x144xf32, #tpu.memory_space<vmem>>) dst(%dma_wait3A_242 : memref<10240x144xf32, #tpu.memory_space<vmem_shared>>)
    }
    %scan3A_29 = arith.constant 20 : i32
    %barrier3A_30 = arith.constant 0 : index
    tpu.barrier barrier_id(%barrier3A_30)
    %add3A_31 = arith.constant 0 : i32
    %add3A_32 = arith.addi %mul3A_2, %add3A_31 : i32
    %run_scoped3A_33 = arith.constant 0 : i32
    "tpu.region"() ({
      %run_scoped3A_124 = tpu.sem_alloc : memref<!tpu.dma_semaphore, #tpu.memory_space<semaphore_mem>>
      %dma_start3A_125 = arith.constant 0 : i32
      %dma_start3A_126 = tpu.memref_slice %arg8[%run_scoped3A_33, %dma_start3A_125] : memref<4x128xi32, #tpu.memory_space<vmem>> -> memref<1x128xi32, #tpu.memory_space<vmem>>
      %dma_start3A_127 = tpu.memref_squeeze %dma_start3A_126 : memref<1x128xi32, #tpu.memory_space<vmem>> -> memref<128xi32, #tpu.memory_space<vmem>>
      %dma_start3A_128 = tpu.memref_slice %arg5[%add3A_32] : memref<10240xi32, #tpu.memory_space<hbm>> -> memref<128xi32, #tpu.memory_space<hbm>>
      %dma_start3A_129 = arith.constant 0 : i32
      %dma_start3A_130 = tpu.memref_slice %arg8[%run_scoped3A_33, %dma_start3A_129] : memref<4x128xi32, #tpu.memory_space<vmem>> -> memref<1x128xi32, #tpu.memory_space<vmem>>
      %dma_start3A_131 = tpu.memref_squeeze %dma_start3A_130 : memref<1x128xi32, #tpu.memory_space<vmem>> -> memref<128xi32, #tpu.memory_space<vmem>>
      %dma_start3A_132 = tpu.memref_slice %arg5[%add3A_32] : memref<10240xi32, #tpu.memory_space<hbm>> -> memref<128xi32, #tpu.memory_space<hbm>>
      tpu.enqueue_dma source(%dma_start3A_132 : memref<128xi32, #tpu.memory_space<hbm>>) target(%dma_start3A_131 : memref<128xi32, #tpu.memory_space<vmem>>) target_semaphore(%run_scoped3A_124 : memref<!tpu.dma_semaphore, #tpu.memory_space<semaphore_mem>>)
      %dma_wait3A_133 = arith.constant 0 : i32
      %dma_wait3A_134 = tpu.memref_slice %arg8[%run_scoped3A_33, %dma_wait3A_133] : memref<4x128xi32, #tpu.memory_space<vmem>> -> memref<1x128xi32, #tpu.memory_space<vmem>>
      %dma_wait3A_135 = tpu.memref_squeeze %dma_wait3A_134 : memref<1x128xi32, #tpu.memory_space<vmem>> -> memref<128xi32, #tpu.memory_space<vmem>>
      %dma_wait3A_136 = tpu.memref_slice %arg5[%add3A_32] : memref<10240xi32, #tpu.memory_space<hbm>> -> memref<128xi32, #tpu.memory_space<hbm>>
      %dma_wait3A_137 = arith.constant 0 : i32
      %dma_wait3A_138 = tpu.memref_slice %arg8[%run_scoped3A_33, %dma_wait3A_137] : memref<4x128xi32, #tpu.memory_space<vmem>> -> memref<1x128xi32, #tpu.memory_space<vmem>>
      %dma_wait3A_139 = tpu.memref_squeeze %dma_wait3A_138 : memref<1x128xi32, #tpu.memory_space<vmem>> -> memref<128xi32, #tpu.memory_space<vmem>>
      %dma_wait3A_140 = tpu.memref_slice %arg5[%add3A_32] : memref<10240xi32, #tpu.memory_space<hbm>> -> memref<128xi32, #tpu.memory_space<hbm>>
      tpu.wait_dma2 semaphore(%run_scoped3A_124 : memref<!tpu.dma_semaphore, #tpu.memory_space<semaphore_mem>>) src(%dma_wait3A_140 : memref<128xi32, #tpu.memory_space<hbm>>) dst(%dma_wait3A_139 : memref<128xi32, #tpu.memory_space<vmem>>)
      tpu.yield
    }) : () -> ()
    %dma_start3A = arith.constant 0 : i32
    %dma_start3A_34 = arith.constant 0 : i32
    %dma_start3A_35 = tpu.memref_slice %arg8[%dma_start3A, %dma_start3A_34] : memref<4x128xi32, #tpu.memory_space<vmem>> -> memref<1x128xi32, #tpu.memory_space<vmem>>
    %dma_start3A_36 = tpu.memref_squeeze %dma_start3A_35 : memref<1x128xi32, #tpu.memory_space<vmem>> -> memref<128xi32, #tpu.memory_space<vmem>>
    %dma_start3A_37 = arith.constant 0 : i32
    %dma_start3A_38 = arith.constant 0 : i32
    %dma_start3A_39 = tpu.memref_slice %arg12[%dma_start3A_37, %dma_start3A_38] : memref<10240x144xf32, #tpu.memory_space<vmem_shared>> -> memref<10240x144xf32, #tpu.memory_space<vmem_shared>>
    tpu.enqueue_indirect_dma source(%dma_start3A_39 : memref<10240x144xf32, #tpu.memory_space<vmem_shared>>) target(%arg11 : memref<128x144xf32, #tpu.memory_space<vmem>>) offsets(%dma_start3A_36 : memref<128xi32, #tpu.memory_space<vmem>>) semaphore(%arg13 : memref<!tpu.dma_semaphore, #tpu.memory_space<semaphore_mem>>)
    %dma_wait3A = arith.constant 0 : i32
    %dma_wait3A_40 = arith.constant 0 : i32
    %dma_wait3A_41 = tpu.memref_slice %arg8[%dma_wait3A, %dma_wait3A_40] : memref<4x128xi32, #tpu.memory_space<vmem>> -> memref<1x128xi32, #tpu.memory_space<vmem>>
    %dma_wait3A_42 = tpu.memref_squeeze %dma_wait3A_41 : memref<1x128xi32, #tpu.memory_space<vmem>> -> memref<128xi32, #tpu.memory_space<vmem>>
    %dma_wait3A_43 = arith.constant 0 : i32
    %dma_wait3A_44 = arith.constant 0 : i32
    %dma_wait3A_45 = tpu.memref_slice %arg12[%dma_wait3A_43, %dma_wait3A_44] : memref<10240x144xf32, #tpu.memory_space<vmem_shared>> -> memref<10240x144xf32, #tpu.memory_space<vmem_shared>>
    tpu.wait_indirect_dma semaphore(%arg13 : memref<!tpu.dma_semaphore, #tpu.memory_space<semaphore_mem>>) src(%dma_wait3A_45 : memref<10240x144xf32, #tpu.memory_space<vmem_shared>>) dst(%arg11 : memref<128x144xf32, #tpu.memory_space<vmem>>)
    %add3A_46 = arith.constant 0 : i32
    %add3A_47 = arith.addi %add3A_5, %add3A_46 : i32
    "tpu.region"() ({
      %run_scoped3A_124 = tpu.sem_alloc : memref<!tpu.dma_semaphore, #tpu.memory_space<semaphore_mem>>
      %dma_start3A_125 = arith.constant 0 : i32
      %dma_start3A_126 = tpu.memref_slice %arg7[%add3A_47, %dma_start3A_125] : memref<20480x144xf32, #tpu.memory_space<hbm>> -> memref<128x144xf32, #tpu.memory_space<hbm>>
      %dma_start3A_127 = arith.constant 0 : i32
      %dma_start3A_128 = tpu.memref_slice %arg7[%add3A_47, %dma_start3A_127] : memref<20480x144xf32, #tpu.memory_space<hbm>> -> memref<128x144xf32, #tpu.memory_space<hbm>>
      tpu.enqueue_dma source(%arg11 : memref<128x144xf32, #tpu.memory_space<vmem>>) target(%dma_start3A_128 : memref<128x144xf32, #tpu.memory_space<hbm>>) target_semaphore(%run_scoped3A_124 : memref<!tpu.dma_semaphore, #tpu.memory_space<semaphore_mem>>)
      %dma_wait3A_129 = arith.constant 0 : i32
      %dma_wait3A_130 = tpu.memref_slice %arg7[%add3A_47, %dma_wait3A_129] : memref<20480x144xf32, #tpu.memory_space<hbm>> -> memref<128x144xf32, #tpu.memory_space<hbm>>
      %dma_wait3A_131 = arith.constant 0 : i32
      %dma_wait3A_132 = tpu.memref_slice %arg7[%add3A_47, %dma_wait3A_131] : memref<20480x144xf32, #tpu.memory_space<hbm>> -> memref<128x144xf32, #tpu.memory_space<hbm>>
      tpu.wait_dma2 semaphore(%run_scoped3A_124 : memref<!tpu.dma_semaphore, #tpu.memory_space<semaphore_mem>>) src(%arg11 : memref<128x144xf32, #tpu.memory_space<vmem>>) dst(%dma_wait3A_132 : memref<128x144xf32, #tpu.memory_space<hbm>>)
      tpu.yield
    }) : () -> ()
    %add3A_48 = arith.constant 128 : i32
    %add3A_49 = arith.addi %mul3A_2, %add3A_48 : i32
    %run_scoped3A_50 = arith.constant 0 : i32
    "tpu.region"() ({
      %run_scoped3A_124 = tpu.sem_alloc : memref<!tpu.dma_semaphore, #tpu.memory_space<semaphore_mem>>
      %dma_start3A_125 = arith.constant 0 : i32
      %dma_start3A_126 = tpu.memref_slice %arg8[%run_scoped3A_50, %dma_start3A_125] : memref<4x128xi32, #tpu.memory_space<vmem>> -> memref<1x128xi32, #tpu.memory_space<vmem>>
      %dma_start3A_127 = tpu.memref_squeeze %dma_start3A_126 : memref<1x128xi32, #tpu.memory_space<vmem>> -> memref<128xi32, #tpu.memory_space<vmem>>
      %dma_start3A_128 = tpu.memref_slice %arg5[%add3A_49] : memref<10240xi32, #tpu.memory_space<hbm>> -> memref<128xi32, #tpu.memory_space<hbm>>
      %dma_start3A_129 = arith.constant 0 : i32
      %dma_start3A_130 = tpu.memref_slice %arg8[%run_scoped3A_50, %dma_start3A_129] : memref<4x128xi32, #tpu.memory_space<vmem>> -> memref<1x128xi32, #tpu.memory_space<vmem>>
      %dma_start3A_131 = tpu.memref_squeeze %dma_start3A_130 : memref<1x128xi32, #tpu.memory_space<vmem>> -> memref<128xi32, #tpu.memory_space<vmem>>
      %dma_start3A_132 = tpu.memref_slice %arg5[%add3A_49] : memref<10240xi32, #tpu.memory_space<hbm>> -> memref<128xi32, #tpu.memory_space<hbm>>
      tpu.enqueue_dma source(%dma_start3A_132 : memref<128xi32, #tpu.memory_space<hbm>>) target(%dma_start3A_131 : memref<128xi32, #tpu.memory_space<vmem>>) target_semaphore(%run_scoped3A_124 : memref<!tpu.dma_semaphore, #tpu.memory_space<semaphore_mem>>)
      %dma_wait3A_133 = arith.constant 0 : i32
      %dma_wait3A_134 = tpu.memref_slice %arg8[%run_scoped3A_50, %dma_wait3A_133] : memref<4x128xi32, #tpu.memory_space<vmem>> -> memref<1x128xi32, #tpu.memory_space<vmem>>
      %dma_wait3A_135 = tpu.memref_squeeze %dma_wait3A_134 : memref<1x128xi32, #tpu.memory_space<vmem>> -> memref<128xi32, #tpu.memory_space<vmem>>
      %dma_wait3A_136 = tpu.memref_slice %arg5[%add3A_49] : memref<10240xi32, #tpu.memory_space<hbm>> -> memref<128xi32, #tpu.memory_space<hbm>>
      %dma_wait3A_137 = arith.constant 0 : i32
      %dma_wait3A_138 = tpu.memref_slice %arg8[%run_scoped3A_50, %dma_wait3A_137] : memref<4x128xi32, #tpu.memory_space<vmem>> -> memref<1x128xi32, #tpu.memory_space<vmem>>
      %dma_wait3A_139 = tpu.memref_squeeze %dma_wait3A_138 : memref<1x128xi32, #tpu.memory_space<vmem>> -> memref<128xi32, #tpu.memory_space<vmem>>
      %dma_wait3A_140 = tpu.memref_slice %arg5[%add3A_49] : memref<10240xi32, #tpu.memory_space<hbm>> -> memref<128xi32, #tpu.memory_space<hbm>>
      tpu.wait_dma2 semaphore(%run_scoped3A_124 : memref<!tpu.dma_semaphore, #tpu.memory_space<semaphore_mem>>) src(%dma_wait3A_140 : memref<128xi32, #tpu.memory_space<hbm>>) dst(%dma_wait3A_139 : memref<128xi32, #tpu.memory_space<vmem>>)
      tpu.yield
    }) : () -> ()
    %dma_start3A_51 = arith.constant 0 : i32
    %dma_start3A_52 = arith.constant 0 : i32
    %dma_start3A_53 = tpu.memref_slice %arg8[%dma_start3A_51, %dma_start3A_52] : memref<4x128xi32, #tpu.memory_space<vmem>> -> memref<1x128xi32, #tpu.memory_space<vmem>>
    %dma_start3A_54 = tpu.memref_squeeze %dma_start3A_53 : memref<1x128xi32, #tpu.memory_space<vmem>> -> memref<128xi32, #tpu.memory_space<vmem>>
    %dma_start3A_55 = arith.constant 0 : i32
    %dma_start3A_56 = arith.constant 0 : i32
    %dma_start3A_57 = tpu.memref_slice %arg12[%dma_start3A_55, %dma_start3A_56] : memref<10240x144xf32, #tpu.memory_space<vmem_shared>> -> memref<10240x144xf32, #tpu.memory_space<vmem_shared>>
    tpu.enqueue_indirect_dma source(%dma_start3A_57 : memref<10240x144xf32, #tpu.memory_space<vmem_shared>>) target(%arg11 : memref<128x144xf32, #tpu.memory_space<vmem>>) offsets(%dma_start3A_54 : memref<128xi32, #tpu.memory_space<vmem>>) semaphore(%arg13 : memref<!tpu.dma_semaphore, #tpu.memory_space<semaphore_mem>>)
    %dma_wait3A_58 = arith.constant 0 : i32
    %dma_wait3A_59 = arith.constant 0 : i32
    %dma_wait3A_60 = tpu.memref_slice %arg8[%dma_wait3A_58, %dma_wait3A_59] : memref<4x128xi32, #tpu.memory_space<vmem>> -> memref<1x128xi32, #tpu.memory_space<vmem>>
    %dma_wait3A_61 = tpu.memref_squeeze %dma_wait3A_60 : memref<1x128xi32, #tpu.memory_space<vmem>> -> memref<128xi32, #tpu.memory_space<vmem>>
    %dma_wait3A_62 = arith.constant 0 : i32
    %dma_wait3A_63 = arith.constant 0 : i32
    %dma_wait3A_64 = tpu.memref_slice %arg12[%dma_wait3A_62, %dma_wait3A_63] : memref<10240x144xf32, #tpu.memory_space<vmem_shared>> -> memref<10240x144xf32, #tpu.memory_space<vmem_shared>>
    tpu.wait_indirect_dma semaphore(%arg13 : memref<!tpu.dma_semaphore, #tpu.memory_space<semaphore_mem>>) src(%dma_wait3A_64 : memref<10240x144xf32, #tpu.memory_space<vmem_shared>>) dst(%arg11 : memref<128x144xf32, #tpu.memory_space<vmem>>)
    %add3A_65 = arith.constant 128 : i32
    %add3A_66 = arith.addi %add3A_5, %add3A_65 : i32
    "tpu.region"() ({
      %run_scoped3A_124 = tpu.sem_alloc : memref<!tpu.dma_semaphore, #tpu.memory_space<semaphore_mem>>
      %dma_start3A_125 = arith.constant 0 : i32
      %dma_start3A_126 = tpu.memref_slice %arg7[%add3A_66, %dma_start3A_125] : memref<20480x144xf32, #tpu.memory_space<hbm>> -> memref<128x144xf32, #tpu.memory_space<hbm>>
      %dma_start3A_127 = arith.constant 0 : i32
      %dma_start3A_128 = tpu.memref_slice %arg7[%add3A_66, %dma_start3A_127] : memref<20480x144xf32, #tpu.memory_space<hbm>> -> memref<128x144xf32, #tpu.memory_space<hbm>>
      tpu.enqueue_dma source(%arg11 : memref<128x144xf32, #tpu.memory_space<vmem>>) target(%dma_start3A_128 : memref<128x144xf32, #tpu.memory_space<hbm>>) target_semaphore(%run_scoped3A_124 : memref<!tpu.dma_semaphore, #tpu.memory_space<semaphore_mem>>)
      %dma_wait3A_129 = arith.constant 0 : i32
      %dma_wait3A_130 = tpu.memref_slice %arg7[%add3A_66, %dma_wait3A_129] : memref<20480x144xf32, #tpu.memory_space<hbm>> -> memref<128x144xf32, #tpu.memory_space<hbm>>
      %dma_wait3A_131 = arith.constant 0 : i32
      %dma_wait3A_132 = tpu.memref_slice %arg7[%add3A_66, %dma_wait3A_131] : memref<20480x144xf32, #tpu.memory_space<hbm>> -> memref<128x144xf32, #tpu.memory_space<hbm>>
      tpu.wait_dma2 semaphore(%run_scoped3A_124 : memref<!tpu.dma_semaphore, #tpu.memory_space<semaphore_mem>>) src(%arg11 : memref<128x144xf32, #tpu.memory_space<vmem>>) dst(%dma_wait3A_132 : memref<128x144xf32, #tpu.memory_space<hbm>>)
      tpu.yield
    }) : () -> ()
    %add3A_67 = arith.constant 256 : i32
    %add3A_68 = arith.addi %mul3A_2, %add3A_67 : i32
    %run_scoped3A_69 = arith.constant 0 : i32
    "tpu.region"() ({
      %run_scoped3A_124 = tpu.sem_alloc : memref<!tpu.dma_semaphore, #tpu.memory_space<semaphore_mem>>
      %dma_start3A_125 = arith.constant 0 : i32
      %dma_start3A_126 = tpu.memref_slice %arg8[%run_scoped3A_69, %dma_start3A_125] : memref<4x128xi32, #tpu.memory_space<vmem>> -> memref<1x128xi32, #tpu.memory_space<vmem>>
      %dma_start3A_127 = tpu.memref_squeeze %dma_start3A_126 : memref<1x128xi32, #tpu.memory_space<vmem>> -> memref<128xi32, #tpu.memory_space<vmem>>
      %dma_start3A_128 = tpu.memref_slice %arg5[%add3A_68] : memref<10240xi32, #tpu.memory_space<hbm>> -> memref<128xi32, #tpu.memory_space<hbm>>
      %dma_start3A_129 = arith.constant 0 : i32
      %dma_start3A_130 = tpu.memref_slice %arg8[%run_scoped3A_69, %dma_start3A_129] : memref<4x128xi32, #tpu.memory_space<vmem>> -> memref<1x128xi32, #tpu.memory_space<vmem>>
      %dma_start3A_131 = tpu.memref_squeeze %dma_start3A_130 : memref<1x128xi32, #tpu.memory_space<vmem>> -> memref<128xi32, #tpu.memory_space<vmem>>
      %dma_start3A_132 = tpu.memref_slice %arg5[%add3A_68] : memref<10240xi32, #tpu.memory_space<hbm>> -> memref<128xi32, #tpu.memory_space<hbm>>
      tpu.enqueue_dma source(%dma_start3A_132 : memref<128xi32, #tpu.memory_space<hbm>>) target(%dma_start3A_131 : memref<128xi32, #tpu.memory_space<vmem>>) target_semaphore(%run_scoped3A_124 : memref<!tpu.dma_semaphore, #tpu.memory_space<semaphore_mem>>)
      %dma_wait3A_133 = arith.constant 0 : i32
      %dma_wait3A_134 = tpu.memref_slice %arg8[%run_scoped3A_69, %dma_wait3A_133] : memref<4x128xi32, #tpu.memory_space<vmem>> -> memref<1x128xi32, #tpu.memory_space<vmem>>
      %dma_wait3A_135 = tpu.memref_squeeze %dma_wait3A_134 : memref<1x128xi32, #tpu.memory_space<vmem>> -> memref<128xi32, #tpu.memory_space<vmem>>
      %dma_wait3A_136 = tpu.memref_slice %arg5[%add3A_68] : memref<10240xi32, #tpu.memory_space<hbm>> -> memref<128xi32, #tpu.memory_space<hbm>>
      %dma_wait3A_137 = arith.constant 0 : i32
      %dma_wait3A_138 = tpu.memref_slice %arg8[%run_scoped3A_69, %dma_wait3A_137] : memref<4x128xi32, #tpu.memory_space<vmem>> -> memref<1x128xi32, #tpu.memory_space<vmem>>
      %dma_wait3A_139 = tpu.memref_squeeze %dma_wait3A_138 : memref<1x128xi32, #tpu.memory_space<vmem>> -> memref<128xi32, #tpu.memory_space<vmem>>
      %dma_wait3A_140 = tpu.memref_slice %arg5[%add3A_68] : memref<10240xi32, #tpu.memory_space<hbm>> -> memref<128xi32, #tpu.memory_space<hbm>>
      tpu.wait_dma2 semaphore(%run_scoped3A_124 : memref<!tpu.dma_semaphore, #tpu.memory_space<semaphore_mem>>) src(%dma_wait3A_140 : memref<128xi32, #tpu.memory_space<hbm>>) dst(%dma_wait3A_139 : memref<128xi32, #tpu.memory_space<vmem>>)
      tpu.yield
    }) : () -> ()
    %dma_start3A_70 = arith.constant 0 : i32
    %dma_start3A_71 = arith.constant 0 : i32
    %dma_start3A_72 = tpu.memref_slice %arg8[%dma_start3A_70, %dma_start3A_71] : memref<4x128xi32, #tpu.memory_space<vmem>> -> memref<1x128xi32, #tpu.memory_space<vmem>>
    %dma_start3A_73 = tpu.memref_squeeze %dma_start3A_72 : memref<1x128xi32, #tpu.memory_space<vmem>> -> memref<128xi32, #tpu.memory_space<vmem>>
    %dma_start3A_74 = arith.constant 0 : i32
    %dma_start3A_75 = arith.constant 0 : i32
    %dma_start3A_76 = tpu.memref_slice %arg12[%dma_start3A_74, %dma_start3A_75] : memref<10240x144xf32, #tpu.memory_space<vmem_shared>> -> memref<10240x144xf32, #tpu.memory_space<vmem_shared>>
    tpu.enqueue_indirect_dma source(%dma_start3A_76 : memref<10240x144xf32, #tpu.memory_space<vmem_shared>>) target(%arg11 : memref<128x144xf32, #tpu.memory_space<vmem>>) offsets(%dma_start3A_73 : memref<128xi32, #tpu.memory_space<vmem>>) semaphore(%arg13 : memref<!tpu.dma_semaphore, #tpu.memory_space<semaphore_mem>>)
    %dma_wait3A_77 = arith.constant 0 : i32
    %dma_wait3A_78 = arith.constant 0 : i32
    %dma_wait3A_79 = tpu.memref_slice %arg8[%dma_wait3A_77, %dma_wait3A_78] : memref<4x128xi32, #tpu.memory_space<vmem>> -> memref<1x128xi32, #tpu.memory_space<vmem>>
    %dma_wait3A_80 = tpu.memref_squeeze %dma_wait3A_79 : memref<1x128xi32, #tpu.memory_space<vmem>> -> memref<128xi32, #tpu.memory_space<vmem>>
    %dma_wait3A_81 = arith.constant 0 : i32
    %dma_wait3A_82 = arith.constant 0 : i32
    %dma_wait3A_83 = tpu.memref_slice %arg12[%dma_wait3A_81, %dma_wait3A_82] : memref<10240x144xf32, #tpu.memory_space<vmem_shared>> -> memref<10240x144xf32, #tpu.memory_space<vmem_shared>>
    tpu.wait_indirect_dma semaphore(%arg13 : memref<!tpu.dma_semaphore, #tpu.memory_space<semaphore_mem>>) src(%dma_wait3A_83 : memref<10240x144xf32, #tpu.memory_space<vmem_shared>>) dst(%arg11 : memref<128x144xf32, #tpu.memory_space<vmem>>)
    %add3A_84 = arith.constant 256 : i32
    %add3A_85 = arith.addi %add3A_5, %add3A_84 : i32
    "tpu.region"() ({
      %run_scoped3A_124 = tpu.sem_alloc : memref<!tpu.dma_semaphore, #tpu.memory_space<semaphore_mem>>
      %dma_start3A_125 = arith.constant 0 : i32
      %dma_start3A_126 = tpu.memref_slice %arg7[%add3A_85, %dma_start3A_125] : memref<20480x144xf32, #tpu.memory_space<hbm>> -> memref<128x144xf32, #tpu.memory_space<hbm>>
      %dma_start3A_127 = arith.constant 0 : i32
      %dma_start3A_128 = tpu.memref_slice %arg7[%add3A_85, %dma_start3A_127] : memref<20480x144xf32, #tpu.memory_space<hbm>> -> memref<128x144xf32, #tpu.memory_space<hbm>>
      tpu.enqueue_dma source(%arg11 : memref<128x144xf32, #tpu.memory_space<vmem>>) target(%dma_start3A_128 : memref<128x144xf32, #tpu.memory_space<hbm>>) target_semaphore(%run_scoped3A_124 : memref<!tpu.dma_semaphore, #tpu.memory_space<semaphore_mem>>)
      %dma_wait3A_129 = arith.constant 0 : i32
      %dma_wait3A_130 = tpu.memref_slice %arg7[%add3A_85, %dma_wait3A_129] : memref<20480x144xf32, #tpu.memory_space<hbm>> -> memref<128x144xf32, #tpu.memory_space<hbm>>
      %dma_wait3A_131 = arith.constant 0 : i32
      %dma_wait3A_132 = tpu.memref_slice %arg7[%add3A_85, %dma_wait3A_131] : memref<20480x144xf32, #tpu.memory_space<hbm>> -> memref<128x144xf32, #tpu.memory_space<hbm>>
      tpu.wait_dma2 semaphore(%run_scoped3A_124 : memref<!tpu.dma_semaphore, #tpu.memory_space<semaphore_mem>>) src(%arg11 : memref<128x144xf32, #tpu.memory_space<vmem>>) dst(%dma_wait3A_132 : memref<128x144xf32, #tpu.memory_space<hbm>>)
      tpu.yield
    }) : () -> ()
    %add3A_86 = arith.constant 384 : i32
    %add3A_87 = arith.addi %mul3A_2, %add3A_86 : i32
    %run_scoped3A_88 = arith.constant 0 : i32
    "tpu.region"() ({
      %run_scoped3A_124 = tpu.sem_alloc : memref<!tpu.dma_semaphore, #tpu.memory_space<semaphore_mem>>
      %dma_start3A_125 = arith.constant 0 : i32
      %dma_start3A_126 = tpu.memref_slice %arg8[%run_scoped3A_88, %dma_start3A_125] : memref<4x128xi32, #tpu.memory_space<vmem>> -> memref<1x128xi32, #tpu.memory_space<vmem>>
      %dma_start3A_127 = tpu.memref_squeeze %dma_start3A_126 : memref<1x128xi32, #tpu.memory_space<vmem>> -> memref<128xi32, #tpu.memory_space<vmem>>
      %dma_start3A_128 = tpu.memref_slice %arg5[%add3A_87] : memref<10240xi32, #tpu.memory_space<hbm>> -> memref<128xi32, #tpu.memory_space<hbm>>
      %dma_start3A_129 = arith.constant 0 : i32
      %dma_start3A_130 = tpu.memref_slice %arg8[%run_scoped3A_88, %dma_start3A_129] : memref<4x128xi32, #tpu.memory_space<vmem>> -> memref<1x128xi32, #tpu.memory_space<vmem>>
      %dma_start3A_131 = tpu.memref_squeeze %dma_start3A_130 : memref<1x128xi32, #tpu.memory_space<vmem>> -> memref<128xi32, #tpu.memory_space<vmem>>
      %dma_start3A_132 = tpu.memref_slice %arg5[%add3A_87] : memref<10240xi32, #tpu.memory_space<hbm>> -> memref<128xi32, #tpu.memory_space<hbm>>
      tpu.enqueue_dma source(%dma_start3A_132 : memref<128xi32, #tpu.memory_space<hbm>>) target(%dma_start3A_131 : memref<128xi32, #tpu.memory_space<vmem>>) target_semaphore(%run_scoped3A_124 : memref<!tpu.dma_semaphore, #tpu.memory_space<semaphore_mem>>)
      %dma_wait3A_133 = arith.constant 0 : i32
      %dma_wait3A_134 = tpu.memref_slice %arg8[%run_scoped3A_88, %dma_wait3A_133] : memref<4x128xi32, #tpu.memory_space<vmem>> -> memref<1x128xi32, #tpu.memory_space<vmem>>
      %dma_wait3A_135 = tpu.memref_squeeze %dma_wait3A_134 : memref<1x128xi32, #tpu.memory_space<vmem>> -> memref<128xi32, #tpu.memory_space<vmem>>
      %dma_wait3A_136 = tpu.memref_slice %arg5[%add3A_87] : memref<10240xi32, #tpu.memory_space<hbm>> -> memref<128xi32, #tpu.memory_space<hbm>>
      %dma_wait3A_137 = arith.constant 0 : i32
      %dma_wait3A_138 = tpu.memref_slice %arg8[%run_scoped3A_88, %dma_wait3A_137] : memref<4x128xi32, #tpu.memory_space<vmem>> -> memref<1x128xi32, #tpu.memory_space<vmem>>
      %dma_wait3A_139 = tpu.memref_squeeze %dma_wait3A_138 : memref<1x128xi32, #tpu.memory_space<vmem>> -> memref<128xi32, #tpu.memory_space<vmem>>
      %dma_wait3A_140 = tpu.memref_slice %arg5[%add3A_87] : memref<10240xi32, #tpu.memory_space<hbm>> -> memref<128xi32, #tpu.memory_space<hbm>>
      tpu.wait_dma2 semaphore(%run_scoped3A_124 : memref<!tpu.dma_semaphore, #tpu.memory_space<semaphore_mem>>) src(%dma_wait3A_140 : memref<128xi32, #tpu.memory_space<hbm>>) dst(%dma_wait3A_139 : memref<128xi32, #tpu.memory_space<vmem>>)
      tpu.yield
    }) : () -> ()
    %dma_start3A_89 = arith.constant 0 : i32
    %dma_start3A_90 = arith.constant 0 : i32
    %dma_start3A_91 = tpu.memref_slice %arg8[%dma_start3A_89, %dma_start3A_90] : memref<4x128xi32, #tpu.memory_space<vmem>> -> memref<1x128xi32, #tpu.memory_space<vmem>>
    %dma_start3A_92 = tpu.memref_squeeze %dma_start3A_91 : memref<1x128xi32, #tpu.memory_space<vmem>> -> memref<128xi32, #tpu.memory_space<vmem>>
    %dma_start3A_93 = arith.constant 0 : i32
    %dma_start3A_94 = arith.constant 0 : i32
    %dma_start3A_95 = tpu.memref_slice %arg12[%dma_start3A_93, %dma_start3A_94] : memref<10240x144xf32, #tpu.memory_space<vmem_shared>> -> memref<10240x144xf32, #tpu.memory_space<vmem_shared>>
    tpu.enqueue_indirect_dma source(%dma_start3A_95 : memref<10240x144xf32, #tpu.memory_space<vmem_shared>>) target(%arg11 : memref<128x144xf32, #tpu.memory_space<vmem>>) offsets(%dma_start3A_92 : memref<128xi32, #tpu.memory_space<vmem>>) semaphore(%arg13 : memref<!tpu.dma_semaphore, #tpu.memory_space<semaphore_mem>>)
    %dma_wait3A_96 = arith.constant 0 : i32
    %dma_wait3A_97 = arith.constant 0 : i32
    %dma_wait3A_98 = tpu.memref_slice %arg8[%dma_wait3A_96, %dma_wait3A_97] : memref<4x128xi32, #tpu.memory_space<vmem>> -> memref<1x128xi32, #tpu.memory_space<vmem>>
    %dma_wait3A_99 = tpu.memref_squeeze %dma_wait3A_98 : memref<1x128xi32, #tpu.memory_space<vmem>> -> memref<128xi32, #tpu.memory_space<vmem>>
    %dma_wait3A_100 = arith.constant 0 : i32
    %dma_wait3A_101 = arith.constant 0 : i32
    %dma_wait3A_102 = tpu.memref_slice %arg12[%dma_wait3A_100, %dma_wait3A_101] : memref<10240x144xf32, #tpu.memory_space<vmem_shared>> -> memref<10240x144xf32, #tpu.memory_space<vmem_shared>>
    tpu.wait_indirect_dma semaphore(%arg13 : memref<!tpu.dma_semaphore, #tpu.memory_space<semaphore_mem>>) src(%dma_wait3A_102 : memref<10240x144xf32, #tpu.memory_space<vmem_shared>>) dst(%arg11 : memref<128x144xf32, #tpu.memory_space<vmem>>)
    %add3A_103 = arith.constant 384 : i32
    %add3A_104 = arith.addi %add3A_5, %add3A_103 : i32
    "tpu.region"() ({
      %run_scoped3A_124 = tpu.sem_alloc : memref<!tpu.dma_semaphore, #tpu.memory_space<semaphore_mem>>
      %dma_start3A_125 = arith.constant 0 : i32
      %dma_start3A_126 = tpu.memref_slice %arg7[%add3A_104, %dma_start3A_125] : memref<20480x144xf32, #tpu.memory_space<hbm>> -> memref<128x144xf32, #tpu.memory_space<hbm>>
      %dma_start3A_127 = arith.constant 0 : i32
      %dma_start3A_128 = tpu.memref_slice %arg7[%add3A_104, %dma_start3A_127] : memref<20480x144xf32, #tpu.memory_space<hbm>> -> memref<128x144xf32, #tpu.memory_space<hbm>>
      tpu.enqueue_dma source(%arg11 : memref<128x144xf32, #tpu.memory_space<vmem>>) target(%dma_start3A_128 : memref<128x144xf32, #tpu.memory_space<hbm>>) target_semaphore(%run_scoped3A_124 : memref<!tpu.dma_semaphore, #tpu.memory_space<semaphore_mem>>)
      %dma_wait3A_129 = arith.constant 0 : i32
      %dma_wait3A_130 = tpu.memref_slice %arg7[%add3A_104, %dma_wait3A_129] : memref<20480x144xf32, #tpu.memory_space<hbm>> -> memref<128x144xf32, #tpu.memory_space<hbm>>
      %dma_wait3A_131 = arith.constant 0 : i32
      %dma_wait3A_132 = tpu.memref_slice %arg7[%add3A_104, %dma_wait3A_131] : memref<20480x144xf32, #tpu.memory_space<hbm>> -> memref<128x144xf32, #tpu.memory_space<hbm>>
      tpu.wait_dma2 semaphore(%run_scoped3A_124 : memref<!tpu.dma_semaphore, #tpu.memory_space<semaphore_mem>>) src(%arg11 : memref<128x144xf32, #tpu.memory_space<vmem>>) dst(%dma_wait3A_132 : memref<128x144xf32, #tpu.memory_space<hbm>>)
      tpu.yield
    }) : () -> ()
    %add3A_105 = arith.constant 512 : i32
    %add3A_106 = arith.addi %mul3A_2, %add3A_105 : i32
    %run_scoped3A_107 = arith.constant 0 : i32
    "tpu.region"() ({
      %run_scoped3A_124 = tpu.sem_alloc : memref<!tpu.dma_semaphore, #tpu.memory_space<semaphore_mem>>
      %dma_start3A_125 = arith.constant 0 : i32
      %dma_start3A_126 = tpu.memref_slice %arg8[%run_scoped3A_107, %dma_start3A_125] : memref<4x128xi32, #tpu.memory_space<vmem>> -> memref<1x128xi32, #tpu.memory_space<vmem>>
      %dma_start3A_127 = tpu.memref_squeeze %dma_start3A_126 : memref<1x128xi32, #tpu.memory_space<vmem>> -> memref<128xi32, #tpu.memory_space<vmem>>
      %dma_start3A_128 = tpu.memref_slice %arg5[%add3A_106] : memref<10240xi32, #tpu.memory_space<hbm>> -> memref<128xi32, #tpu.memory_space<hbm>>
      %dma_start3A_129 = arith.constant 0 : i32
      %dma_start3A_130 = tpu.memref_slice %arg8[%run_scoped3A_107, %dma_start3A_129] : memref<4x128xi32, #tpu.memory_space<vmem>> -> memref<1x128xi32, #tpu.memory_space<vmem>>
      %dma_start3A_131 = tpu.memref_squeeze %dma_start3A_130 : memref<1x128xi32, #tpu.memory_space<vmem>> -> memref<128xi32, #tpu.memory_space<vmem>>
      %dma_start3A_132 = tpu.memref_slice %arg5[%add3A_106] : memref<10240xi32, #tpu.memory_space<hbm>> -> memref<128xi32, #tpu.memory_space<hbm>>
      tpu.enqueue_dma source(%dma_start3A_132 : memref<128xi32, #tpu.memory_space<hbm>>) target(%dma_start3A_131 : memref<128xi32, #tpu.memory_space<vmem>>) target_semaphore(%run_scoped3A_124 : memref<!tpu.dma_semaphore, #tpu.memory_space<semaphore_mem>>)
      %dma_wait3A_133 = arith.constant 0 : i32
      %dma_wait3A_134 = tpu.memref_slice %arg8[%run_scoped3A_107, %dma_wait3A_133] : memref<4x128xi32, #tpu.memory_space<vmem>> -> memref<1x128xi32, #tpu.memory_space<vmem>>
      %dma_wait3A_135 = tpu.memref_squeeze %dma_wait3A_134 : memref<1x128xi32, #tpu.memory_space<vmem>> -> memref<128xi32, #tpu.memory_space<vmem>>
      %dma_wait3A_136 = tpu.memref_slice %arg5[%add3A_106] : memref<10240xi32, #tpu.memory_space<hbm>> -> memref<128xi32, #tpu.memory_space<hbm>>
      %dma_wait3A_137 = arith.constant 0 : i32
      %dma_wait3A_138 = tpu.memref_slice %arg8[%run_scoped3A_107, %dma_wait3A_137] : memref<4x128xi32, #tpu.memory_space<vmem>> -> memref<1x128xi32, #tpu.memory_space<vmem>>
      %dma_wait3A_139 = tpu.memref_squeeze %dma_wait3A_138 : memref<1x128xi32, #tpu.memory_space<vmem>> -> memref<128xi32, #tpu.memory_space<vmem>>
      %dma_wait3A_140 = tpu.memref_slice %arg5[%add3A_106] : memref<10240xi32, #tpu.memory_space<hbm>> -> memref<128xi32, #tpu.memory_space<hbm>>
      tpu.wait_dma2 semaphore(%run_scoped3A_124 : memref<!tpu.dma_semaphore, #tpu.memory_space<semaphore_mem>>) src(%dma_wait3A_140 : memref<128xi32, #tpu.memory_space<hbm>>) dst(%dma_wait3A_139 : memref<128xi32, #tpu.memory_space<vmem>>)
      tpu.yield
    }) : () -> ()
    %dma_start3A_108 = arith.constant 0 : i32
    %dma_start3A_109 = arith.constant 0 : i32
    %dma_start3A_110 = tpu.memref_slice %arg8[%dma_start3A_108, %dma_start3A_109] : memref<4x128xi32, #tpu.memory_space<vmem>> -> memref<1x128xi32, #tpu.memory_space<vmem>>
    %dma_start3A_111 = tpu.memref_squeeze %dma_start3A_110 : memref<1x128xi32, #tpu.memory_space<vmem>> -> memref<128xi32, #tpu.memory_space<vmem>>
    %dma_start3A_112 = arith.constant 0 : i32
    %dma_start3A_113 = arith.constant 0 : i32
    %dma_start3A_114 = tpu.memref_slice %arg12[%dma_start3A_112, %dma_start3A_113] : memref<10240x144xf32, #tpu.memory_space<vmem_shared>> -> memref<10240x144xf32, #tpu.memory_space<vmem_shared>>
    tpu.enqueue_indirect_dma source(%dma_start3A_114 : memref<10240x144xf32, #tpu.memory_space<vmem_shared>>) target(%arg11 : memref<128x144xf32, #tpu.memory_space<vmem>>) offsets(%dma_start3A_111 : memref<128xi32, #tpu.memory_space<vmem>>) semaphore(%arg13 : memref<!tpu.dma_semaphore, #tpu.memory_space<semaphore_mem>>)
    %dma_wait3A_115 = arith.constant 0 : i32
    %dma_wait3A_116 = arith.constant 0 : i32
    %dma_wait3A_117 = tpu.memref_slice %arg8[%dma_wait3A_115, %dma_wait3A_116] : memref<4x128xi32, #tpu.memory_space<vmem>> -> memref<1x128xi32, #tpu.memory_space<vmem>>
    %dma_wait3A_118 = tpu.memref_squeeze %dma_wait3A_117 : memref<1x128xi32, #tpu.memory_space<vmem>> -> memref<128xi32, #tpu.memory_space<vmem>>
    %dma_wait3A_119 = arith.constant 0 : i32
    %dma_wait3A_120 = arith.constant 0 : i32
    %dma_wait3A_121 = tpu.memref_slice %arg12[%dma_wait3A_119, %dma_wait3A_120] : memref<10240x144xf32, #tpu.memory_space<vmem_shared>> -> memref<10240x144xf32, #tpu.memory_space<vmem_shared>>
    tpu.wait_indirect_dma semaphore(%arg13 : memref<!tpu.dma_semaphore, #tpu.memory_space<semaphore_mem>>) src(%dma_wait3A_121 : memref<10240x144xf32, #tpu.memory_space<vmem_shared>>) dst(%arg11 : memref<128x144xf32, #tpu.memory_space<vmem>>)
    %add3A_122 = arith.constant 512 : i32
    %add3A_123 = arith.addi %add3A_5, %add3A_122 : i32
    "tpu.region"() ({
      %run_scoped3A_124 = tpu.sem_alloc : memref<!tpu.dma_semaphore, #tpu.memory_space<semaphore_mem>>
      %dma_start3A_125 = arith.constant 0 : i32
      %dma_start3A_126 = tpu.memref_slice %arg7[%add3A_123, %dma_start3A_125] : memref<20480x144xf32, #tpu.memory_space<hbm>> -> memref<128x144xf32, #tpu.memory_space<hbm>>
      %dma_start3A_127 = arith.constant 0 : i32
      %dma_start3A_128 = tpu.memref_slice %arg7[%add3A_123, %dma_start3A_127] : memref<20480x144xf32, #tpu.memory_space<hbm>> -> memref<128x144xf32, #tpu.memory_space<hbm>>
      tpu.enqueue_dma source(%arg11 : memref<128x144xf32, #tpu.memory_space<vmem>>) target(%dma_start3A_128 : memref<128x144xf32, #tpu.memory_space<hbm>>) target_semaphore(%run_scoped3A_124 : memref<!tpu.dma_semaphore, #tpu.memory_space<semaphore_mem>>)
      %dma_wait3A_129 = arith.constant 0 : i32
      %dma_wait3A_130 = tpu.memref_slice %arg7[%add3A_123, %dma_wait3A_129] : memref<20480x144xf32, #tpu.memory_space<hbm>> -> memref<128x144xf32, #tpu.memory_space<hbm>>
      %dma_wait3A_131 = arith.constant 0 : i32
      %dma_wait3A_132 = tpu.memref_slice %arg7[%add3A_123, %dma_wait3A_131] : memref<20480x144xf32, #tpu.memory_space<hbm>> -> memref<128x144xf32, #tpu.memory_space<hbm>>
      tpu.wait_dma2 semaphore(%run_scoped3A_124 : memref<!tpu.dma_semaphore, #tpu.memory_space<semaphore_mem>>) src(%arg11 : memref<128x144xf32, #tpu.memory_space<vmem>>) dst(%dma_wait3A_132 : memref<128x144xf32, #tpu.memory_space<hbm>>)
      tpu.yield
    }) : () -> ()
    return
  }
}

module attributes {stable_mosaic.version = 14 : i64} {
  func.func @_tc_layer_kernel(%arg0: i32, %arg1: memref<2x1024x144xf32, #tpu.memory_space<vmem>>, %arg2: memref<1024x144xf32, #tpu.memory_space<vmem>>, %arg3: memref<128x128xf32, #tpu.memory_space<vmem>>, %arg4: memref<1x128xf32, #tpu.memory_space<vmem>>, %arg5: memref<128x128xf32, #tpu.memory_space<vmem>>, %arg6: memref<1024x144xf32, #tpu.memory_space<vmem>>) attributes {dimension_semantics = [#tpu.dimension_semantics<arbitrary>], iteration_bounds = array<i64: 10>, scalar_prefetch = 0 : i64, scratch_operands = 0 : i64, tpu.core_type = #tpu.core_type<tc>, window_params = [{transform_indices = @transform_0, window_bounds = array<i64: 2, 1024, 144>}, {transform_indices = @transform_1, window_bounds = array<i64: 1024, 144>}, {pipeline_mode = #tpu.pipeline_mode<synchronous>, transform_indices = @transform_2, window_bounds = array<i64: 128, 128>}, {pipeline_mode = #tpu.pipeline_mode<synchronous>, transform_indices = @transform_3, window_bounds = array<i64: 1, 128>}, {pipeline_mode = #tpu.pipeline_mode<synchronous>, transform_indices = @transform_4, window_bounds = array<i64: 128, 128>}, {transform_indices = @transform_5, window_bounds = array<i64: 1024, 144>}]} {
    %get3A = arith.constant 0 : index
    %get3A_0 = arith.constant 0 : index
    %get3A_1 = arith.constant 0 : index
    %get3A_2 = vector.load %arg1[%get3A, %get3A_0, %get3A_1] : memref<2x1024x144xf32, #tpu.memory_space<vmem>>, vector<1x1024x144xf32>
    %get3A_3 = vector.shape_cast %get3A_2 : vector<1x1024x144xf32> to vector<1024x144xf32>
    %get3A_4 = arith.constant 1 : index
    %get3A_5 = arith.constant 0 : index
    %get3A_6 = arith.constant 0 : index
    %get3A_7 = vector.load %arg1[%get3A_4, %get3A_5, %get3A_6] : memref<2x1024x144xf32, #tpu.memory_space<vmem>>, vector<1x1024x144xf32>
    %get3A_8 = vector.shape_cast %get3A_7 : vector<1x1024x144xf32> to vector<1024x144xf32>
    %add3A = arith.addf %get3A_3, %get3A_8 : vector<1024x144xf32>
    %slice3A = vector.extract_strided_slice %add3A {offsets = [0, 0], sizes = [1024, 128], strides = [1, 1]} : vector<1024x144xf32> to vector<1024x128xf32>
    %slice3A_9 = vector.extract_strided_slice %add3A {offsets = [0, 128], sizes = [1024, 1], strides = [1, 1]} : vector<1024x144xf32> to vector<1024x1xf32>
    %max3A = arith.constant 1.000000e+00 : f32
    %max3A_10 = vector.broadcast %max3A : f32 to vector<1024x1xf32>
    %max3A_11 = arith.maximumf %slice3A_9, %max3A_10 : vector<1024x1xf32>
    %div3A = vector.broadcast %max3A_11 : vector<1024x1xf32> to vector<1024x128xf32>
    %div3A_12 = arith.divf %slice3A, %div3A : vector<1024x128xf32>
    %get3A_13 = arith.constant 0 : index
    %get3A_14 = arith.constant 0 : index
    %get3A_15 = vector.load %arg3[%get3A_13, %get3A_14] : memref<128x128xf32, #tpu.memory_space<vmem>>, vector<128x128xf32>
    %dot_general3A = arith.constant dense<0.000000e+00> : vector<1024x128xf32>
    %dot_general3A_16 = tpu.matmul %div3A_12, %get3A_15, %dot_general3A {dimension_numbers = #tpu.dot_dimension_numbers<[1], [0], [0], [1], [0, 0, 1, 1], [], []>, transpose_lhs_hint = false} : vector<1024x128xf32>, vector<128x128xf32>, vector<1024x128xf32> -> vector<1024x128xf32>
    %get3A_17 = arith.constant 0 : index
    %get3A_18 = arith.constant 0 : index
    %get3A_19 = vector.load %arg4[%get3A_17, %get3A_18] : memref<1x128xf32, #tpu.memory_space<vmem>>, vector<1x128xf32>
    %add3A_20 = vector.broadcast %get3A_19 : vector<1x128xf32> to vector<1024x128xf32>
    %add3A_21 = arith.addf %dot_general3A_16, %add3A_20 : vector<1024x128xf32>
    %get3A_22 = arith.constant 0 : index
    %get3A_23 = arith.constant 0 : index
    %get3A_24 = vector.load %arg2[%get3A_22, %get3A_23] : memref<1024x144xf32, #tpu.memory_space<vmem>>, vector<1024x128xf32>
    %get3A_25 = arith.constant 0 : index
    %get3A_26 = arith.constant 0 : index
    %get3A_27 = vector.load %arg5[%get3A_25, %get3A_26] : memref<128x128xf32, #tpu.memory_space<vmem>>, vector<128x128xf32>
    %dot_general3A_28 = arith.constant dense<0.000000e+00> : vector<1024x128xf32>
    %dot_general3A_29 = tpu.matmul %get3A_24, %get3A_27, %dot_general3A_28 {dimension_numbers = #tpu.dot_dimension_numbers<[1], [0], [0], [1], [0, 0, 1, 1], [], []>, transpose_lhs_hint = false} : vector<1024x128xf32>, vector<128x128xf32>, vector<1024x128xf32> -> vector<1024x128xf32>
    %add3A_30 = arith.addf %add3A_21, %dot_general3A_29 : vector<1024x128xf32>
    %mul3A = arith.mulf %add3A_30, %add3A_30 : vector<1024x128xf32>
    %reduce_sum3A = arith.constant dense<0.000000e+00> : vector<1024xf32>
    %reduce_sum3A_31 = vector.multi_reduction <add>, %mul3A, %reduce_sum3A [1] : vector<1024x128xf32> to vector<1024xf32>
    %broadcast_in_dim3A = vector.shape_cast %reduce_sum3A_31 : vector<1024xf32> to vector<1024x1xf32>
    %sqrt3A = math.sqrt %broadcast_in_dim3A : vector<1024x1xf32>
    %max3A_32 = arith.constant 9.99999996E-13 : f32
    %max3A_33 = vector.broadcast %max3A_32 : f32 to vector<1024x1xf32>
    %max3A_34 = arith.maximumf %sqrt3A, %max3A_33 : vector<1024x1xf32>
    %div3A_35 = vector.broadcast %max3A_34 : vector<1024x1xf32> to vector<1024x128xf32>
    %div3A_36 = arith.divf %add3A_30, %div3A_35 : vector<1024x128xf32>
    %max3A_37 = arith.constant 0.000000e+00 : f32
    %max3A_38 = vector.broadcast %max3A_37 : f32 to vector<1024x128xf32>
    %max3A_39 = arith.maximumf %div3A_36, %max3A_38 : vector<1024x128xf32>
    %broadcast_in_dim3A_40 = arith.constant 1.000000e+00 : f32
    %broadcast_in_dim3A_41 = vector.broadcast %broadcast_in_dim3A_40 : f32 to vector<1024x16xf32>
    %concatenate3A = tpu.concatenate %max3A_39, %broadcast_in_dim3A_41 in 1 : vector<1024x128xf32>, vector<1024x16xf32> -> vector<1024x144xf32>
    %swap3A = arith.constant 0 : index
    %swap3A_42 = arith.constant 0 : index
    %swap3A_43 = vector.load %arg6[%swap3A, %swap3A_42] : memref<1024x144xf32, #tpu.memory_space<vmem>>, vector<1024x144xf32>
    tpu.vector_store %arg6[%swap3A, %swap3A_42], %concatenate3A {strides = array<i32>} : memref<1024x144xf32, #tpu.memory_space<vmem>>, vector<1024x144xf32>,
    return
  }
  func.func @transform_0(%arg0: i32) -> (i32, i32, i32) {
    %c0_i32 = arith.constant 0 : i32
    %c0_i32_0 = arith.constant 0 : i32
    %c0_i32_1 = arith.constant 0 : i32
    return %c0_i32, %arg0, %c0_i32_0 : i32, i32, i32
  }
  func.func @transform_1(%arg0: i32) -> (i32, i32) {
    %c0_i32 = arith.constant 0 : i32
    %c0_i32_0 = arith.constant 0 : i32
    return %arg0, %c0_i32 : i32, i32
  }
  func.func @transform_2(%arg0: i32) -> (i32, i32) {
    %c0_i32 = arith.constant 0 : i32
    %c0_i32_0 = arith.constant 0 : i32
    %c0_i32_1 = arith.constant 0 : i32
    return %c0_i32, %c0_i32_0 : i32, i32
  }
  func.func @transform_3(%arg0: i32) -> (i32, i32) {
    %c0_i32 = arith.constant 0 : i32
    %c0_i32_0 = arith.constant 0 : i32
    %c0_i32_1 = arith.constant 0 : i32
    return %c0_i32, %c0_i32_0 : i32, i32
  }
  func.func @transform_4(%arg0: i32) -> (i32, i32) {
    %c0_i32 = arith.constant 0 : i32
    %c0_i32_0 = arith.constant 0 : i32
    %c0_i32_1 = arith.constant 0 : i32
    return %c0_i32, %c0_i32_0 : i32, i32
  }
  func.func @transform_5(%arg0: i32) -> (i32, i32) {
    %c0_i32 = arith.constant 0 : i32
    %c0_i32_0 = arith.constant 0 : i32
    return %arg0, %c0_i32 : i32, i32
  }
}

module attributes {stable_mosaic.version = 14 : i64} {
  func.func @_tc_layer_kernel(%arg0: i32, %arg1: memref<2x1024x144xf32, #tpu.memory_space<vmem>>, %arg2: memref<1024x144xf32, #tpu.memory_space<vmem>>, %arg3: memref<128x128xf32, #tpu.memory_space<vmem>>, %arg4: memref<1x128xf32, #tpu.memory_space<vmem>>, %arg5: memref<128x128xf32, #tpu.memory_space<vmem>>, %arg6: memref<1024x128xf32, #tpu.memory_space<vmem>>) attributes {dimension_semantics = [#tpu.dimension_semantics<arbitrary>], iteration_bounds = array<i64: 10>, scalar_prefetch = 0 : i64, scratch_operands = 0 : i64, tpu.core_type = #tpu.core_type<tc>, window_params = [{transform_indices = @transform_0, window_bounds = array<i64: 2, 1024, 144>}, {transform_indices = @transform_1, window_bounds = array<i64: 1024, 144>}, {pipeline_mode = #tpu.pipeline_mode<synchronous>, transform_indices = @transform_2, window_bounds = array<i64: 128, 128>}, {pipeline_mode = #tpu.pipeline_mode<synchronous>, transform_indices = @transform_3, window_bounds = array<i64: 1, 128>}, {pipeline_mode = #tpu.pipeline_mode<synchronous>, transform_indices = @transform_4, window_bounds = array<i64: 128, 128>}, {transform_indices = @transform_5, window_bounds = array<i64: 1024, 128>}]} {
    %get3A = arith.constant 0 : index
    %get3A_0 = arith.constant 0 : index
    %get3A_1 = arith.constant 0 : index
    %get3A_2 = vector.load %arg1[%get3A, %get3A_0, %get3A_1] : memref<2x1024x144xf32, #tpu.memory_space<vmem>>, vector<1x1024x144xf32>
    %get3A_3 = vector.shape_cast %get3A_2 : vector<1x1024x144xf32> to vector<1024x144xf32>
    %get3A_4 = arith.constant 1 : index
    %get3A_5 = arith.constant 0 : index
    %get3A_6 = arith.constant 0 : index
    %get3A_7 = vector.load %arg1[%get3A_4, %get3A_5, %get3A_6] : memref<2x1024x144xf32, #tpu.memory_space<vmem>>, vector<1x1024x144xf32>
    %get3A_8 = vector.shape_cast %get3A_7 : vector<1x1024x144xf32> to vector<1024x144xf32>
    %add3A = arith.addf %get3A_3, %get3A_8 : vector<1024x144xf32>
    %slice3A = vector.extract_strided_slice %add3A {offsets = [0, 0], sizes = [1024, 128], strides = [1, 1]} : vector<1024x144xf32> to vector<1024x128xf32>
    %slice3A_9 = vector.extract_strided_slice %add3A {offsets = [0, 128], sizes = [1024, 1], strides = [1, 1]} : vector<1024x144xf32> to vector<1024x1xf32>
    %max3A = arith.constant 1.000000e+00 : f32
    %max3A_10 = vector.broadcast %max3A : f32 to vector<1024x1xf32>
    %max3A_11 = arith.maximumf %slice3A_9, %max3A_10 : vector<1024x1xf32>
    %div3A = vector.broadcast %max3A_11 : vector<1024x1xf32> to vector<1024x128xf32>
    %div3A_12 = arith.divf %slice3A, %div3A : vector<1024x128xf32>
    %get3A_13 = arith.constant 0 : index
    %get3A_14 = arith.constant 0 : index
    %get3A_15 = vector.load %arg3[%get3A_13, %get3A_14] : memref<128x128xf32, #tpu.memory_space<vmem>>, vector<128x128xf32>
    %dot_general3A = arith.constant dense<0.000000e+00> : vector<1024x128xf32>
    %dot_general3A_16 = tpu.matmul %div3A_12, %get3A_15, %dot_general3A {dimension_numbers = #tpu.dot_dimension_numbers<[1], [0], [0], [1], [0, 0, 1, 1], [], []>, transpose_lhs_hint = false} : vector<1024x128xf32>, vector<128x128xf32>, vector<1024x128xf32> -> vector<1024x128xf32>
    %get3A_17 = arith.constant 0 : index
    %get3A_18 = arith.constant 0 : index
    %get3A_19 = vector.load %arg4[%get3A_17, %get3A_18] : memref<1x128xf32, #tpu.memory_space<vmem>>, vector<1x128xf32>
    %add3A_20 = vector.broadcast %get3A_19 : vector<1x128xf32> to vector<1024x128xf32>
    %add3A_21 = arith.addf %dot_general3A_16, %add3A_20 : vector<1024x128xf32>
    %get3A_22 = arith.constant 0 : index
    %get3A_23 = arith.constant 0 : index
    %get3A_24 = vector.load %arg2[%get3A_22, %get3A_23] : memref<1024x144xf32, #tpu.memory_space<vmem>>, vector<1024x128xf32>
    %get3A_25 = arith.constant 0 : index
    %get3A_26 = arith.constant 0 : index
    %get3A_27 = vector.load %arg5[%get3A_25, %get3A_26] : memref<128x128xf32, #tpu.memory_space<vmem>>, vector<128x128xf32>
    %dot_general3A_28 = arith.constant dense<0.000000e+00> : vector<1024x128xf32>
    %dot_general3A_29 = tpu.matmul %get3A_24, %get3A_27, %dot_general3A_28 {dimension_numbers = #tpu.dot_dimension_numbers<[1], [0], [0], [1], [0, 0, 1, 1], [], []>, transpose_lhs_hint = false} : vector<1024x128xf32>, vector<128x128xf32>, vector<1024x128xf32> -> vector<1024x128xf32>
    %add3A_30 = arith.addf %add3A_21, %dot_general3A_29 : vector<1024x128xf32>
    %mul3A = arith.mulf %add3A_30, %add3A_30 : vector<1024x128xf32>
    %reduce_sum3A = arith.constant dense<0.000000e+00> : vector<1024xf32>
    %reduce_sum3A_31 = vector.multi_reduction <add>, %mul3A, %reduce_sum3A [1] : vector<1024x128xf32> to vector<1024xf32>
    %broadcast_in_dim3A = vector.shape_cast %reduce_sum3A_31 : vector<1024xf32> to vector<1024x1xf32>
    %sqrt3A = math.sqrt %broadcast_in_dim3A : vector<1024x1xf32>
    %max3A_32 = arith.constant 9.99999996E-13 : f32
    %max3A_33 = vector.broadcast %max3A_32 : f32 to vector<1024x1xf32>
    %max3A_34 = arith.maximumf %sqrt3A, %max3A_33 : vector<1024x1xf32>
    %div3A_35 = vector.broadcast %max3A_34 : vector<1024x1xf32> to vector<1024x128xf32>
    %div3A_36 = arith.divf %add3A_30, %div3A_35 : vector<1024x128xf32>
    %swap3A = arith.constant 0 : index
    %swap3A_37 = arith.constant 0 : index
    %swap3A_38 = vector.load %arg6[%swap3A, %swap3A_37] : memref<1024x128xf32, #tpu.memory_space<vmem>>, vector<1024x128xf32>
    tpu.vector_store %arg6[%swap3A, %swap3A_37], %div3A_36 {strides = array<i32>} : memref<1024x128xf32, #tpu.memory_space<vmem>>, vector<1024x128xf32>,
    return
  }
  func.func @transform_0(%arg0: i32) -> (i32, i32, i32) {
    %c0_i32 = arith.constant 0 : i32
    %c0_i32_0 = arith.constant 0 : i32
    %c0_i32_1 = arith.constant 0 : i32
    return %c0_i32, %arg0, %c0_i32_0 : i32, i32, i32
  }
  func.func @transform_1(%arg0: i32) -> (i32, i32) {
    %c0_i32 = arith.constant 0 : i32
    %c0_i32_0 = arith.constant 0 : i32
    return %arg0, %c0_i32 : i32, i32
  }
  func.func @transform_2(%arg0: i32) -> (i32, i32) {
    %c0_i32 = arith.constant 0 : i32
    %c0_i32_0 = arith.constant 0 : i32
    %c0_i32_1 = arith.constant 0 : i32
    return %c0_i32, %c0_i32_0 : i32, i32
  }
  func.func @transform_3(%arg0: i32) -> (i32, i32) {
    %c0_i32 = arith.constant 0 : i32
    %c0_i32_0 = arith.constant 0 : i32
    %c0_i32_1 = arith.constant 0 : i32
    return %c0_i32, %c0_i32_0 : i32, i32
  }
  func.func @transform_4(%arg0: i32) -> (i32, i32) {
    %c0_i32 = arith.constant 0 : i32
    %c0_i32_0 = arith.constant 0 : i32
    %c0_i32_1 = arith.constant 0 : i32
    return %c0_i32, %c0_i32_0 : i32, i32
  }
  func.func @transform_5(%arg0: i32) -> (i32, i32) {
    %c0_i32 = arith.constant 0 : i32
    %c0_i32_0 = arith.constant 0 : i32
    return %arg0, %c0_i32 : i32, i32
  }
}

</mosaic_0001>

<sc_bundles>
// kernel: kernel.6.cloned.1.call-start
scs
__scs_entry_jumppad:
0x0: {  	(pc) =	sbr.rel $0x88, $3  }
0x1: {  	(tag) =	ssettag $0x0;
	lr =	simm.s32 $0x1  }
0x2: {  	[smem:$0x3F99] =	sst lr;
	_ =	strace $0xD0000000  }
0x3: {  	_ = 	snop  }
0x4: {  	_ = 	snop  }
0x5: {  	_ = 	snop  }
0x6: {  	_ = 	snop  }
0x7: {  	_ = 	snop  }
__scs_overlays_trampoline_lowered:
0x8: {  	[smem:$0x3FA8] =	sst s0  }
0x9: {  	[smem:$0x3FA9] =	sst s1  }
0xa: {  	[smem:$0x3FAA] =	sst s2  }
0xb: {  	[smem:$0x3FAB] =	sst s3  }
0xc: {  	[smem:$0x3FAC] =	sst s4  }
0xd: {  	[smem:$0x3FAD] =	sst s5  }
0xe: {  	[smem:$0x3FAE] =	sst s6  }
0xf: {  	[smem:$0x3FAF] =	sst s7  }
0x10: {  	[smem:$0x3FB0] =	sst s8  }
0x11: {  	[smem:$0x3FB1] =	sst s9;
	s0 =	simm.s32 @!p0 $0x0  }
0x12: {  	s1 =	sld [smem:$0x3F97];
	s0 =	simm.s32 @p0 $0x1  }
0x13: {  	[smem:$0x3FB2] =	sst s0;
	s0 =	simm.s32 @!p1 $0x0  }
0x14: {  	s2 =	sld [smem:$0x3F96];
	s0 =	simm.s32 @p1 $0x1  }
0x15: {  	[smem:$0x3FB3] =	sst s0;
	s0 =	simm.s32 @!p2 $0x0  }
0x16: {  	s3 =	sld [smem:$0x3FDB];
	s0 =	simm.s32 @p2 $0x1  }
0x17: {  	s4 =	simm.s32 $0x1BF5;
	[smem:$0x3FB5] =	sst s0  }
0x18: {  	s0 =	sld [smem:$0x3F98];
	_ =	swait.ge [sflag:s4], $0x0  }
0x19: {  	s7 =	sld [smem:$0x3F99]  }
0x1a: {  	s8 =	sadd.s32 $0xFFFFE003, lr  }
0x1b: {  	s9 =	sadd.s32 $0xFFFFFEF7, lr;
	s5 =	simm.s32 $0xFFFFFFFF;
	p2 =	slt.u32 s8, $0xFFFFF086  }
0x1c: {  	p1 =	slt.u32 s9, $0xF7A;
	s5 =	simm.s32 @!p2 $0x0  }
0x1d: {  	s5 =	simm.s32 @p1 $0x1;
	p0 =	seq.s32 s7, s2  }
0x1e: {  	s7 =	smul.u32 @!p0 $0xF7A, s2;
	p2 =	seq.s32 @!p0 s5, $0x0  }
0x1f: {  	s9 =	smul.u32 $0xF7A, s1;
	s8 =	simm.s32 @!p0 $0x1BF5;
	p2 =	por !p2, p0  }
0x20: {  	[sflag:s8] =	ssyncset.s32 @!p0 $0xFFFFF086;
	s6 =	sadd.s32 @!p0 s3, s7;
	s7 =	simm.s32 @!p0 $0x108  }
0x21: {  	s3 =	sadd.s32 s3, s9;
	s6 =	sadd.s32 @!p0 $0x88, s6;
	s7 =	simm.s32 @p2 $0x1082  }
0x22: {  	[simem:s7], [sflag:s8] =	dma.local @!p0 [hbm:s6], $0xF7A  }
0x23: {  	s9 =	sor.u32 $0xD0000000, s2;
	s6 =	simm.s32 $0x108;
	_ =	swait.ge @!p0 [sflag:s8], $0x0  }
0x24: {  	s3 =	sadd.s32 $0x88, s3;
	s6 =	simm.s32 @!p1 $0x1082;
	[sflag:s4] =	ssyncset.s32 $0xFFFFF086  }
0x25: {  	[simem:s6], [sflag:s4] =	dma.local [hbm:s3], $0xF7A  }
0x26: {  	[smem:$0x3F99] =	sst s1;
	(tag) =	ssettag s2;
	_ =	strace s9  }
0x27: {  	s1 =	sld [smem:$0x3FA9]  }
0x28: {  	s2 =	sld [smem:$0x3FAA]  }
0x29: {  	s4 =	sld [smem:$0x3FAC]  }
0x2a: {  	p0 =	seq.s32 s5, $0x0;
	s5 =	sld [smem:$0x3FAD]  }
0x2b: {  	s6 =	sld [smem:$0x3FAE]  }
0x2c: {  	s7 =	sld [smem:$0x3FAF]  }
0x2d: {  	s3 =	simm.s32 $0x108;
	s8 =	sld [smem:$0x3FB0]  }
0x2e: {  	s3 =	simm.s32 @!p0 $0x1082;
	s9 =	sld [smem:$0x3FB1]  }
0x2f: {  	lr =	sadd.s32 s0, s3;
	s0 =	sld [smem:$0x3FA8]  }
0x30: {  	s3 =	sld [smem:$0x3FAB]  }
0x31: {  	[smem:$0x3FB4] =	sst s10  }
0x32: {  	s10 =	sld [smem:$0x3FB2];
	_ =	sdelay $0x3  }
0x33: {  	p0 =	seq.s32 s10, $0x1;
	s10 =	sld [smem:$0x3FB4];
	_ =	sdelay $0x3  }
0x34: {  	[smem:$0x3FB4] =	sst s10  }
0x35: {  	s10 =	sld [smem:$0x3FB3];
	_ =	sdelay $0x3  }
0x36: {  	p1 =	seq.s32 s10, $0x1;
	s10 =	sld [smem:$0x3FB4];
	_ =	sdelay $0x3  }
0x37: {  	[smem:$0x3FB4] =	sst s10  }
0x38: {  	s10 =	sld [smem:$0x3FB5]  }
0x39: {  	_ = 	snop;
	(pc) =	sbr.ind lr, $3  }
0x3a: {  	_ = 	snop  }
0x3b: {  	_ = 	snop  }
0x3c: {  	p2 =	seq.s32 s10, $0x1;
	s10 =	sld [smem:$0x3FB4]  }
0x3d: {  	_ =	shalt  }
0x3e: {  	_ =	shalt  }
0x3f: {  	_ =	shalt  }
0x40: {  	_ =	shalt  }
0x41: {  	_ =	shalt  }
0x42: {  	_ =	shalt  }
0x43: {  	_ =	shalt  }
0x44: {  	_ =	shalt  }
0x45: {  	_ =	shalt  }
0x46: {  	_ =	shalt  }
0x47: {  	_ =	shalt  }
0x48: {  	_ =	shalt  }
0x49: {  	_ =	shalt  }
0x4a: {  	_ =	shalt  }
0x4b: {  	_ =	shalt  }
0x4c: {  	_ =	shalt  }
0x4d: {  	_ =	shalt  }
0x4e: {  	_ =	shalt  }
0x4f: {  	_ =	shalt  }
0x50: {  	_ =	shalt  }
0x51: {  	_ =	shalt  }
0x52: {  	_ =	shalt  }
0x53: {  	_ =	shalt  }
0x54: {  	_ =	shalt  }
0x55: {  	_ =	shalt  }
0x56: {  	_ =	shalt  }
0x57: {  	_ =	shalt  }
0x58: {  	_ =	shalt  }
0x59: {  	_ =	shalt  }
0x5a: {  	_ =	shalt  }
0x5b: {  	_ =	shalt  }
0x5c: {  	_ =	shalt  }
0x5d: {  	_ =	shalt  }
0x5e: {  	_ =	shalt  }
0x5f: {  	_ =	shalt  }
0x60: {  	_ =	shalt  }
0x61: {  	_ =	shalt  }
0x62: {  	_ =	shalt  }
0x63: {  	_ =	shalt  }
0x64: {  	_ =	shalt  }
0x65: {  	_ =	shalt  }
0x66: {  	_ =	shalt  }
0x67: {  	_ =	shalt  }
0x68: {  	_ =	shalt  }
0x69: {  	_ =	shalt  }
0x6a: {  	_ =	shalt  }
0x6b: {  	_ =	shalt  }
0x6c: {  	_ =	shalt  }
0x6d: {  	_ =	shalt  }
0x6e: {  	_ =	shalt  }
0x6f: {  	_ =	shalt  }
0x70: {  	_ =	shalt  }
0x71: {  	_ =	shalt  }
0x72: {  	_ =	shalt  }
0x73: {  	_ =	shalt  }
0x74: {  	_ =	shalt  }
0x75: {  	_ =	shalt  }
0x76: {  	_ =	shalt  }
0x77: {  	_ =	shalt  }
0x78: {  	_ =	shalt  }
0x79: {  	_ =	shalt  }
0x7a: {  	_ =	shalt  }
0x7b: {  	_ =	shalt  }
0x7c: {  	_ =	shalt  }
0x7d: {  	_ =	shalt  }
0x7e: {  	_ =	shalt  }
0x7f: {  	_ =	shalt  }
0x80: {  	_ =	shalt  }
0x81: {  	_ =	shalt  }
0x82: {  	_ =	shalt  }
0x83: {  	_ =	shalt  }
0x84: {  	_ =	shalt  }
0x85: {  	_ =	shalt  }
0x86: {  	_ =	shalt  }
0x87: {  	_ =	shalt  }
.Lfunc_end0:
.L_simem_size_0:
called_computation_lowered:
.L_overlay_start_0:
0x88: {  	s2 =	sld [smem:$0x3FD9]  }
0x89: {  	s3 =	sld [smem:$0x3FFE];
	_ =	sdelay $0x1  }
0x8a: {  	s1 =	srdreg.scid  }
0x8b: {  	s0 =	sand.u32 $0x1, s1  }
0x8c: {  	s17 =	sshll.u32 s0, $0xA;
	s2 =	sadd.s32 s3, s2  }
0x8d: {  	s2 =	sadd.s32 s2, s17  }
0x8e: {  	[smem:$0x3FC0] =	sst s2  }
0x8f: {  	_ = 	snop  }
0x90: {  	s2 =	sld [smem:$0x3FD0];
	(tm) =	ssettm $0x1  }
0x91: {  	s18 =	sld [smem:$0x3FFB];
	_ =	sdelay $0x3  }
0x92: {  	_ =	strace s18  }
0x93: {  	s3 =	sld [smem:$0x3FFC];
	_ =	sdelay $0x3  }
0x94: {  	_ =	strace s3  }
0x95: {  	s3 =	sld [smem:$0x3FFD];
	_ =	sdelay $0x3  }
0x96: {  	_ =	strace s3  }
0x97: {  	_ =	strace $0x8FFFFFFF  }
0x98: {  	s19 =	sld [smem:$0x3FDB];
	_ =	sdelay $0x1  }
0x99: {  	s4 =	simm.s32 $_scs_section_size  }
0x9a: {  	s5 =	simm.s32 $_size__tile_overlayer_lowered;
	s6 =	simm.s32 $_tile_overlayer_lowered  }
0x9b: {  	s22 =	simm.s32 $0x1BFF;
	s21 =	sshll.u32 s6, $0x1;
	s3 =	sadd.s32 s4, s19  }
0x9c: {  	s7 =	simm.s32 $0x0;
	s20 =	sshll.u32 s5, $0x1;
	s5 =	sadd.s32 s21, s3  }
0x9d: {  	[timem:s7], [sflag:s22] =	dma.local [hbm:s5], s20  }
0x9e: {  	_ =	swait.ge [sflag:s22], s20  }
0x9f: {  	s4 =	ssub.s32 $0x0, s20;
	[sflag:s22] =	ssyncset.done $0x0  }
0xa0: {  	[sflag:s22] =	ssyncadd.s32 s4;
	_ =	sdelay $0x1  }
0xa1: {  	s23 =	simm.s32 $0x1B8B  }
0xa2: {  	_ =	swait.ge [sflag:s23], $0x1  }
0xa3: {  	[sflag:s23] =	ssyncset.done $0x0  }
0xa4: {  	s25 =	simm.s32 $0x1B8E;
	s24 =	sld [smem:$0x3FFE];
	[sflag:s23] =	ssyncadd.s32 $0xFFFFFFFF  }
0xa5: {  	s26 =	simm.s32 $execute0_lowered;
	[smem:$0x3FD2] =	sst s25  }
0xa6: {  	s5 =	sshll.u32 s26, $0x1;
	_ =	strace $0x80000046;
	[dreg:$0x1] =	wrdreg $0xFFFFFFFF  }
0xa7: {  	s28 =	simm.s32 $_size_execute0_lowered;
	s3 =	sadd.s32 s3, s5;
	[dreg:$0x0] =	wrdreg $0x0  }
0xa8: {  	s5 =	sshll.u32 s28, $0x1;
	[dreg:$0x2] =	wrdreg s3  }
0xa9: {  	[dreg:$0x3] =	wrdreg s5  }
0xaa: {  	[dreg:$0x4] =	wrdreg $0xC0  }
0xab: {  	_ =	task [dreg:s7], $0x5FFFF  }
0xac: {  	[dreg:$0x1] =	wrdreg $0xFFFFFFFF  }
0xad: {  	[dreg:$0x0] =	wrdreg $0x60  }
0xae: {  	[dreg:$0x2] =	wrdreg s24  }
0xaf: {  	[dreg:$0x3] =	wrdreg s2  }
0xb0: {  	[dreg:$0x4] =	wrdreg $0x94000  }
0xb1: {  	[dreg:$0x5] =	wrdreg $0x9  }
0xb2: {  	_ =	task.clear_ibuf [dreg:s7], $0x6FFFF;
	_ =	strace $0x90000046  }
0xb3: {  	s29 =	simm.s32 $0x9;
	_ =	strace $0x80000048  }
0xb4: {  	_ =	swait.ge [sflag:s29], $0x1  }
0xb5: {  	[sflag:s29] =	ssyncadd.s32 $0xFFFFFFFF  }
0xb6: {  	_ =	strace $0x90000048  }
0xb7: {  	_ =	sfence  }
0xb8: {  	s30 =	sld [smem:$0x0];
	_ =	sdelay $0x2  }
0xb9: {  	s31 =	sshll.u32 s1, $0xD;
	s1 =	sshrl.u32 s1, $0x2  }
0xba: {  	s3 =	sand.u32 $0x4000, s31;
	s1 =	sadd.s32 s1, s30  }
0xbb: {  	s0 =	sor.u32 s3, s0;
	s1 =	sshll.u32 s1, $0x11  }
0xbc: {  	s0 =	sor.u32 s1, s0  }
0xbd: {  	s0 =	sadd.s32 $0x8F2B, s0  }
0xbe: {  	[sflag:s0] =	ssyncadd.remote.s32 $0x1  }
0xbf: {  	_ =	sfence.sel $0xFFFF  }
0xc0: {  	[dreg:$0x0] =	wrdreg $0xFFFFFFFF;
	(pc) =	sbr.abs _section_cstart, $3  }
0xc1: {  	[dreg:$0x1] =	wrdreg $0xFFFFFFFF  }
0xc2: {  	_ =	task.clear_ibuf [dreg:s7], $0x2FFFF;
	_ =	strace $0x9FFFFFFF  }
0xc3: {  	(tm) =	ssettm $0x7FFFFFFF  }
tec
execute0_lowered:
.L_overlay_start_1:
0x0: {  	(tag) =	ssettag $0x1  }
0x1: {  	s0 =	rddreg [dreg:$0x0]  }
0x2: {  	s2 =	rddreg [dreg:$0x1]  }
0x3: {  	s1 =	rddreg [dreg:$0x2]  }
0x4: {  	s3 =	srdreg.scid;
	s15 =	stileid.u32;
	s19 =	simm.s32 $0x4C00  }
0x5: {  	s28 =	simm.s32 $0x2;
	s29 =	simm.s32 $0x280;
	s30 =	simm.s32 $0x4  }
0x6: {  	s31 =	simm.s32 $0x180;
	s5 =	sand.u32 $0x1, s3;
	s6 =	smul.u32 $0x280, s15  }
0x7: {  	s3 =	simm.s32 $0x0;
	s4 =	sadd.s32 $0x1600, s0;
	s22 =	smul.u32 $0x500, s15  }
0x8: {  	s20 =	sadd.s32 $0x38600, s0;
	s11 =	smul.u32 $0x5000, s5;
	[smem:$0x7FF] =	sst s3  }
0x9: {  	s8 =	smul.u32 $0x2800, s5;
	s5 =	ssub.s32 $0x2, s5;
	_ =	strace $0x80000047  }
0xa: {  	s7 =	sshrl.u32 s6, $0x3;
	[dreg:$0x4] =	wrdreg s20;
	s21 =	sshrl.u32 s5, $0x1  }
0xb: {  	s20 =	simm.s32 $0x5;
	s12 =	sadd.s32 s11, s0;
	s10 =	sadd.s32 s7, s0  }
0xc: {  	s0 =	sadd.s32 $0x39600, s0;
	s9 =	sadd.s32 s6, s8;
	s5 =	ssub.s32 s5, s21  }
0xd: {  	s2 =	sadd.s32 s11, s2;
	s21 =	simm.s32 $0x80;
	s6 =	sadd.s32 $0x39000, s10  }
0xe: {  	s13 =	smul.u32 $0x90, s9;
	s7 =	sadd.s32 $0x39010, s10;
	s8 =	sadd.s32 $0x39020, s10  }
0xf: {  	s14 =	smul.u32 $0x12, s9;
	s9 =	sadd.s32 $0x39030, s10;
	s10 =	sadd.s32 $0x39040, s10  }
0x10: {  	s26 =	sadd.s32 s22, s12;
	s16 =	smax.u32 s5, $0x1;
	s13 =	sshrl.u32 s13, $0x3  }
0x11: {  	s18 =	sadd.s32 s22, s2;
	s14 =	sadd.s32 s0, s14;
	s0 =	sadd.s32 s0, s13  }
0x12: {  	s22 =	simm.s32 $0x200;
	[dreg:$0x5] =	wrdreg s14;
	s23 =	sadd.s32 $0x900, s0  }
0x13: {  	s2 =	simm.s32 $0x380;
	s24 =	sadd.s32 $0x1200, s0;
	[dreg:$0x6] =	wrdreg s23  }
0x14: {  	s5 =	simm.s32 $0x0;
	s25 =	sadd.s32 $0x1B00, s0;
	[dreg:$0x7] =	wrdreg s24  }
0x15: {  	s17 =	sadd.s32 $0x2E600, s26;
	s0 =	sadd.s32 $0x2400, s0;
	[dreg:$0x8] =	wrdreg s25  }
0x16: {  	s26 =	simm.s32 $0x100;
	[dreg:$0x9] =	wrdreg s0;
	s23 =	simm.s32 $0x400  }
0x17: {  	s24 =	simm.s32 $0x1;
	s25 =	simm.s32 $0x3;
	s0 =	simm.s32 $0x300  }
.LBB2_1:
0x18: {  	s11 =	rddreg [dreg:$0x4]  }
0x19: {  	[tilespmem:s19], [sflag:$0x5] =	stream.linear.gather [hbm4b:s11+s3], $0x4800, $0x38;
	[tilespmem:$0x1FC00] =	vst v63  }
0x1a: {  	_ =	swait.ge [sflag:s20], $0x4800  }
0x1b: {  	[sflag:s20] =	ssyncset.done $0x0  }
0x1c: {  	[sflag:s20] =	ssyncadd.s32 $0xFFFFB800  }
0x1d: {  	[tilespmem:s3], [sflag:$0x5] =	stream.linear.gather [hbm4b:s6+s3], $0x80, $0x38;
	[tilespmem:$0x1FC00] =	vst v63  }
0x1e: {  	_ =	swait.ge [sflag:s20], $0x80  }
0x1f: {  	[sflag:s20] =	ssyncset.done $0x0  }
0x20: {  	[sflag:s20] =	ssyncadd.s32 $0xFFFFFF80  }
0x21: {  	[spmem:s1] =	stream.indirect.scatter [tilespmem:s19], [sflag:$0x5], $0x90, s3, s21, $0xb8;
	[tilespmem:$0x1FC00] =	vst v63  }
0x22: {  	_ =	swait.ge [sflag:s20], $0x4800  }
0x23: {  	[sflag:s20] =	ssyncset.done $0x0  }
0x24: {  	[sflag:s20] =	ssyncadd.s32 $0xFFFFB800  }
0x25: {  	[tilespmem:s3], [sflag:$0x5] =	stream.linear.gather [hbm4b:s7+s3], $0x80, $0x38;
	[tilespmem:$0x1FC00] =	vst v63  }
0x26: {  	_ =	swait.ge [sflag:s20], $0x80  }
0x27: {  	[sflag:s20] =	ssyncset.done $0x0  }
0x28: {  	[sflag:s20] =	ssyncadd.s32 $0xFFFFFF80  }
0x29: {  	[spmem:s1] =	stream.indirect.scatter [tilespmem:s19], [sflag:$0x5], $0x90, s3, s21, $0xb8;
	[tilespmem:$0x1FC00] =	vst v63  }
0x2a: {  	_ =	swait.ge [sflag:s20], $0x4800  }
0x2b: {  	[sflag:s20] =	ssyncset.done $0x0  }
0x2c: {  	[sflag:s20] =	ssyncadd.s32 $0xFFFFB800  }
0x2d: {  	[tilespmem:s3], [sflag:$0x5] =	stream.linear.gather [hbm4b:s8+s3], $0x80, $0x38;
	[tilespmem:$0x1FC00] =	vst v63  }
0x2e: {  	_ =	swait.ge [sflag:s20], $0x80  }
0x2f: {  	[sflag:s20] =	ssyncset.done $0x0  }
0x30: {  	[sflag:s20] =	ssyncadd.s32 $0xFFFFFF80  }
0x31: {  	[spmem:s1] =	stream.indirect.scatter [tilespmem:s19], [sflag:$0x5], $0x90, s3, s21, $0xb8;
	[tilespmem:$0x1FC00] =	vst v63  }
0x32: {  	_ =	swait.ge [sflag:s20], $0x4800  }
0x33: {  	[sflag:s20] =	ssyncset.done $0x0  }
0x34: {  	[sflag:s20] =	ssyncadd.s32 $0xFFFFB800  }
0x35: {  	[tilespmem:s3], [sflag:$0x5] =	stream.linear.gather [hbm4b:s9+s3], $0x80, $0x38;
	[tilespmem:$0x1FC00] =	vst v63  }
0x36: {  	_ =	swait.ge [sflag:s20], $0x80  }
0x37: {  	[sflag:s20] =	ssyncset.done $0x0  }
0x38: {  	[sflag:s20] =	ssyncadd.s32 $0xFFFFFF80  }
0x39: {  	[spmem:s1] =	stream.indirect.scatter [tilespmem:s19], [sflag:$0x5], $0x90, s3, s21, $0xb8;
	[tilespmem:$0x1FC00] =	vst v63  }
0x3a: {  	_ =	swait.ge [sflag:s20], $0x4800  }
0x3b: {  	[sflag:s20] =	ssyncset.done $0x0  }
0x3c: {  	[sflag:s20] =	ssyncadd.s32 $0xFFFFB800  }
0x3d: {  	[tilespmem:s3], [sflag:$0x5] =	stream.linear.gather [hbm4b:s10+s3], $0x80, $0x38;
	[tilespmem:$0x1FC00] =	vst v63  }
0x3e: {  	_ =	swait.ge [sflag:s20], $0x80  }
0x3f: {  	[sflag:s20] =	ssyncset.done $0x0  }
0x40: {  	[sflag:s20] =	ssyncadd.s32 $0xFFFFFF80  }
0x41: {  	[spmem:s1] =	stream.indirect.scatter [tilespmem:s19], [sflag:$0x5], $0x90, s3, s21, $0xb8;
	[tilespmem:$0x1FC00] =	vst v63  }
0x42: {  	_ =	swait.ge [sflag:s20], $0x4800  }
0x43: {  	[sflag:s20] =	ssyncset.done $0x0  }
0x44: {  	[sflag:s20] =	ssyncadd.s32 $0xFFFFB800  }
0x45: {  	s14 =	sadd.s32 $0x0, s18;
	[bflag:$0x0] =	sbarrier.arrive $0xFFFF  }
0x46: {  	[tilespmem:s3], [sflag:$0x5] =	stream.linear.gather [hbm4b:s14+s3], $0x200, $0x38;
	[tilespmem:$0x1FC00] =	vst v63  }
0x47: {  	_ =	swait.ge [sflag:s20], $0x200  }
0x48: {  	[sflag:s20] =	ssyncset.done $0x0  }
0x49: {  	s15 =	sadd.s32 $0x0, s17;
	[sflag:s20] =	ssyncadd.s32 $0xFFFFFE00  }
0x4a: {  	[tilespmem:s22], [sflag:$0x5] =	stream.linear.gather [hbm4b:s15+s3], $0x200, $0x38;
	[tilespmem:$0x1FC00] =	vst v63  }
0x4b: {  	_ =	swait.ge [sflag:s20], $0x200  }
0x4c: {  	[sflag:s20] =	ssyncset.done $0x0  }
0x4d: {  	[sflag:s20] =	ssyncadd.s32 $0xFFFFFE00  }
0x4e: {  	[tilespmem:s23], [sflag:$0x1] =	stream.indirect.gather [hbm4b:s4+s21], $0x90, s3, s21, $0xb8;
	[tilespmem:$0x1FC00] =	vst v63  }
0x4f: {  	_ = 	snop  }
0x50: {  	[tilespmem:s19], [sflag:$0x2] =	stream.indirect.gather [hbm4b:s4+s21], $0x90, s21, s21, $0xb8;
	[tilespmem:$0x1FC00] =	vst v63  }
0x51: {  	_ =	swait.ge [sflag:s24], $0x4800  }
0x52: {  	[sflag:s24] =	ssyncset.done $0x0  }
0x53: {  	[sflag:s24] =	ssyncadd.s32 $0xFFFFB800  }
0x54: {  	[spmem:s1] =	stream.indirect.scatter.add.f32 [tilespmem:s23], [sflag:$0x3], $0x90, s22, s21, $0xb8;
	[tilespmem:$0x1FC00] =	vst v63  }
0x55: {  	_ =	swait.ge [sflag:s25], $0x4800  }
0x56: {  	[sflag:s25] =	ssyncset.done $0x0  }
0x57: {  	[sflag:s25] =	ssyncadd.s32 $0xFFFFB800  }
0x58: {  	[tilespmem:s23], [sflag:$0x1] =	stream.indirect.gather [hbm4b:s4+s21], $0x90, s26, s21, $0xb8;
	[tilespmem:$0x1FC00] =	vst v63  }
0x59: {  	_ =	swait.ge [sflag:s28], $0x4800  }
0x5a: {  	[sflag:s28] =	ssyncset.done $0x0  }
0x5b: {  	[sflag:s28] =	ssyncadd.s32 $0xFFFFB800  }
0x5c: {  	[spmem:s1] =	stream.indirect.scatter.add.f32 [tilespmem:s19], [sflag:$0x4], $0x90, s29, s21, $0xb8;
	[tilespmem:$0x1FC00] =	vst v63  }
0x5d: {  	_ =	swait.ge [sflag:s30], $0x4800  }
0x5e: {  	[sflag:s30] =	ssyncset.done $0x0  }
0x5f: {  	[sflag:s30] =	ssyncadd.s32 $0xFFFFB800  }
0x60: {  	[tilespmem:s19], [sflag:$0x2] =	stream.indirect.gather [hbm4b:s4+s21], $0x90, s31, s21, $0xb8;
	[tilespmem:$0x1FC00] =	vst v63  }
0x61: {  	_ =	swait.ge [sflag:s24], $0x4800  }
0x62: {  	[sflag:s24] =	ssyncset.done $0x0  }
0x63: {  	[sflag:s24] =	ssyncadd.s32 $0xFFFFB800  }
0x64: {  	[spmem:s1] =	stream.indirect.scatter.add.f32 [tilespmem:s23], [sflag:$0x3], $0x90, s0, s21, $0xb8;
	[tilespmem:$0x1FC00] =	vst v63  }
0x65: {  	_ =	swait.ge [sflag:s28], $0x4800  }
0x66: {  	[sflag:s28] =	ssyncset.done $0x0  }
0x67: {  	[sflag:s28] =	ssyncadd.s32 $0xFFFFB800  }
0x68: {  	[spmem:s1] =	stream.indirect.scatter.add.f32 [tilespmem:s19], [sflag:$0x4], $0x90, s2, s21, $0xb8;
	[tilespmem:$0x1FC00] =	vst v63  }
0x69: {  	_ =	swait.ge [sflag:s25], $0x4800  }
0x6a: {  	[sflag:s25] =	ssyncset.done $0x0  }
0x6b: {  	[sflag:s25] =	ssyncadd.s32 $0xFFFFB800  }
0x6c: {  	_ =	swait.ge [sflag:s30], $0x4800  }
0x6d: {  	s12 =	simm.s32 $0x80;
	s11 =	simm.s32 $0x40;
	[sflag:s30] =	ssyncset.done $0x0  }
.LBB2_2:
0x6e: {  	s14 =	sadd.s32 s11, s18  }
0x6f: {  	[sflag:s30] =	ssyncadd.s32 $0xFFFFB800;
	s15 =	smov.u32 s12;
	s13 =	sadd.s32 $0x40, s12  }
0x70: {  	[tilespmem:s3], [sflag:$0x5] =	stream.linear.gather [hbm4b:s14+s3], $0x200, $0x38;
	[tilespmem:$0x1FC00] =	vst v63  }
0x71: {  	p0 =	sne.s32 s12, $0x4C0;
	_ =	swait.ge [sflag:s20], $0x200  }
0x72: {  	[sflag:s20] =	ssyncset.done $0x0  }
0x73: {  	s12 =	sadd.s32 s11, s17;
	s11 =	smov.u32 s15;
	[sflag:s20] =	ssyncadd.s32 $0xFFFFFE00  }
0x74: {  	[tilespmem:s22], [sflag:$0x5] =	stream.linear.gather [hbm4b:s12+s3], $0x200, $0x38;
	[tilespmem:$0x1FC00] =	vst v63  }
0x75: {  	_ =	swait.ge [sflag:s20], $0x200  }
0x76: {  	[sflag:s20] =	ssyncset.done $0x0  }
0x77: {  	[sflag:s20] =	ssyncadd.s32 $0xFFFFFE00  }
0x78: {  	[tilespmem:s23], [sflag:$0x1] =	stream.indirect.gather [hbm4b:s4+s21], $0x90, s3, s21, $0xb8;
	[tilespmem:$0x1FC00] =	vst v63  }
0x79: {  	_ = 	snop  }
0x7a: {  	[tilespmem:s19], [sflag:$0x2] =	stream.indirect.gather [hbm4b:s4+s21], $0x90, s21, s21, $0xb8;
	[tilespmem:$0x1FC00] =	vst v63  }
0x7b: {  	_ =	swait.ge [sflag:s24], $0x4800  }
0x7c: {  	[sflag:s24] =	ssyncset.done $0x0  }
0x7d: {  	[sflag:s24] =	ssyncadd.s32 $0xFFFFB800  }
0x7e: {  	[spmem:s1] =	stream.indirect.scatter.add.f32 [tilespmem:s23], [sflag:$0x3], $0x90, s22, s21, $0xb8;
	[tilespmem:$0x1FC00] =	vst v63  }
0x7f: {  	_ =	swait.ge [sflag:s25], $0x4800  }
0x80: {  	[sflag:s25] =	ssyncset.done $0x0  }
0x81: {  	[sflag:s25] =	ssyncadd.s32 $0xFFFFB800  }
0x82: {  	[tilespmem:s23], [sflag:$0x1] =	stream.indirect.gather [hbm4b:s4+s21], $0x90, s26, s21, $0xb8;
	[tilespmem:$0x1FC00] =	vst v63  }
0x83: {  	_ =	swait.ge [sflag:s28], $0x4800  }
0x84: {  	[sflag:s28] =	ssyncset.done $0x0  }
0x85: {  	[sflag:s28] =	ssyncadd.s32 $0xFFFFB800  }
0x86: {  	[spmem:s1] =	stream.indirect.scatter.add.f32 [tilespmem:s19], [sflag:$0x4], $0x90, s29, s21, $0xb8;
	[tilespmem:$0x1FC00] =	vst v63  }
0x87: {  	_ =	swait.ge [sflag:s30], $0x4800  }
0x88: {  	[sflag:s30] =	ssyncset.done $0x0  }
0x89: {  	[sflag:s30] =	ssyncadd.s32 $0xFFFFB800  }
0x8a: {  	[tilespmem:s19], [sflag:$0x2] =	stream.indirect.gather [hbm4b:s4+s21], $0x90, s31, s21, $0xb8;
	[tilespmem:$0x1FC00] =	vst v63  }
0x8b: {  	_ =	swait.ge [sflag:s24], $0x4800  }
0x8c: {  	[sflag:s24] =	ssyncset.done $0x0  }
0x8d: {  	[sflag:s24] =	ssyncadd.s32 $0xFFFFB800  }
0x8e: {  	[spmem:s1] =	stream.indirect.scatter.add.f32 [tilespmem:s23], [sflag:$0x3], $0x90, s0, s21, $0xb8;
	[tilespmem:$0x1FC00] =	vst v63  }
0x8f: {  	_ =	swait.ge [sflag:s28], $0x4800  }
0x90: {  	[sflag:s28] =	ssyncset.done $0x0  }
0x91: {  	[sflag:s28] =	ssyncadd.s32 $0xFFFFB800  }
0x92: {  	[spmem:s1] =	stream.indirect.scatter.add.f32 [tilespmem:s19], [sflag:$0x4], $0x90, s2, s21, $0xb8;
	[tilespmem:$0x1FC00] =	vst v63  }
.Ltmp0:
0x93: {  	_ =	swait.ge [sflag:s25], $0x4800;
	(pc) =	sbr.rel @p0 .LBB2_2-.Ltmp0, $4  }
0x94: {  	[sflag:s25] =	ssyncset.done $0x0  }
0x95: {  	[sflag:s25] =	ssyncadd.s32 $0xFFFFB800  }
0x96: {  	_ =	swait.ge [sflag:s30], $0x4800  }
0x97: {  	s12 =	smov.u32 s13;
	[sflag:s30] =	ssyncset.done $0x0  }
0x98: {  	s12 =	sadd.s32 s11, s18;
	[sflag:s30] =	ssyncadd.s32 $0xFFFFB800  }
0x99: {  	[tilespmem:s3], [sflag:$0x5] =	stream.linear.gather [hbm4b:s12+s3], $0x200, $0x38;
	[tilespmem:$0x1FC00] =	vst v63  }
0x9a: {  	_ =	swait.ge [sflag:s20], $0x200  }
0x9b: {  	[sflag:s20] =	ssyncset.done $0x0  }
0x9c: {  	s14 =	sadd.s32 s11, s17;
	[sflag:s20] =	ssyncadd.s32 $0xFFFFFE00  }
0x9d: {  	[tilespmem:s22], [sflag:$0x5] =	stream.linear.gather [hbm4b:s14+s3], $0x200, $0x38;
	[tilespmem:$0x1FC00] =	vst v63  }
0x9e: {  	_ =	swait.ge [sflag:s20], $0x200  }
0x9f: {  	[sflag:s20] =	ssyncset.done $0x0  }
0xa0: {  	[sflag:s20] =	ssyncadd.s32 $0xFFFFFE00  }
0xa1: {  	[tilespmem:s23], [sflag:$0x1] =	stream.indirect.gather [hbm4b:s4+s21], $0x90, s3, s21, $0xb8;
	[tilespmem:$0x1FC00] =	vst v63  }
0xa2: {  	_ = 	snop  }
0xa3: {  	[tilespmem:s19], [sflag:$0x2] =	stream.indirect.gather [hbm4b:s4+s21], $0x90, s21, s21, $0xb8;
	[tilespmem:$0x1FC00] =	vst v63  }
0xa4: {  	_ =	swait.ge [sflag:s24], $0x4800  }
0xa5: {  	[sflag:s24] =	ssyncset.done $0x0  }
0xa6: {  	[sflag:s24] =	ssyncadd.s32 $0xFFFFB800  }
0xa7: {  	[spmem:s1] =	stream.indirect.scatter.add.f32 [tilespmem:s23], [sflag:$0x3], $0x90, s22, s21, $0xb8;
	[tilespmem:$0x1FC00] =	vst v63  }
0xa8: {  	_ =	swait.ge [sflag:s25], $0x4800  }
0xa9: {  	[sflag:s25] =	ssyncset.done $0x0  }
0xaa: {  	[sflag:s25] =	ssyncadd.s32 $0xFFFFB800  }
0xab: {  	[tilespmem:s23], [sflag:$0x1] =	stream.indirect.gather [hbm4b:s4+s21], $0x90, s26, s21, $0xb8;
	[tilespmem:$0x1FC00] =	vst v63  }
0xac: {  	_ =	swait.ge [sflag:s28], $0x4800  }
0xad: {  	[sflag:s28] =	ssyncset.done $0x0  }
0xae: {  	[sflag:s28] =	ssyncadd.s32 $0xFFFFB800  }
0xaf: {  	[spmem:s1] =	stream.indirect.scatter.add.f32 [tilespmem:s19], [sflag:$0x4], $0x90, s29, s21, $0xb8;
	[tilespmem:$0x1FC00] =	vst v63  }
0xb0: {  	_ =	swait.ge [sflag:s30], $0x4800  }
0xb1: {  	[sflag:s30] =	ssyncset.done $0x0  }
0xb2: {  	[sflag:s30] =	ssyncadd.s32 $0xFFFFB800  }
0xb3: {  	[tilespmem:s19], [sflag:$0x2] =	stream.indirect.gather [hbm4b:s4+s21], $0x90, s31, s21, $0xb8;
	[tilespmem:$0x1FC00] =	vst v63  }
0xb4: {  	_ =	swait.ge [sflag:s24], $0x4800  }
0xb5: {  	[sflag:s24] =	ssyncset.done $0x0  }
0xb6: {  	[sflag:s24] =	ssyncadd.s32 $0xFFFFB800  }
0xb7: {  	[spmem:s1] =	stream.indirect.scatter.add.f32 [tilespmem:s23], [sflag:$0x3], $0x90, s0, s21, $0xb8;
	[tilespmem:$0x1FC00] =	vst v63  }
0xb8: {  	_ =	swait.ge [sflag:s28], $0x4800  }
0xb9: {  	[sflag:s28] =	ssyncset.done $0x0  }
0xba: {  	[sflag:s28] =	ssyncadd.s32 $0xFFFFB800  }
0xbb: {  	[spmem:s1] =	stream.indirect.scatter.add.f32 [tilespmem:s19], [sflag:$0x4], $0x90, s2, s21, $0xb8;
	[tilespmem:$0x1FC00] =	vst v63  }
0xbc: {  	_ =	swait.ge [sflag:s25], $0x4800  }
0xbd: {  	[sflag:s25] =	ssyncset.done $0x0  }
0xbe: {  	[sflag:s25] =	ssyncadd.s32 $0xFFFFB800  }
0xbf: {  	_ =	swait.ge [sflag:s30], $0x4800  }
0xc0: {  	[sflag:s30] =	ssyncset.done $0x0  }
0xc1: {  	[sflag:s30] =	ssyncadd.s32 $0xFFFFB800  }
0xc2: {  	[bflag:$0x0] =	sbarrier.arrive $0xFFFF  }
0xc3: {  	[tilespmem:s3], [sflag:$0x5] =	stream.linear.gather [hbm4b:s6+s3], $0x80, $0x38;
	[tilespmem:$0x1FC00] =	vst v63  }
0xc4: {  	_ =	swait.ge [sflag:s20], $0x80  }
0xc5: {  	[sflag:s20] =	ssyncset.done $0x0  }
0xc6: {  	[sflag:s20] =	ssyncadd.s32 $0xFFFFFF80  }
0xc7: {  	[tilespmem:s19], [sflag:$0x1] =	stream.indirect.gather [spmem:s1], $0x90, s3, s21, $0xb8;
	[tilespmem:$0x1FC00] =	vst v63  }
0xc8: {  	_ =	swait.ge [sflag:s24], $0x4800  }
0xc9: {  	[sflag:s24] =	ssyncset.done $0x0  }
0xca: {  	s15 =	rddreg [dreg:$0x5];
	[sflag:s24] =	ssyncadd.s32 $0xFFFFB800  }
0xcb: {  	[hbm4b:s15+s3] =	stream.linear.scatter [tilespmem:s19], [sflag:$0x5], $0x4800, $0x38;
	[tilespmem:$0x1FC00] =	vst v63  }
0xcc: {  	_ =	swait.ge [sflag:s20], $0x4800  }
0xcd: {  	[sflag:s20] =	ssyncset.done $0x0  }
0xce: {  	[sflag:s20] =	ssyncadd.s32 $0xFFFFB800  }
0xcf: {  	[tilespmem:s3], [sflag:$0x5] =	stream.linear.gather [hbm4b:s7+s3], $0x80, $0x38;
	[tilespmem:$0x1FC00] =	vst v63  }
0xd0: {  	_ =	swait.ge [sflag:s20], $0x80  }
0xd1: {  	[sflag:s20] =	ssyncset.done $0x0  }
0xd2: {  	[sflag:s20] =	ssyncadd.s32 $0xFFFFFF80  }
0xd3: {  	[tilespmem:s19], [sflag:$0x1] =	stream.indirect.gather [spmem:s1], $0x90, s3, s21, $0xb8;
	[tilespmem:$0x1FC00] =	vst v63  }
0xd4: {  	_ =	swait.ge [sflag:s24], $0x4800  }
0xd5: {  	[sflag:s24] =	ssyncset.done $0x0  }
0xd6: {  	s12 =	rddreg [dreg:$0x6];
	[sflag:s24] =	ssyncadd.s32 $0xFFFFB800  }
0xd7: {  	[hbm4b:s12+s3] =	stream.linear.scatter [tilespmem:s19], [sflag:$0x5], $0x4800, $0x38;
	[tilespmem:$0x1FC00] =	vst v63  }
0xd8: {  	_ =	swait.ge [sflag:s20], $0x4800  }
0xd9: {  	[sflag:s20] =	ssyncset.done $0x0  }
0xda: {  	[sflag:s20] =	ssyncadd.s32 $0xFFFFB800  }
0xdb: {  	[tilespmem:s3], [sflag:$0x5] =	stream.linear.gather [hbm4b:s8+s3], $0x80, $0x38;
	[tilespmem:$0x1FC00] =	vst v63  }
0xdc: {  	_ =	swait.ge [sflag:s20], $0x80  }
0xdd: {  	[sflag:s20] =	ssyncset.done $0x0  }
0xde: {  	[sflag:s20] =	ssyncadd.s32 $0xFFFFFF80  }
0xdf: {  	[tilespmem:s19], [sflag:$0x1] =	stream.indirect.gather [spmem:s1], $0x90, s3, s21, $0xb8;
	[tilespmem:$0x1FC00] =	vst v63  }
0xe0: {  	_ =	swait.ge [sflag:s24], $0x4800  }
0xe1: {  	[sflag:s24] =	ssyncset.done $0x0  }
0xe2: {  	s13 =	rddreg [dreg:$0x7];
	[sflag:s24] =	ssyncadd.s32 $0xFFFFB800  }
0xe3: {  	[hbm4b:s13+s3] =	stream.linear.scatter [tilespmem:s19], [sflag:$0x5], $0x4800, $0x38;
	[tilespmem:$0x1FC00] =	vst v63  }
0xe4: {  	_ =	swait.ge [sflag:s20], $0x4800  }
0xe5: {  	[sflag:s20] =	ssyncset.done $0x0  }
0xe6: {  	[sflag:s20] =	ssyncadd.s32 $0xFFFFB800  }
0xe7: {  	[tilespmem:s3], [sflag:$0x5] =	stream.linear.gather [hbm4b:s9+s3], $0x80, $0x38;
	[tilespmem:$0x1FC00] =	vst v63  }
0xe8: {  	_ =	swait.ge [sflag:s20], $0x80  }
0xe9: {  	[sflag:s20] =	ssyncset.done $0x0  }
0xea: {  	[sflag:s20] =	ssyncadd.s32 $0xFFFFFF80  }
0xeb: {  	[tilespmem:s19], [sflag:$0x1] =	stream.indirect.gather [spmem:s1], $0x90, s3, s21, $0xb8;
	[tilespmem:$0x1FC00] =	vst v63  }
0xec: {  	_ =	swait.ge [sflag:s24], $0x4800  }
0xed: {  	[sflag:s24] =	ssyncset.done $0x0  }
0xee: {  	s14 =	rddreg [dreg:$0x8];
	[sflag:s24] =	ssyncadd.s32 $0xFFFFB800  }
0xef: {  	[hbm4b:s14+s3] =	stream.linear.scatter [tilespmem:s19], [sflag:$0x5], $0x4800, $0x38;
	[tilespmem:$0x1FC00] =	vst v63  }
0xf0: {  	_ =	swait.ge [sflag:s20], $0x4800  }
0xf1: {  	[sflag:s20] =	ssyncset.done $0x0  }
0xf2: {  	[sflag:s20] =	ssyncadd.s32 $0xFFFFB800  }
0xf3: {  	[tilespmem:s3], [sflag:$0x5] =	stream.linear.gather [hbm4b:s10+s3], $0x80, $0x38;
	[tilespmem:$0x1FC00] =	vst v63  }
0xf4: {  	_ =	swait.ge [sflag:s20], $0x80  }
0xf5: {  	[sflag:s20] =	ssyncset.done $0x0  }
0xf6: {  	[sflag:s20] =	ssyncadd.s32 $0xFFFFFF80  }
0xf7: {  	[tilespmem:s19], [sflag:$0x1] =	stream.indirect.gather [spmem:s1], $0x90, s3, s21, $0xb8;
	[tilespmem:$0x1FC00] =	vst v63  }
0xf8: {  	s5 =	sadd.s32 $0x1, s5;
	_ =	swait.ge [sflag:s24], $0x4800  }
0xf9: {  	p0 =	sne.s32 s5, s16;
	[sflag:s24] =	ssyncset.done $0x0  }
.Ltmp1:
0xfa: {  	s15 =	rddreg [dreg:$0x9];
	[sflag:s24] =	ssyncadd.s32 $0xFFFFB800;
	(pc) =	sbr.rel @p0 .LBB2_1-.Ltmp1, $4  }
0xfb: {  	[hbm4b:s15+s3] =	stream.linear.scatter [tilespmem:s19], [sflag:$0x5], $0x4800, $0x38;
	[tilespmem:$0x1FC00] =	vst v63  }
0xfc: {  	_ =	swait.ge [sflag:s20], $0x4800  }
0xfd: {  	[sflag:s20] =	ssyncset.done $0x0  }
0xfe: {  	[sflag:s20] =	ssyncadd.s32 $0xFFFFB800  }
0xff: {  	_ =	sfence.sel $0x180000  }
0x100: {  	[bflag:$0x0] =	sbarrier.arrive $0xFFFF  }
0x101: {  	_ =	strace $0x90000047  }
0x102: {  	s0 =	stileid.u32;
	[bflag:$0x2] =	sbarrier.arrive $0xFFFF  }
0x103: {  	p0 =	sne.s32 s0, $0x0;
	s0 =	rddreg [dreg:$0x3]  }
0x104: {  	s0 =	sadd.s32 @!p0 $0x100000, s0  }
0x105: {  	[sflag:s0] =	ssyncadd.tile.s32 @!p0 $0x1;
	_ =	shalt  }
.Lfunc_end2:
_tile_overlayer_lowered:
.L_overlay_start_2:
0x106: {  	(tag) =	ssettag $0x2  }
0x107: {  	s0 =	rddreg [dreg:$0x0];
	s2 =	stileid.u32  }
0x108: {  	s1 =	rddreg [dreg:$0x1];
	p0 =	sne.s32 s2, $0x0  }
0x109: {  	s3 =	rddreg [dreg:$0x2];
	[bflag:$0x3] =	sbarrier.arrive $0xFFFF;
	s2 =	simm.s32 @!p0 $0x1C05  }
0x10a: {  	[timem:s3], [sflag:s2] =	dma.local @!p0 [hbm:s0], s1  }
0x10b: {  	s0 =	simm.s32 @!p0 $0x5  }
0x10c: {  	_ =	swait.ge @!p0 [sflag:s0], s1  }
0x10d: {  	s1 =	ssub.s32 @!p0 $0x0, s1;
	[sflag:s0] =	ssyncset.done @!p0 $0x0  }
0x10e: {  	[sflag:s0] =	ssyncadd.s32 @!p0 s1  }
0x10f: {  	[bflag:$0x3] =	sbarrier.arrive $0xFFFF  }
0x110: {  	_ =	shalt  }

// kernel: kernel.9.cloned.1.call-start
scs
__scs_entry_jumppad:
0x0: {  	(pc) =	sbr.rel $0x88, $3  }
0x1: {  	(tag) =	ssettag $0x0;
	lr =	simm.s32 $0x1  }
0x2: {  	[smem:$0x3F99] =	sst lr;
	_ =	strace $0xD0000000  }
0x3: {  	_ = 	snop  }
0x4: {  	_ = 	snop  }
0x5: {  	_ = 	snop  }
0x6: {  	_ = 	snop  }
0x7: {  	_ = 	snop  }
__scs_overlays_trampoline_lowered:
0x8: {  	[smem:$0x3FA8] =	sst s0  }
0x9: {  	[smem:$0x3FA9] =	sst s1  }
0xa: {  	[smem:$0x3FAA] =	sst s2  }
0xb: {  	[smem:$0x3FAB] =	sst s3  }
0xc: {  	[smem:$0x3FAC] =	sst s4  }
0xd: {  	[smem:$0x3FAD] =	sst s5  }
0xe: {  	[smem:$0x3FAE] =	sst s6  }
0xf: {  	[smem:$0x3FAF] =	sst s7  }
0x10: {  	[smem:$0x3FB0] =	sst s8  }
0x11: {  	[smem:$0x3FB1] =	sst s9;
	s0 =	simm.s32 @!p0 $0x0  }
0x12: {  	s1 =	sld [smem:$0x3F97];
	s0 =	simm.s32 @p0 $0x1  }
0x13: {  	[smem:$0x3FB2] =	sst s0;
	s0 =	simm.s32 @!p1 $0x0  }
0x14: {  	s2 =	sld [smem:$0x3F96];
	s0 =	simm.s32 @p1 $0x1  }
0x15: {  	[smem:$0x3FB3] =	sst s0;
	s0 =	simm.s32 @!p2 $0x0  }
0x16: {  	s3 =	sld [smem:$0x3FDB];
	s0 =	simm.s32 @p2 $0x1  }
0x17: {  	s4 =	simm.s32 $0x1BF5;
	[smem:$0x3FB5] =	sst s0  }
0x18: {  	s0 =	sld [smem:$0x3F98];
	_ =	swait.ge [sflag:s4], $0x0  }
0x19: {  	s7 =	sld [smem:$0x3F99]  }
0x1a: {  	s8 =	sadd.s32 $0xFFFFE003, lr  }
0x1b: {  	s9 =	sadd.s32 $0xFFFFFEF7, lr;
	s5 =	simm.s32 $0xFFFFFFFF;
	p2 =	slt.u32 s8, $0xFFFFF086  }
0x1c: {  	p1 =	slt.u32 s9, $0xF7A;
	s5 =	simm.s32 @!p2 $0x0  }
0x1d: {  	s5 =	simm.s32 @p1 $0x1;
	p0 =	seq.s32 s7, s2  }
0x1e: {  	s7 =	smul.u32 @!p0 $0xF7A, s2;
	p2 =	seq.s32 @!p0 s5, $0x0  }
0x1f: {  	s9 =	smul.u32 $0xF7A, s1;
	s8 =	simm.s32 @!p0 $0x1BF5;
	p2 =	por !p2, p0  }
0x20: {  	[sflag:s8] =	ssyncset.s32 @!p0 $0xFFFFF086;
	s6 =	sadd.s32 @!p0 s3, s7;
	s7 =	simm.s32 @!p0 $0x108  }
0x21: {  	s3 =	sadd.s32 s3, s9;
	s6 =	sadd.s32 @!p0 $0x88, s6;
	s7 =	simm.s32 @p2 $0x1082  }
0x22: {  	[simem:s7], [sflag:s8] =	dma.local @!p0 [hbm:s6], $0xF7A  }
0x23: {  	s9 =	sor.u32 $0xD0000000, s2;
	s6 =	simm.s32 $0x108;
	_ =	swait.ge @!p0 [sflag:s8], $0x0  }
0x24: {  	s3 =	sadd.s32 $0x88, s3;
	s6 =	simm.s32 @!p1 $0x1082;
	[sflag:s4] =	ssyncset.s32 $0xFFFFF086  }
0x25: {  	[simem:s6], [sflag:s4] =	dma.local [hbm:s3], $0xF7A  }
0x26: {  	[smem:$0x3F99] =	sst s1;
	(tag) =	ssettag s2;
	_ =	strace s9  }
0x27: {  	s1 =	sld [smem:$0x3FA9]  }
0x28: {  	s2 =	sld [smem:$0x3FAA]  }
0x29: {  	s4 =	sld [smem:$0x3FAC]  }
0x2a: {  	p0 =	seq.s32 s5, $0x0;
	s5 =	sld [smem:$0x3FAD]  }
0x2b: {  	s6 =	sld [smem:$0x3FAE]  }
0x2c: {  	s7 =	sld [smem:$0x3FAF]  }
0x2d: {  	s3 =	simm.s32 $0x108;
	s8 =	sld [smem:$0x3FB0]  }
0x2e: {  	s3 =	simm.s32 @!p0 $0x1082;
	s9 =	sld [smem:$0x3FB1]  }
0x2f: {  	lr =	sadd.s32 s0, s3;
	s0 =	sld [smem:$0x3FA8]  }
0x30: {  	s3 =	sld [smem:$0x3FAB]  }
0x31: {  	[smem:$0x3FB4] =	sst s10  }
0x32: {  	s10 =	sld [smem:$0x3FB2];
	_ =	sdelay $0x3  }
0x33: {  	p0 =	seq.s32 s10, $0x1;
	s10 =	sld [smem:$0x3FB4];
	_ =	sdelay $0x3  }
0x34: {  	[smem:$0x3FB4] =	sst s10  }
0x35: {  	s10 =	sld [smem:$0x3FB3];
	_ =	sdelay $0x3  }
0x36: {  	p1 =	seq.s32 s10, $0x1;
	s10 =	sld [smem:$0x3FB4];
	_ =	sdelay $0x3  }
0x37: {  	[smem:$0x3FB4] =	sst s10  }
0x38: {  	s10 =	sld [smem:$0x3FB5]  }
0x39: {  	_ = 	snop;
	(pc) =	sbr.ind lr, $3  }
0x3a: {  	_ = 	snop  }
0x3b: {  	_ = 	snop  }
0x3c: {  	p2 =	seq.s32 s10, $0x1;
	s10 =	sld [smem:$0x3FB4]  }
0x3d: {  	_ =	shalt  }
0x3e: {  	_ =	shalt  }
0x3f: {  	_ =	shalt  }
0x40: {  	_ =	shalt  }
0x41: {  	_ =	shalt  }
0x42: {  	_ =	shalt  }
0x43: {  	_ =	shalt  }
0x44: {  	_ =	shalt  }
0x45: {  	_ =	shalt  }
0x46: {  	_ =	shalt  }
0x47: {  	_ =	shalt  }
0x48: {  	_ =	shalt  }
0x49: {  	_ =	shalt  }
0x4a: {  	_ =	shalt  }
0x4b: {  	_ =	shalt  }
0x4c: {  	_ =	shalt  }
0x4d: {  	_ =	shalt  }
0x4e: {  	_ =	shalt  }
0x4f: {  	_ =	shalt  }
0x50: {  	_ =	shalt  }
0x51: {  	_ =	shalt  }
0x52: {  	_ =	shalt  }
0x53: {  	_ =	shalt  }
0x54: {  	_ =	shalt  }
0x55: {  	_ =	shalt  }
0x56: {  	_ =	shalt  }
0x57: {  	_ =	shalt  }
0x58: {  	_ =	shalt  }
0x59: {  	_ =	shalt  }
0x5a: {  	_ =	shalt  }
0x5b: {  	_ =	shalt  }
0x5c: {  	_ =	shalt  }
0x5d: {  	_ =	shalt  }
0x5e: {  	_ =	shalt  }
0x5f: {  	_ =	shalt  }
0x60: {  	_ =	shalt  }
0x61: {  	_ =	shalt  }
0x62: {  	_ =	shalt  }
0x63: {  	_ =	shalt  }
0x64: {  	_ =	shalt  }
0x65: {  	_ =	shalt  }
0x66: {  	_ =	shalt  }
0x67: {  	_ =	shalt  }
0x68: {  	_ =	shalt  }
0x69: {  	_ =	shalt  }
0x6a: {  	_ =	shalt  }
0x6b: {  	_ =	shalt  }
0x6c: {  	_ =	shalt  }
0x6d: {  	_ =	shalt  }
0x6e: {  	_ =	shalt  }
0x6f: {  	_ =	shalt  }
0x70: {  	_ =	shalt  }
0x71: {  	_ =	shalt  }
0x72: {  	_ =	shalt  }
0x73: {  	_ =	shalt  }
0x74: {  	_ =	shalt  }
0x75: {  	_ =	shalt  }
0x76: {  	_ =	shalt  }
0x77: {  	_ =	shalt  }
0x78: {  	_ =	shalt  }
0x79: {  	_ =	shalt  }
0x7a: {  	_ =	shalt  }
0x7b: {  	_ =	shalt  }
0x7c: {  	_ =	shalt  }
0x7d: {  	_ =	shalt  }
0x7e: {  	_ =	shalt  }
0x7f: {  	_ =	shalt  }
0x80: {  	_ =	shalt  }
0x81: {  	_ =	shalt  }
0x82: {  	_ =	shalt  }
0x83: {  	_ =	shalt  }
0x84: {  	_ =	shalt  }
0x85: {  	_ =	shalt  }
0x86: {  	_ =	shalt  }
0x87: {  	_ =	shalt  }
.Lfunc_end0:
.L_simem_size_0:
called_computation.1_lowered:
.L_overlay_start_0:
0x88: {  	s2 =	sld [smem:$0x3FD9]  }
0x89: {  	s3 =	sld [smem:$0x3FFE];
	_ =	sdelay $0x1  }
0x8a: {  	s1 =	srdreg.scid  }
0x8b: {  	s0 =	sand.u32 $0x1, s1  }
0x8c: {  	s17 =	sshll.u32 s0, $0xA;
	s2 =	sadd.s32 s3, s2  }
0x8d: {  	s2 =	sadd.s32 s2, s17  }
0x8e: {  	[smem:$0x3FC0] =	sst s2  }
0x8f: {  	_ = 	snop  }
0x90: {  	s2 =	sld [smem:$0x3FD0];
	(tm) =	ssettm $0x1  }
0x91: {  	s18 =	sld [smem:$0x3FFB];
	_ =	sdelay $0x3  }
0x92: {  	_ =	strace s18  }
0x93: {  	s3 =	sld [smem:$0x3FFC];
	_ =	sdelay $0x3  }
0x94: {  	_ =	strace s3  }
0x95: {  	s3 =	sld [smem:$0x3FFD];
	_ =	sdelay $0x3  }
0x96: {  	_ =	strace s3  }
0x97: {  	_ =	strace $0x8FFFFFFF  }
0x98: {  	s19 =	sld [smem:$0x3FDB];
	_ =	sdelay $0x1  }
0x99: {  	s4 =	simm.s32 $_scs_section_size  }
0x9a: {  	s5 =	simm.s32 $_size__tile_overlayer_lowered;
	s6 =	simm.s32 $_tile_overlayer_lowered  }
0x9b: {  	s22 =	simm.s32 $0x1BFF;
	s21 =	sshll.u32 s6, $0x1;
	s3 =	sadd.s32 s4, s19  }
0x9c: {  	s7 =	simm.s32 $0x0;
	s20 =	sshll.u32 s5, $0x1;
	s5 =	sadd.s32 s21, s3  }
0x9d: {  	[timem:s7], [sflag:s22] =	dma.local [hbm:s5], s20  }
0x9e: {  	_ =	swait.ge [sflag:s22], s20  }
0x9f: {  	s4 =	ssub.s32 $0x0, s20;
	[sflag:s22] =	ssyncset.done $0x0  }
0xa0: {  	[sflag:s22] =	ssyncadd.s32 s4;
	_ =	sdelay $0x1  }
0xa1: {  	s23 =	simm.s32 $0x1B8B  }
0xa2: {  	_ =	swait.ge [sflag:s23], $0x1  }
0xa3: {  	[sflag:s23] =	ssyncset.done $0x0  }
0xa4: {  	s25 =	simm.s32 $0x1B8E;
	s24 =	sld [smem:$0x3FFE];
	[sflag:s23] =	ssyncadd.s32 $0xFFFFFFFF  }
0xa5: {  	s26 =	simm.s32 $execute0_lowered;
	[smem:$0x3FD2] =	sst s25  }
0xa6: {  	s5 =	sshll.u32 s26, $0x1;
	_ =	strace $0x80000049;
	[dreg:$0x1] =	wrdreg $0xFFFFFFFF  }
0xa7: {  	s28 =	simm.s32 $_size_execute0_lowered;
	s3 =	sadd.s32 s3, s5;
	[dreg:$0x0] =	wrdreg $0x0  }
0xa8: {  	s5 =	sshll.u32 s28, $0x1;
	[dreg:$0x2] =	wrdreg s3  }
0xa9: {  	[dreg:$0x3] =	wrdreg s5  }
0xaa: {  	[dreg:$0x4] =	wrdreg $0xC0  }
0xab: {  	_ =	task [dreg:s7], $0x5FFFF  }
0xac: {  	[dreg:$0x1] =	wrdreg $0xFFFFFFFF  }
0xad: {  	[dreg:$0x0] =	wrdreg $0x60  }
0xae: {  	[dreg:$0x2] =	wrdreg s24  }
0xaf: {  	[dreg:$0x3] =	wrdreg s2  }
0xb0: {  	[dreg:$0x4] =	wrdreg $0x94000  }
0xb1: {  	[dreg:$0x5] =	wrdreg $0x9  }
0xb2: {  	_ =	task.clear_ibuf [dreg:s7], $0x6FFFF;
	_ =	strace $0x90000049  }
0xb3: {  	s29 =	simm.s32 $0x9;
	_ =	strace $0x8000004B  }
0xb4: {  	_ =	swait.ge [sflag:s29], $0x1  }
0xb5: {  	[sflag:s29] =	ssyncadd.s32 $0xFFFFFFFF  }
0xb6: {  	_ =	strace $0x9000004B  }
0xb7: {  	_ =	sfence  }
0xb8: {  	s30 =	sld [smem:$0x0];
	_ =	sdelay $0x2  }
0xb9: {  	s31 =	sshll.u32 s1, $0xD;
	s1 =	sshrl.u32 s1, $0x2  }
0xba: {  	s3 =	sand.u32 $0x4000, s31;
	s1 =	sadd.s32 s1, s30  }
0xbb: {  	s0 =	sor.u32 s3, s0;
	s1 =	sshll.u32 s1, $0x11  }
0xbc: {  	s0 =	sor.u32 s1, s0  }
0xbd: {  	s0 =	sadd.s32 $0x8F2B, s0  }
0xbe: {  	[sflag:s0] =	ssyncadd.remote.s32 $0x1  }
0xbf: {  	_ =	sfence.sel $0xFFFF  }
0xc0: {  	[dreg:$0x0] =	wrdreg $0xFFFFFFFF;
	(pc) =	sbr.abs _section_cstart, $3  }
0xc1: {  	[dreg:$0x1] =	wrdreg $0xFFFFFFFF  }
0xc2: {  	_ =	task.clear_ibuf [dreg:s7], $0x2FFFF;
	_ =	strace $0x9FFFFFFF  }
0xc3: {  	(tm) =	ssettm $0x7FFFFFFF  }
tec
execute0_lowered:
.L_overlay_start_1:
0x0: {  	(tag) =	ssettag $0x1  }
0x1: {  	s0 =	rddreg [dreg:$0x0]  }
0x2: {  	s2 =	rddreg [dreg:$0x1]  }
0x3: {  	s1 =	rddreg [dreg:$0x2]  }
0x4: {  	s3 =	srdreg.scid;
	s15 =	stileid.u32;
	s19 =	simm.s32 $0x4C00  }
0x5: {  	s28 =	simm.s32 $0x2;
	s29 =	simm.s32 $0x280;
	s30 =	simm.s32 $0x4  }
0x6: {  	s31 =	simm.s32 $0x180;
	s5 =	sand.u32 $0x1, s3;
	s6 =	smul.u32 $0x280, s15  }
0x7: {  	s3 =	simm.s32 $0x0;
	s4 =	sadd.s32 $0x1600, s0;
	s22 =	smul.u32 $0x500, s15  }
0x8: {  	s20 =	sadd.s32 $0x38600, s0;
	s11 =	smul.u32 $0x5000, s5;
	[smem:$0x7FF] =	sst s3  }
0x9: {  	s8 =	smul.u32 $0x2800, s5;
	s5 =	ssub.s32 $0x2, s5;
	_ =	strace $0x8000004A  }
0xa: {  	s7 =	sshrl.u32 s6, $0x3;
	[dreg:$0x4] =	wrdreg s20;
	s21 =	sshrl.u32 s5, $0x1  }
0xb: {  	s20 =	simm.s32 $0x5;
	s12 =	sadd.s32 s11, s0;
	s10 =	sadd.s32 s7, s0  }
0xc: {  	s0 =	sadd.s32 $0x39600, s0;
	s9 =	sadd.s32 s6, s8;
	s5 =	ssub.s32 s5, s21  }
0xd: {  	s2 =	sadd.s32 s11, s2;
	s21 =	simm.s32 $0x80;
	s6 =	sadd.s32 $0x39000, s10  }
0xe: {  	s13 =	smul.u32 $0x90, s9;
	s7 =	sadd.s32 $0x39010, s10;
	s8 =	sadd.s32 $0x39020, s10  }
0xf: {  	s14 =	smul.u32 $0x12, s9;
	s9 =	sadd.s32 $0x39030, s10;
	s10 =	sadd.s32 $0x39040, s10  }
0x10: {  	s26 =	sadd.s32 s22, s12;
	s16 =	smax.u32 s5, $0x1;
	s13 =	sshrl.u32 s13, $0x3  }
0x11: {  	s18 =	sadd.s32 s22, s2;
	s14 =	sadd.s32 s0, s14;
	s0 =	sadd.s32 s0, s13  }
0x12: {  	s22 =	simm.s32 $0x200;
	[dreg:$0x5] =	wrdreg s14;
	s23 =	sadd.s32 $0x900, s0  }
0x13: {  	s2 =	simm.s32 $0x380;
	s24 =	sadd.s32 $0x1200, s0;
	[dreg:$0x6] =	wrdreg s23  }
0x14: {  	s5 =	simm.s32 $0x0;
	s25 =	sadd.s32 $0x1B00, s0;
	[dreg:$0x7] =	wrdreg s24  }
0x15: {  	s17 =	sadd.s32 $0x2E600, s26;
	s0 =	sadd.s32 $0x2400, s0;
	[dreg:$0x8] =	wrdreg s25  }
0x16: {  	s26 =	simm.s32 $0x100;
	[dreg:$0x9] =	wrdreg s0;
	s23 =	simm.s32 $0x400  }
0x17: {  	s24 =	simm.s32 $0x1;
	s25 =	simm.s32 $0x3;
	s0 =	simm.s32 $0x300  }
.LBB2_1:
0x18: {  	s11 =	rddreg [dreg:$0x4]  }
0x19: {  	[tilespmem:s19], [sflag:$0x5] =	stream.linear.gather [hbm4b:s11+s3], $0x4800, $0x38;
	[tilespmem:$0x1FC00] =	vst v63  }
0x1a: {  	_ =	swait.ge [sflag:s20], $0x4800  }
0x1b: {  	[sflag:s20] =	ssyncset.done $0x0  }
0x1c: {  	[sflag:s20] =	ssyncadd.s32 $0xFFFFB800  }
0x1d: {  	[tilespmem:s3], [sflag:$0x5] =	stream.linear.gather [hbm4b:s6+s3], $0x80, $0x38;
	[tilespmem:$0x1FC00] =	vst v63  }
0x1e: {  	_ =	swait.ge [sflag:s20], $0x80  }
0x1f: {  	[sflag:s20] =	ssyncset.done $0x0  }
0x20: {  	[sflag:s20] =	ssyncadd.s32 $0xFFFFFF80  }
0x21: {  	[spmem:s1] =	stream.indirect.scatter [tilespmem:s19], [sflag:$0x5], $0x90, s3, s21, $0xb8;
	[tilespmem:$0x1FC00] =	vst v63  }
0x22: {  	_ =	swait.ge [sflag:s20], $0x4800  }
0x23: {  	[sflag:s20] =	ssyncset.done $0x0  }
0x24: {  	[sflag:s20] =	ssyncadd.s32 $0xFFFFB800  }
0x25: {  	[tilespmem:s3], [sflag:$0x5] =	stream.linear.gather [hbm4b:s7+s3], $0x80, $0x38;
	[tilespmem:$0x1FC00] =	vst v63  }
0x26: {  	_ =	swait.ge [sflag:s20], $0x80  }
0x27: {  	[sflag:s20] =	ssyncset.done $0x0  }
0x28: {  	[sflag:s20] =	ssyncadd.s32 $0xFFFFFF80  }
0x29: {  	[spmem:s1] =	stream.indirect.scatter [tilespmem:s19], [sflag:$0x5], $0x90, s3, s21, $0xb8;
	[tilespmem:$0x1FC00] =	vst v63  }
0x2a: {  	_ =	swait.ge [sflag:s20], $0x4800  }
0x2b: {  	[sflag:s20] =	ssyncset.done $0x0  }
0x2c: {  	[sflag:s20] =	ssyncadd.s32 $0xFFFFB800  }
0x2d: {  	[tilespmem:s3], [sflag:$0x5] =	stream.linear.gather [hbm4b:s8+s3], $0x80, $0x38;
	[tilespmem:$0x1FC00] =	vst v63  }
0x2e: {  	_ =	swait.ge [sflag:s20], $0x80  }
0x2f: {  	[sflag:s20] =	ssyncset.done $0x0  }
0x30: {  	[sflag:s20] =	ssyncadd.s32 $0xFFFFFF80  }
0x31: {  	[spmem:s1] =	stream.indirect.scatter [tilespmem:s19], [sflag:$0x5], $0x90, s3, s21, $0xb8;
	[tilespmem:$0x1FC00] =	vst v63  }
0x32: {  	_ =	swait.ge [sflag:s20], $0x4800  }
0x33: {  	[sflag:s20] =	ssyncset.done $0x0  }
0x34: {  	[sflag:s20] =	ssyncadd.s32 $0xFFFFB800  }
0x35: {  	[tilespmem:s3], [sflag:$0x5] =	stream.linear.gather [hbm4b:s9+s3], $0x80, $0x38;
	[tilespmem:$0x1FC00] =	vst v63  }
0x36: {  	_ =	swait.ge [sflag:s20], $0x80  }
0x37: {  	[sflag:s20] =	ssyncset.done $0x0  }
0x38: {  	[sflag:s20] =	ssyncadd.s32 $0xFFFFFF80  }
0x39: {  	[spmem:s1] =	stream.indirect.scatter [tilespmem:s19], [sflag:$0x5], $0x90, s3, s21, $0xb8;
	[tilespmem:$0x1FC00] =	vst v63  }
0x3a: {  	_ =	swait.ge [sflag:s20], $0x4800  }
0x3b: {  	[sflag:s20] =	ssyncset.done $0x0  }
0x3c: {  	[sflag:s20] =	ssyncadd.s32 $0xFFFFB800  }
0x3d: {  	[tilespmem:s3], [sflag:$0x5] =	stream.linear.gather [hbm4b:s10+s3], $0x80, $0x38;
	[tilespmem:$0x1FC00] =	vst v63  }
0x3e: {  	_ =	swait.ge [sflag:s20], $0x80  }
0x3f: {  	[sflag:s20] =	ssyncset.done $0x0  }
0x40: {  	[sflag:s20] =	ssyncadd.s32 $0xFFFFFF80  }
0x41: {  	[spmem:s1] =	stream.indirect.scatter [tilespmem:s19], [sflag:$0x5], $0x90, s3, s21, $0xb8;
	[tilespmem:$0x1FC00] =	vst v63  }
0x42: {  	_ =	swait.ge [sflag:s20], $0x4800  }
0x43: {  	[sflag:s20] =	ssyncset.done $0x0  }
0x44: {  	[sflag:s20] =	ssyncadd.s32 $0xFFFFB800  }
0x45: {  	s14 =	sadd.s32 $0x0, s18;
	[bflag:$0x0] =	sbarrier.arrive $0xFFFF  }
0x46: {  	[tilespmem:s3], [sflag:$0x5] =	stream.linear.gather [hbm4b:s14+s3], $0x200, $0x38;
	[tilespmem:$0x1FC00] =	vst v63  }
0x47: {  	_ =	swait.ge [sflag:s20], $0x200  }
0x48: {  	[sflag:s20] =	ssyncset.done $0x0  }
0x49: {  	s15 =	sadd.s32 $0x0, s17;
	[sflag:s20] =	ssyncadd.s32 $0xFFFFFE00  }
0x4a: {  	[tilespmem:s22], [sflag:$0x5] =	stream.linear.gather [hbm4b:s15+s3], $0x200, $0x38;
	[tilespmem:$0x1FC00] =	vst v63  }
0x4b: {  	_ =	swait.ge [sflag:s20], $0x200  }
0x4c: {  	[sflag:s20] =	ssyncset.done $0x0  }
0x4d: {  	[sflag:s20] =	ssyncadd.s32 $0xFFFFFE00  }
0x4e: {  	[tilespmem:s23], [sflag:$0x1] =	stream.indirect.gather [hbm4b:s4+s21], $0x90, s3, s21, $0xb8;
	[tilespmem:$0x1FC00] =	vst v63  }
0x4f: {  	_ = 	snop  }
0x50: {  	[tilespmem:s19], [sflag:$0x2] =	stream.indirect.gather [hbm4b:s4+s21], $0x90, s21, s21, $0xb8;
	[tilespmem:$0x1FC00] =	vst v63  }
0x51: {  	_ =	swait.ge [sflag:s24], $0x4800  }
0x52: {  	[sflag:s24] =	ssyncset.done $0x0  }
0x53: {  	[sflag:s24] =	ssyncadd.s32 $0xFFFFB800  }
0x54: {  	[spmem:s1] =	stream.indirect.scatter.add.f32 [tilespmem:s23], [sflag:$0x3], $0x90, s22, s21, $0xb8;
	[tilespmem:$0x1FC00] =	vst v63  }
0x55: {  	_ =	swait.ge [sflag:s25], $0x4800  }
0x56: {  	[sflag:s25] =	ssyncset.done $0x0  }
0x57: {  	[sflag:s25] =	ssyncadd.s32 $0xFFFFB800  }
0x58: {  	[tilespmem:s23], [sflag:$0x1] =	stream.indirect.gather [hbm4b:s4+s21], $0x90, s26, s21, $0xb8;
	[tilespmem:$0x1FC00] =	vst v63  }
0x59: {  	_ =	swait.ge [sflag:s28], $0x4800  }
0x5a: {  	[sflag:s28] =	ssyncset.done $0x0  }
0x5b: {  	[sflag:s28] =	ssyncadd.s32 $0xFFFFB800  }
0x5c: {  	[spmem:s1] =	stream.indirect.scatter.add.f32 [tilespmem:s19], [sflag:$0x4], $0x90, s29, s21, $0xb8;
	[tilespmem:$0x1FC00] =	vst v63  }
0x5d: {  	_ =	swait.ge [sflag:s30], $0x4800  }
0x5e: {  	[sflag:s30] =	ssyncset.done $0x0  }
0x5f: {  	[sflag:s30] =	ssyncadd.s32 $0xFFFFB800  }
0x60: {  	[tilespmem:s19], [sflag:$0x2] =	stream.indirect.gather [hbm4b:s4+s21], $0x90, s31, s21, $0xb8;
	[tilespmem:$0x1FC00] =	vst v63  }
0x61: {  	_ =	swait.ge [sflag:s24], $0x4800  }
0x62: {  	[sflag:s24] =	ssyncset.done $0x0  }
0x63: {  	[sflag:s24] =	ssyncadd.s32 $0xFFFFB800  }
0x64: {  	[spmem:s1] =	stream.indirect.scatter.add.f32 [tilespmem:s23], [sflag:$0x3], $0x90, s0, s21, $0xb8;
	[tilespmem:$0x1FC00] =	vst v63  }
0x65: {  	_ =	swait.ge [sflag:s28], $0x4800  }
0x66: {  	[sflag:s28] =	ssyncset.done $0x0  }
0x67: {  	[sflag:s28] =	ssyncadd.s32 $0xFFFFB800  }
0x68: {  	[spmem:s1] =	stream.indirect.scatter.add.f32 [tilespmem:s19], [sflag:$0x4], $0x90, s2, s21, $0xb8;
	[tilespmem:$0x1FC00] =	vst v63  }
0x69: {  	_ =	swait.ge [sflag:s25], $0x4800  }
0x6a: {  	[sflag:s25] =	ssyncset.done $0x0  }
0x6b: {  	[sflag:s25] =	ssyncadd.s32 $0xFFFFB800  }
0x6c: {  	_ =	swait.ge [sflag:s30], $0x4800  }
0x6d: {  	s12 =	simm.s32 $0x80;
	s11 =	simm.s32 $0x40;
	[sflag:s30] =	ssyncset.done $0x0  }
.LBB2_2:
0x6e: {  	s14 =	sadd.s32 s11, s18  }
0x6f: {  	[sflag:s30] =	ssyncadd.s32 $0xFFFFB800;
	s15 =	smov.u32 s12;
	s13 =	sadd.s32 $0x40, s12  }
0x70: {  	[tilespmem:s3], [sflag:$0x5] =	stream.linear.gather [hbm4b:s14+s3], $0x200, $0x38;
	[tilespmem:$0x1FC00] =	vst v63  }
0x71: {  	p0 =	sne.s32 s12, $0x4C0;
	_ =	swait.ge [sflag:s20], $0x200  }
0x72: {  	[sflag:s20] =	ssyncset.done $0x0  }
0x73: {  	s12 =	sadd.s32 s11, s17;
	s11 =	smov.u32 s15;
	[sflag:s20] =	ssyncadd.s32 $0xFFFFFE00  }
0x74: {  	[tilespmem:s22], [sflag:$0x5] =	stream.linear.gather [hbm4b:s12+s3], $0x200, $0x38;
	[tilespmem:$0x1FC00] =	vst v63  }
0x75: {  	_ =	swait.ge [sflag:s20], $0x200  }
0x76: {  	[sflag:s20] =	ssyncset.done $0x0  }
0x77: {  	[sflag:s20] =	ssyncadd.s32 $0xFFFFFE00  }
0x78: {  	[tilespmem:s23], [sflag:$0x1] =	stream.indirect.gather [hbm4b:s4+s21], $0x90, s3, s21, $0xb8;
	[tilespmem:$0x1FC00] =	vst v63  }
0x79: {  	_ = 	snop  }
0x7a: {  	[tilespmem:s19], [sflag:$0x2] =	stream.indirect.gather [hbm4b:s4+s21], $0x90, s21, s21, $0xb8;
	[tilespmem:$0x1FC00] =	vst v63  }
0x7b: {  	_ =	swait.ge [sflag:s24], $0x4800  }
0x7c: {  	[sflag:s24] =	ssyncset.done $0x0  }
0x7d: {  	[sflag:s24] =	ssyncadd.s32 $0xFFFFB800  }
0x7e: {  	[spmem:s1] =	stream.indirect.scatter.add.f32 [tilespmem:s23], [sflag:$0x3], $0x90, s22, s21, $0xb8;
	[tilespmem:$0x1FC00] =	vst v63  }
0x7f: {  	_ =	swait.ge [sflag:s25], $0x4800  }
0x80: {  	[sflag:s25] =	ssyncset.done $0x0  }
0x81: {  	[sflag:s25] =	ssyncadd.s32 $0xFFFFB800  }
0x82: {  	[tilespmem:s23], [sflag:$0x1] =	stream.indirect.gather [hbm4b:s4+s21], $0x90, s26, s21, $0xb8;
	[tilespmem:$0x1FC00] =	vst v63  }
0x83: {  	_ =	swait.ge [sflag:s28], $0x4800  }
0x84: {  	[sflag:s28] =	ssyncset.done $0x0  }
0x85: {  	[sflag:s28] =	ssyncadd.s32 $0xFFFFB800  }
0x86: {  	[spmem:s1] =	stream.indirect.scatter.add.f32 [tilespmem:s19], [sflag:$0x4], $0x90, s29, s21, $0xb8;
	[tilespmem:$0x1FC00] =	vst v63  }
0x87: {  	_ =	swait.ge [sflag:s30], $0x4800  }
0x88: {  	[sflag:s30] =	ssyncset.done $0x0  }
0x89: {  	[sflag:s30] =	ssyncadd.s32 $0xFFFFB800  }
0x8a: {  	[tilespmem:s19], [sflag:$0x2] =	stream.indirect.gather [hbm4b:s4+s21], $0x90, s31, s21, $0xb8;
	[tilespmem:$0x1FC00] =	vst v63  }
0x8b: {  	_ =	swait.ge [sflag:s24], $0x4800  }
0x8c: {  	[sflag:s24] =	ssyncset.done $0x0  }
0x8d: {  	[sflag:s24] =	ssyncadd.s32 $0xFFFFB800  }
0x8e: {  	[spmem:s1] =	stream.indirect.scatter.add.f32 [tilespmem:s23], [sflag:$0x3], $0x90, s0, s21, $0xb8;
	[tilespmem:$0x1FC00] =	vst v63  }
0x8f: {  	_ =	swait.ge [sflag:s28], $0x4800  }
0x90: {  	[sflag:s28] =	ssyncset.done $0x0  }
0x91: {  	[sflag:s28] =	ssyncadd.s32 $0xFFFFB800  }
0x92: {  	[spmem:s1] =	stream.indirect.scatter.add.f32 [tilespmem:s19], [sflag:$0x4], $0x90, s2, s21, $0xb8;
	[tilespmem:$0x1FC00] =	vst v63  }
.Ltmp0:
0x93: {  	_ =	swait.ge [sflag:s25], $0x4800;
	(pc) =	sbr.rel @p0 .LBB2_2-.Ltmp0, $4  }
0x94: {  	[sflag:s25] =	ssyncset.done $0x0  }
0x95: {  	[sflag:s25] =	ssyncadd.s32 $0xFFFFB800  }
0x96: {  	_ =	swait.ge [sflag:s30], $0x4800  }
0x97: {  	s12 =	smov.u32 s13;
	[sflag:s30] =	ssyncset.done $0x0  }
0x98: {  	s12 =	sadd.s32 s11, s18;
	[sflag:s30] =	ssyncadd.s32 $0xFFFFB800  }
0x99: {  	[tilespmem:s3], [sflag:$0x5] =	stream.linear.gather [hbm4b:s12+s3], $0x200, $0x38;
	[tilespmem:$0x1FC00] =	vst v63  }
0x9a: {  	_ =	swait.ge [sflag:s20], $0x200  }
0x9b: {  	[sflag:s20] =	ssyncset.done $0x0  }
0x9c: {  	s14 =	sadd.s32 s11, s17;
	[sflag:s20] =	ssyncadd.s32 $0xFFFFFE00  }
0x9d: {  	[tilespmem:s22], [sflag:$0x5] =	stream.linear.gather [hbm4b:s14+s3], $0x200, $0x38;
	[tilespmem:$0x1FC00] =	vst v63  }
0x9e: {  	_ =	swait.ge [sflag:s20], $0x200  }
0x9f: {  	[sflag:s20] =	ssyncset.done $0x0  }
0xa0: {  	[sflag:s20] =	ssyncadd.s32 $0xFFFFFE00  }
0xa1: {  	[tilespmem:s23], [sflag:$0x1] =	stream.indirect.gather [hbm4b:s4+s21], $0x90, s3, s21, $0xb8;
	[tilespmem:$0x1FC00] =	vst v63  }
0xa2: {  	_ = 	snop  }
0xa3: {  	[tilespmem:s19], [sflag:$0x2] =	stream.indirect.gather [hbm4b:s4+s21], $0x90, s21, s21, $0xb8;
	[tilespmem:$0x1FC00] =	vst v63  }
0xa4: {  	_ =	swait.ge [sflag:s24], $0x4800  }
0xa5: {  	[sflag:s24] =	ssyncset.done $0x0  }
0xa6: {  	[sflag:s24] =	ssyncadd.s32 $0xFFFFB800  }
0xa7: {  	[spmem:s1] =	stream.indirect.scatter.add.f32 [tilespmem:s23], [sflag:$0x3], $0x90, s22, s21, $0xb8;
	[tilespmem:$0x1FC00] =	vst v63  }
0xa8: {  	_ =	swait.ge [sflag:s25], $0x4800  }
0xa9: {  	[sflag:s25] =	ssyncset.done $0x0  }
0xaa: {  	[sflag:s25] =	ssyncadd.s32 $0xFFFFB800  }
0xab: {  	[tilespmem:s23], [sflag:$0x1] =	stream.indirect.gather [hbm4b:s4+s21], $0x90, s26, s21, $0xb8;
	[tilespmem:$0x1FC00] =	vst v63  }
0xac: {  	_ =	swait.ge [sflag:s28], $0x4800  }
0xad: {  	[sflag:s28] =	ssyncset.done $0x0  }
0xae: {  	[sflag:s28] =	ssyncadd.s32 $0xFFFFB800  }
0xaf: {  	[spmem:s1] =	stream.indirect.scatter.add.f32 [tilespmem:s19], [sflag:$0x4], $0x90, s29, s21, $0xb8;
	[tilespmem:$0x1FC00] =	vst v63  }
0xb0: {  	_ =	swait.ge [sflag:s30], $0x4800  }
0xb1: {  	[sflag:s30] =	ssyncset.done $0x0  }
0xb2: {  	[sflag:s30] =	ssyncadd.s32 $0xFFFFB800  }
0xb3: {  	[tilespmem:s19], [sflag:$0x2] =	stream.indirect.gather [hbm4b:s4+s21], $0x90, s31, s21, $0xb8;
	[tilespmem:$0x1FC00] =	vst v63  }
0xb4: {  	_ =	swait.ge [sflag:s24], $0x4800  }
0xb5: {  	[sflag:s24] =	ssyncset.done $0x0  }
0xb6: {  	[sflag:s24] =	ssyncadd.s32 $0xFFFFB800  }
0xb7: {  	[spmem:s1] =	stream.indirect.scatter.add.f32 [tilespmem:s23], [sflag:$0x3], $0x90, s0, s21, $0xb8;
	[tilespmem:$0x1FC00] =	vst v63  }
0xb8: {  	_ =	swait.ge [sflag:s28], $0x4800  }
0xb9: {  	[sflag:s28] =	ssyncset.done $0x0  }
0xba: {  	[sflag:s28] =	ssyncadd.s32 $0xFFFFB800  }
0xbb: {  	[spmem:s1] =	stream.indirect.scatter.add.f32 [tilespmem:s19], [sflag:$0x4], $0x90, s2, s21, $0xb8;
	[tilespmem:$0x1FC00] =	vst v63  }
0xbc: {  	_ =	swait.ge [sflag:s25], $0x4800  }
0xbd: {  	[sflag:s25] =	ssyncset.done $0x0  }
0xbe: {  	[sflag:s25] =	ssyncadd.s32 $0xFFFFB800  }
0xbf: {  	_ =	swait.ge [sflag:s30], $0x4800  }
0xc0: {  	[sflag:s30] =	ssyncset.done $0x0  }
0xc1: {  	[sflag:s30] =	ssyncadd.s32 $0xFFFFB800  }
0xc2: {  	[bflag:$0x0] =	sbarrier.arrive $0xFFFF  }
0xc3: {  	[tilespmem:s3], [sflag:$0x5] =	stream.linear.gather [hbm4b:s6+s3], $0x80, $0x38;
	[tilespmem:$0x1FC00] =	vst v63  }
0xc4: {  	_ =	swait.ge [sflag:s20], $0x80  }
0xc5: {  	[sflag:s20] =	ssyncset.done $0x0  }
0xc6: {  	[sflag:s20] =	ssyncadd.s32 $0xFFFFFF80  }
0xc7: {  	[tilespmem:s19], [sflag:$0x1] =	stream.indirect.gather [spmem:s1], $0x90, s3, s21, $0xb8;
	[tilespmem:$0x1FC00] =	vst v63  }
0xc8: {  	_ =	swait.ge [sflag:s24], $0x4800  }
0xc9: {  	[sflag:s24] =	ssyncset.done $0x0  }
0xca: {  	s15 =	rddreg [dreg:$0x5];
	[sflag:s24] =	ssyncadd.s32 $0xFFFFB800  }
0xcb: {  	[hbm4b:s15+s3] =	stream.linear.scatter [tilespmem:s19], [sflag:$0x5], $0x4800, $0x38;
	[tilespmem:$0x1FC00] =	vst v63  }
0xcc: {  	_ =	swait.ge [sflag:s20], $0x4800  }
0xcd: {  	[sflag:s20] =	ssyncset.done $0x0  }
0xce: {  	[sflag:s20] =	ssyncadd.s32 $0xFFFFB800  }
0xcf: {  	[tilespmem:s3], [sflag:$0x5] =	stream.linear.gather [hbm4b:s7+s3], $0x80, $0x38;
	[tilespmem:$0x1FC00] =	vst v63  }
0xd0: {  	_ =	swait.ge [sflag:s20], $0x80  }
0xd1: {  	[sflag:s20] =	ssyncset.done $0x0  }
0xd2: {  	[sflag:s20] =	ssyncadd.s32 $0xFFFFFF80  }
0xd3: {  	[tilespmem:s19], [sflag:$0x1] =	stream.indirect.gather [spmem:s1], $0x90, s3, s21, $0xb8;
	[tilespmem:$0x1FC00] =	vst v63  }
0xd4: {  	_ =	swait.ge [sflag:s24], $0x4800  }
0xd5: {  	[sflag:s24] =	ssyncset.done $0x0  }
0xd6: {  	s12 =	rddreg [dreg:$0x6];
	[sflag:s24] =	ssyncadd.s32 $0xFFFFB800  }
0xd7: {  	[hbm4b:s12+s3] =	stream.linear.scatter [tilespmem:s19], [sflag:$0x5], $0x4800, $0x38;
	[tilespmem:$0x1FC00] =	vst v63  }
0xd8: {  	_ =	swait.ge [sflag:s20], $0x4800  }
0xd9: {  	[sflag:s20] =	ssyncset.done $0x0  }
0xda: {  	[sflag:s20] =	ssyncadd.s32 $0xFFFFB800  }
0xdb: {  	[tilespmem:s3], [sflag:$0x5] =	stream.linear.gather [hbm4b:s8+s3], $0x80, $0x38;
	[tilespmem:$0x1FC00] =	vst v63  }
0xdc: {  	_ =	swait.ge [sflag:s20], $0x80  }
0xdd: {  	[sflag:s20] =	ssyncset.done $0x0  }
0xde: {  	[sflag:s20] =	ssyncadd.s32 $0xFFFFFF80  }
0xdf: {  	[tilespmem:s19], [sflag:$0x1] =	stream.indirect.gather [spmem:s1], $0x90, s3, s21, $0xb8;
	[tilespmem:$0x1FC00] =	vst v63  }
0xe0: {  	_ =	swait.ge [sflag:s24], $0x4800  }
0xe1: {  	[sflag:s24] =	ssyncset.done $0x0  }
0xe2: {  	s13 =	rddreg [dreg:$0x7];
	[sflag:s24] =	ssyncadd.s32 $0xFFFFB800  }
0xe3: {  	[hbm4b:s13+s3] =	stream.linear.scatter [tilespmem:s19], [sflag:$0x5], $0x4800, $0x38;
	[tilespmem:$0x1FC00] =	vst v63  }
0xe4: {  	_ =	swait.ge [sflag:s20], $0x4800  }
0xe5: {  	[sflag:s20] =	ssyncset.done $0x0  }
0xe6: {  	[sflag:s20] =	ssyncadd.s32 $0xFFFFB800  }
0xe7: {  	[tilespmem:s3], [sflag:$0x5] =	stream.linear.gather [hbm4b:s9+s3], $0x80, $0x38;
	[tilespmem:$0x1FC00] =	vst v63  }
0xe8: {  	_ =	swait.ge [sflag:s20], $0x80  }
0xe9: {  	[sflag:s20] =	ssyncset.done $0x0  }
0xea: {  	[sflag:s20] =	ssyncadd.s32 $0xFFFFFF80  }
0xeb: {  	[tilespmem:s19], [sflag:$0x1] =	stream.indirect.gather [spmem:s1], $0x90, s3, s21, $0xb8;
	[tilespmem:$0x1FC00] =	vst v63  }
0xec: {  	_ =	swait.ge [sflag:s24], $0x4800  }
0xed: {  	[sflag:s24] =	ssyncset.done $0x0  }
0xee: {  	s14 =	rddreg [dreg:$0x8];
	[sflag:s24] =	ssyncadd.s32 $0xFFFFB800  }
0xef: {  	[hbm4b:s14+s3] =	stream.linear.scatter [tilespmem:s19], [sflag:$0x5], $0x4800, $0x38;
	[tilespmem:$0x1FC00] =	vst v63  }
0xf0: {  	_ =	swait.ge [sflag:s20], $0x4800  }
0xf1: {  	[sflag:s20] =	ssyncset.done $0x0  }
0xf2: {  	[sflag:s20] =	ssyncadd.s32 $0xFFFFB800  }
0xf3: {  	[tilespmem:s3], [sflag:$0x5] =	stream.linear.gather [hbm4b:s10+s3], $0x80, $0x38;
	[tilespmem:$0x1FC00] =	vst v63  }
0xf4: {  	_ =	swait.ge [sflag:s20], $0x80  }
0xf5: {  	[sflag:s20] =	ssyncset.done $0x0  }
0xf6: {  	[sflag:s20] =	ssyncadd.s32 $0xFFFFFF80  }
0xf7: {  	[tilespmem:s19], [sflag:$0x1] =	stream.indirect.gather [spmem:s1], $0x90, s3, s21, $0xb8;
	[tilespmem:$0x1FC00] =	vst v63  }
0xf8: {  	s5 =	sadd.s32 $0x1, s5;
	_ =	swait.ge [sflag:s24], $0x4800  }
0xf9: {  	p0 =	sne.s32 s5, s16;
	[sflag:s24] =	ssyncset.done $0x0  }
.Ltmp1:
0xfa: {  	s15 =	rddreg [dreg:$0x9];
	[sflag:s24] =	ssyncadd.s32 $0xFFFFB800;
	(pc) =	sbr.rel @p0 .LBB2_1-.Ltmp1, $4  }
0xfb: {  	[hbm4b:s15+s3] =	stream.linear.scatter [tilespmem:s19], [sflag:$0x5], $0x4800, $0x38;
	[tilespmem:$0x1FC00] =	vst v63  }
0xfc: {  	_ =	swait.ge [sflag:s20], $0x4800  }
0xfd: {  	[sflag:s20] =	ssyncset.done $0x0  }
0xfe: {  	[sflag:s20] =	ssyncadd.s32 $0xFFFFB800  }
0xff: {  	_ =	sfence.sel $0x180000  }
0x100: {  	[bflag:$0x0] =	sbarrier.arrive $0xFFFF  }
0x101: {  	_ =	strace $0x9000004A  }
0x102: {  	s0 =	stileid.u32;
	[bflag:$0x2] =	sbarrier.arrive $0xFFFF  }
0x103: {  	p0 =	sne.s32 s0, $0x0;
	s0 =	rddreg [dreg:$0x3]  }
0x104: {  	s0 =	sadd.s32 @!p0 $0x100000, s0  }
0x105: {  	[sflag:s0] =	ssyncadd.tile.s32 @!p0 $0x1;
	_ =	shalt  }
.Lfunc_end2:
_tile_overlayer_lowered:
.L_overlay_start_2:
0x106: {  	(tag) =	ssettag $0x2  }
0x107: {  	s0 =	rddreg [dreg:$0x0];
	s2 =	stileid.u32  }
0x108: {  	s1 =	rddreg [dreg:$0x1];
	p0 =	sne.s32 s2, $0x0  }
0x109: {  	s3 =	rddreg [dreg:$0x2];
	[bflag:$0x3] =	sbarrier.arrive $0xFFFF;
	s2 =	simm.s32 @!p0 $0x1C05  }
0x10a: {  	[timem:s3], [sflag:s2] =	dma.local @!p0 [hbm:s0], s1  }
0x10b: {  	s0 =	simm.s32 @!p0 $0x5  }
0x10c: {  	_ =	swait.ge @!p0 [sflag:s0], s1  }
0x10d: {  	s1 =	ssub.s32 @!p0 $0x0, s1;
	[sflag:s0] =	ssyncset.done @!p0 $0x0  }
0x10e: {  	[sflag:s0] =	ssyncadd.s32 @!p0 s1  }
0x10f: {  	[bflag:$0x3] =	sbarrier.arrive $0xFFFF  }
0x110: {  	_ =	shalt  }

</sc_bundles>
